<compile_context>
chip_gen: v7x
topology: tpu7x:2x2x1
jax: 0.10.2.dev20260603
libtpu: 0.0.44.dev20260713+nightly
codegen_flags: <defaults>
</compile_context>

<pallas_src>
import functools

import jax
import jax.numpy as jnp
from jax import lax
from jax.experimental import pallas as pl
from jax.experimental.pallas import tpu as pltpu
from jax.experimental.pallas import tpu_sc as plsc

B, D = 16384, 128
NC, NS, L = 2, 16, 16
NW = NC * NS
B_SC = 2048
RPW = B_SC // NW
GRP = RPW // L
B_TC = B - B_SC
BLK = 3584
MARGIN = 1.0
EPS = 1e-6


def _sqrt16(x):
    i = plsc.bitcast(x, jnp.int32)
    y = plsc.bitcast(jnp.int32(0x5F3759DF) - (i >> 1), jnp.float32)
    for _ in range(3):
        y = y * (1.5 - 0.5 * x * y * y)
    return jnp.where(x > 0.0, x * y, 0.0)


@functools.partial(
    pl.kernel,
    out_type=jax.ShapeDtypeStruct((NW, L), jnp.float32),
    mesh=plsc.VectorSubcoreMesh(core_axis_name="c", subcore_axis_name="s"),
    compiler_params=pltpu.CompilerParams(needs_layout_passes=False),
    scratch_types=[
        pltpu.VMEM((RPW * D,), jnp.float32),
        pltpu.VMEM((RPW * D,), jnp.float32),
        pltpu.VMEM((RPW * D,), jnp.float32),
        pltpu.VMEM((L,), jnp.float32),
    ],
)
def _sc_partials(a_hbm, p_hbm, n_hbm, out_hbm, a_v, p_v, n_v, l_v):
    wid = lax.axis_index("s") * NC + lax.axis_index("c")
    e0 = (B_TC + wid * RPW) * D
    pltpu.sync_copy(a_hbm.at[pl.ds(e0, RPW * D)], a_v)
    pltpu.sync_copy(p_hbm.at[pl.ds(e0, RPW * D)], p_v)
    pltpu.sync_copy(n_hbm.at[pl.ds(e0, RPW * D)], n_v)

    def group_body(g, acc):
        lane = lax.iota(jnp.int32, L)
        rows = (g * L + lane) * D
        rl = rows + lane
        ap = [jnp.zeros((L,), jnp.float32) for _ in range(4)]
        an = [jnp.zeros((L,), jnp.float32) for _ in range(4)]
        for c16 in range(D):
            if c16 <= D - L:
                idx = rl + c16
            else:
                wrap = jnp.where(lane >= D - c16, D, 0)
                idx = rl + c16 - wrap
            av = plsc.load_gather(a_v, [idx])
            pv = plsc.load_gather(p_v, [idx])
            nv = plsc.load_gather(n_v, [idx])
            k = c16 & 3
            ave = av + EPS
            t1 = ave - pv
            ap[k] = ap[k] + t1 * t1
            t2 = ave - nv
            an[k] = an[k] + t2 * t2
        d_ap = _sqrt16((ap[0] + ap[1]) + (ap[2] + ap[3]))
        d_an = _sqrt16((an[0] + an[1]) + (an[2] + an[3]))
        return acc + jnp.maximum(d_ap - d_an + MARGIN, 0.0)

    lacc = lax.fori_loop(0, GRP, group_body, jnp.zeros((L,), jnp.float32))
    l_v[...] = lacc
    pltpu.sync_copy(l_v, out_hbm.at[wid])


def _tc_body(a_ref, p_ref, n_ref, out_ref):
    pid = pl.program_id(0)
    a = a_ref[...]
    t1 = a - p_ref[...] + EPS
    t2 = a - n_ref[...] + EPS
    ones = jnp.ones((D, 8), jnp.float32)
    ap = jax.lax.dot_general(t1 * t1, ones, (((1,), (0,)), ((), ())))
    an = jax.lax.dot_general(t2 * t2, ones, (((1,), (0,)), ((), ())))
    h = jnp.maximum(jnp.sqrt(ap) - jnp.sqrt(an) + MARGIN, 0.0)
    s = (jnp.sum(h) * 0.125).reshape(1, 1)

    @pl.when(pid == 0)
    def _():
        out_ref[...] = s

    @pl.when(pid != 0)
    def _():
        out_ref[...] += s


_tc_partial = pl.pallas_call(
    _tc_body,
    grid=(B_TC // BLK,),
    in_specs=[
        pl.BlockSpec((BLK, D), lambda i: (i, 0)),
        pl.BlockSpec((BLK, D), lambda i: (i, 0)),
        pl.BlockSpec((BLK, D), lambda i: (i, 0)),
    ],
    out_specs=pl.BlockSpec((1, 1), lambda i: (0, 0)),
    out_shape=jax.ShapeDtypeStruct((1, 1), jnp.float32),
)


def kernel(anchor, positive, negative, anchor_label, positive_label,
           negative_label, eval_mode):
    tc_part = _tc_partial(anchor, positive, negative)
    sc_part = _sc_partials(
        anchor.reshape(-1), positive.reshape(-1), negative.reshape(-1)
    )
    loss = (jnp.sum(sc_part) + tc_part[0, 0]) * (1.0 / B)
    return jnp.nan_to_num(loss, nan=0.0)

# --- scband reference (transcript-rebuilt; emitter-appended) ---
"""Pipeline reference for scband-triplet-loss-with-margin-33062658245028 (READ-ONLY COPY).

The authoritative reference and input builder live on the scoring server;
editing this copy changes nothing except your own understanding.
"""

import jax, jax.numpy as jnp
import numpy as np

MARGIN = 1.0
EPS = 1e-6


def setup_inputs(seed: int = 0) -> dict:
    key = jax.random.key(seed)
    k1, k2, k3, k4, k5, k6 = jax.random.split(key, 6)
    B, D = 16384, 128
    anchor = jax.random.normal(k1, (B, D), dtype=jnp.float32)
    positive = jax.random.normal(k2, (B, D), dtype=jnp.float32)
    negative = jax.random.normal(k3, (B, D), dtype=jnp.float32)
    anchor_label = jax.random.randint(k4, (B,), 0, 1000, dtype=jnp.int64) if jax.config.read('jax_enable_x64') else jax.random.randint(k4, (B,), 0, 1000, dtype=jnp.int32)
    positive_label = jax.random.randint(k5, (B,), 0, 1000, dtype=anchor_label.dtype)
    negative_label = jax.random.randint(k6, (B,), 0, 1000, dtype=anchor_label.dtype)
    return {
        'anchor': anchor,
        'positive': positive,
        'negative': negative,
        'anchor_label': anchor_label,
        'positive_label': positive_label,
        'negative_label': negative_label,
        'eval_mode': 1,
    }


def _pairwise_distance(x1, x2, p=2.0, eps=EPS):
    # matches torch.nn.functional.pairwise_distance: ||x1 - x2 + eps||_p along last dim
    diff = x1 - x2 + eps
    return jnp.power(jnp.sum(jnp.power(jnp.abs(diff), p), axis=-1), 1.0 / p)


def reference(anchor, positive, negative, anchor_label, positive_label, negative_label, eval_mode):
    # eval_mode=True path: no triplet mining, plain TripletMarginLoss(margin=1.0, p=2, reduction='mean')
    d_ap = _pairwise_distance(anchor, positive)
    d_an = _pairwise_distance(anchor, negative)
    loss = jnp.mean(jnp.maximum(d_ap - d_an + MARGIN, 0.0))
    loss = jnp.nan_to_num(loss, nan=0.0)
    return loss

if __name__ == "__main__":
    import jax
    _d = setup_inputs()
    print(jax.jit(kernel)(*tuple(_d.values())))

</pallas_src>

<mosaic_0001>
#map = affine_map<(d0, d1) -> (0)>
#map1 = affine_map<(d0, d1) -> (0, 0)>
module attributes {stable_mosaic.version = 14 : i64} {
  func.func @_sc_partials(%arg0: i32, %arg1: i32, %arg2: memref<2097152xf32, #tpu.memory_space<hbm>>, %arg3: memref<2097152xf32, #tpu.memory_space<hbm>>, %arg4: memref<2097152xf32, #tpu.memory_space<hbm>>, %arg5: memref<32x16xf32, #tpu.memory_space<hbm>>, %arg6: memref<8192xf32, #tpu.memory_space<vmem>>, %arg7: memref<8192xf32, #tpu.memory_space<vmem>>, %arg8: memref<8192xf32, #tpu.memory_space<vmem>>, %arg9: memref<16xf32, #tpu.memory_space<vmem>>) attributes {dimension_semantics = [#tpu.dimension_semantics<core_parallel>, #tpu.dimension_semantics<subcore_parallel>], iteration_bounds = array<i64: 2, 16>, scalar_prefetch = 0 : i64, scratch_operands = 4 : i64, tpu.core_type = #tpu.core_type<sc_vector_subcore>, window_params = [{transform_indices = #map}, {transform_indices = #map}, {transform_indices = #map}, {transform_indices = #map1}]} {
    %mul3A = arith.constant 2 : i32
    %mul3A_0 = arith.muli %arg1, %mul3A : i32
    %add3A = arith.addi %mul3A_0, %arg0 : i32
    %mul3A_1 = arith.constant 64 : i32
    %mul3A_2 = arith.muli %add3A, %mul3A_1 : i32
    %add3A_3 = arith.constant 14336 : i32
    %add3A_4 = arith.addi %add3A_3, %mul3A_2 : i32
    %mul3A_5 = arith.constant 128 : i32
    %mul3A_6 = arith.muli %add3A_4, %mul3A_5 : i32
    "tpu.region"() ({
      %run_scoped3A = tpu.sem_alloc : memref<!tpu.dma_semaphore, #tpu.memory_space<semaphore_mem>>
      %dma_start3A = tpu.memref_slice %arg2[%mul3A_6] : memref<2097152xf32, #tpu.memory_space<hbm>> -> memref<8192xf32, #tpu.memory_space<hbm>>
      %dma_start3A_14 = tpu.memref_slice %arg2[%mul3A_6] : memref<2097152xf32, #tpu.memory_space<hbm>> -> memref<8192xf32, #tpu.memory_space<hbm>>
      tpu.enqueue_dma source(%dma_start3A_14 : memref<8192xf32, #tpu.memory_space<hbm>>) target(%arg6 : memref<8192xf32, #tpu.memory_space<vmem>>) target_semaphore(%run_scoped3A : memref<!tpu.dma_semaphore, #tpu.memory_space<semaphore_mem>>)
      %dma_wait3A = tpu.memref_slice %arg2[%mul3A_6] : memref<2097152xf32, #tpu.memory_space<hbm>> -> memref<8192xf32, #tpu.memory_space<hbm>>
      %dma_wait3A_15 = tpu.memref_slice %arg2[%mul3A_6] : memref<2097152xf32, #tpu.memory_space<hbm>> -> memref<8192xf32, #tpu.memory_space<hbm>>
      tpu.wait_dma2 semaphore(%run_scoped3A : memref<!tpu.dma_semaphore, #tpu.memory_space<semaphore_mem>>) src(%dma_wait3A_15 : memref<8192xf32, #tpu.memory_space<hbm>>) dst(%arg6 : memref<8192xf32, #tpu.memory_space<vmem>>)
      tpu.yield
    }) : () -> ()
    "tpu.region"() ({
      %run_scoped3A = tpu.sem_alloc : memref<!tpu.dma_semaphore, #tpu.memory_space<semaphore_mem>>
      %dma_start3A = tpu.memref_slice %arg3[%mul3A_6] : memref<2097152xf32, #tpu.memory_space<hbm>> -> memref<8192xf32, #tpu.memory_space<hbm>>
      %dma_start3A_14 = tpu.memref_slice %arg3[%mul3A_6] : memref<2097152xf32, #tpu.memory_space<hbm>> -> memref<8192xf32, #tpu.memory_space<hbm>>
      tpu.enqueue_dma source(%dma_start3A_14 : memref<8192xf32, #tpu.memory_space<hbm>>) target(%arg7 : memref<8192xf32, #tpu.memory_space<vmem>>) target_semaphore(%run_scoped3A : memref<!tpu.dma_semaphore, #tpu.memory_space<semaphore_mem>>)
      %dma_wait3A = tpu.memref_slice %arg3[%mul3A_6] : memref<2097152xf32, #tpu.memory_space<hbm>> -> memref<8192xf32, #tpu.memory_space<hbm>>
      %dma_wait3A_15 = tpu.memref_slice %arg3[%mul3A_6] : memref<2097152xf32, #tpu.memory_space<hbm>> -> memref<8192xf32, #tpu.memory_space<hbm>>
      tpu.wait_dma2 semaphore(%run_scoped3A : memref<!tpu.dma_semaphore, #tpu.memory_space<semaphore_mem>>) src(%dma_wait3A_15 : memref<8192xf32, #tpu.memory_space<hbm>>) dst(%arg7 : memref<8192xf32, #tpu.memory_space<vmem>>)
      tpu.yield
    }) : () -> ()
    "tpu.region"() ({
      %run_scoped3A = tpu.sem_alloc : memref<!tpu.dma_semaphore, #tpu.memory_space<semaphore_mem>>
      %dma_start3A = tpu.memref_slice %arg4[%mul3A_6] : memref<2097152xf32, #tpu.memory_space<hbm>> -> memref<8192xf32, #tpu.memory_space<hbm>>
      %dma_start3A_14 = tpu.memref_slice %arg4[%mul3A_6] : memref<2097152xf32, #tpu.memory_space<hbm>> -> memref<8192xf32, #tpu.memory_space<hbm>>
      tpu.enqueue_dma source(%dma_start3A_14 : memref<8192xf32, #tpu.memory_space<hbm>>) target(%arg8 : memref<8192xf32, #tpu.memory_space<vmem>>) target_semaphore(%run_scoped3A : memref<!tpu.dma_semaphore, #tpu.memory_space<semaphore_mem>>)
      %dma_wait3A = tpu.memref_slice %arg4[%mul3A_6] : memref<2097152xf32, #tpu.memory_space<hbm>> -> memref<8192xf32, #tpu.memory_space<hbm>>
      %dma_wait3A_15 = tpu.memref_slice %arg4[%mul3A_6] : memref<2097152xf32, #tpu.memory_space<hbm>> -> memref<8192xf32, #tpu.memory_space<hbm>>
      tpu.wait_dma2 semaphore(%run_scoped3A : memref<!tpu.dma_semaphore, #tpu.memory_space<semaphore_mem>>) src(%dma_wait3A_15 : memref<8192xf32, #tpu.memory_space<hbm>>) dst(%arg8 : memref<8192xf32, #tpu.memory_space<vmem>>)
      tpu.yield
    }) : () -> ()
    %broadcast_in_dim3A = arith.constant 0.000000e+00 : f32
    %broadcast_in_dim3A_7 = vector.broadcast %broadcast_in_dim3A : f32 to vector<16xf32>
    %scan3A = arith.constant 0 : i32
    %scan3A_8 = arith.constant 4 : i32
    %scan3A_9 = arith.addi %scan3A, %scan3A_8 : i32
    %scan3A_10 = arith.constant 1 : i32
    %scan3A_11 = scf.for %scan3A_14 = %scan3A to %scan3A_9 step %scan3A_10 iter_args(%scan3A_15 = %broadcast_in_dim3A_7) -> (vector<16xf32>)  : i32 {
      %iota3A = tpu.iota {dimensions = array<i32: 0>} : vector<16xi32>
      %mul3A_16 = arith.constant 16 : i32
      %mul3A_17 = arith.muli %scan3A_14, %mul3A_16 : i32
      %add3A_18 = vector.broadcast %mul3A_17 : i32 to vector<16xi32>
      %add3A_19 = arith.addi %add3A_18, %iota3A : vector<16xi32>
      %mul3A_20 = arith.constant 128 : i32
      %mul3A_21 = vector.broadcast %mul3A_20 : i32 to vector<16xi32>
      %mul3A_22 = arith.muli %add3A_19, %mul3A_21 : vector<16xi32>
      %add3A_23 = arith.addi %mul3A_22, %iota3A : vector<16xi32>
      %broadcast_in_dim3A_24 = arith.constant 0.000000e+00 : f32
      %broadcast_in_dim3A_25 = vector.broadcast %broadcast_in_dim3A_24 : f32 to vector<16xf32>
      %broadcast_in_dim3A_26 = arith.constant 0.000000e+00 : f32
      %broadcast_in_dim3A_27 = vector.broadcast %broadcast_in_dim3A_26 : f32 to vector<16xf32>
      %broadcast_in_dim3A_28 = arith.constant 0.000000e+00 : f32
      %broadcast_in_dim3A_29 = vector.broadcast %broadcast_in_dim3A_28 : f32 to vector<16xf32>
      %broadcast_in_dim3A_30 = arith.constant 0.000000e+00 : f32
      %broadcast_in_dim3A_31 = vector.broadcast %broadcast_in_dim3A_30 : f32 to vector<16xf32>
      %broadcast_in_dim3A_32 = arith.constant 0.000000e+00 : f32
      %broadcast_in_dim3A_33 = vector.broadcast %broadcast_in_dim3A_32 : f32 to vector<16xf32>
      %broadcast_in_dim3A_34 = arith.constant 0.000000e+00 : f32
      %broadcast_in_dim3A_35 = vector.broadcast %broadcast_in_dim3A_34 : f32 to vector<16xf32>
      %broadcast_in_dim3A_36 = arith.constant 0.000000e+00 : f32
      %broadcast_in_dim3A_37 = vector.broadcast %broadcast_in_dim3A_36 : f32 to vector<16xf32>
      %broadcast_in_dim3A_38 = arith.constant 0.000000e+00 : f32
      %broadcast_in_dim3A_39 = vector.broadcast %broadcast_in_dim3A_38 : f32 to vector<16xf32>
      %add3A_40 = arith.constant 0 : i32
      %add3A_41 = vector.broadcast %add3A_40 : i32 to vector<16xi32>
      %add3A_42 = arith.addi %add3A_23, %add3A_41 : vector<16xi32>
      %gather3A = tpu.vector_load_idx %arg6[%add3A_42] : memref<8192xf32, #tpu.memory_space<vmem>>[vector<16xi32>], vector<16xf32>,
      %gather3A_43 = tpu.vector_load_idx %arg7[%add3A_42] : memref<8192xf32, #tpu.memory_space<vmem>>[vector<16xi32>], vector<16xf32>,
      %gather3A_44 = tpu.vector_load_idx %arg8[%add3A_42] : memref<8192xf32, #tpu.memory_space<vmem>>[vector<16xi32>], vector<16xf32>,
      %add3A_45 = arith.constant 9.99999997E-7 : f32
      %add3A_46 = vector.broadcast %add3A_45 : f32 to vector<16xf32>
      %add3A_47 = arith.addf %gather3A, %add3A_46 : vector<16xf32>
      %sub3A = arith.subf %add3A_47, %gather3A_43 : vector<16xf32>
      %mul3A_48 = arith.mulf %sub3A, %sub3A : vector<16xf32>
      %add3A_49 = arith.addf %broadcast_in_dim3A_25, %mul3A_48 : vector<16xf32>
      %sub3A_50 = arith.subf %add3A_47, %gather3A_44 : vector<16xf32>
      %mul3A_51 = arith.mulf %sub3A_50, %sub3A_50 : vector<16xf32>
      %add3A_52 = arith.addf %broadcast_in_dim3A_33, %mul3A_51 : vector<16xf32>
      %add3A_53 = arith.constant 1 : i32
      %add3A_54 = vector.broadcast %add3A_53 : i32 to vector<16xi32>
      %add3A_55 = arith.addi %add3A_23, %add3A_54 : vector<16xi32>
      %gather3A_56 = tpu.vector_load_idx %arg6[%add3A_55] : memref<8192xf32, #tpu.memory_space<vmem>>[vector<16xi32>], vector<16xf32>,
      %gather3A_57 = tpu.vector_load_idx %arg7[%add3A_55] : memref<8192xf32, #tpu.memory_space<vmem>>[vector<16xi32>], vector<16xf32>,
      %gather3A_58 = tpu.vector_load_idx %arg8[%add3A_55] : memref<8192xf32, #tpu.memory_space<vmem>>[vector<16xi32>], vector<16xf32>,
      %add3A_59 = arith.constant 9.99999997E-7 : f32
      %add3A_60 = vector.broadcast %add3A_59 : f32 to vector<16xf32>
      %add3A_61 = arith.addf %gather3A_56, %add3A_60 : vector<16xf32>
      %sub3A_62 = arith.subf %add3A_61, %gather3A_57 : vector<16xf32>
      %mul3A_63 = arith.mulf %sub3A_62, %sub3A_62 : vector<16xf32>
      %add3A_64 = arith.addf %broadcast_in_dim3A_27, %mul3A_63 : vector<16xf32>
      %sub3A_65 = arith.subf %add3A_61, %gather3A_58 : vector<16xf32>
      %mul3A_66 = arith.mulf %sub3A_65, %sub3A_65 : vector<16xf32>
      %add3A_67 = arith.addf %broadcast_in_dim3A_35, %mul3A_66 : vector<16xf32>
      %add3A_68 = arith.constant 2 : i32
      %add3A_69 = vector.broadcast %add3A_68 : i32 to vector<16xi32>
      %add3A_70 = arith.addi %add3A_23, %add3A_69 : vector<16xi32>
      %gather3A_71 = tpu.vector_load_idx %arg6[%add3A_70] : memref<8192xf32, #tpu.memory_space<vmem>>[vector<16xi32>], vector<16xf32>,
      %gather3A_72 = tpu.vector_load_idx %arg7[%add3A_70] : memref<8192xf32, #tpu.memory_space<vmem>>[vector<16xi32>], vector<16xf32>,
      %gather3A_73 = tpu.vector_load_idx %arg8[%add3A_70] : memref<8192xf32, #tpu.memory_space<vmem>>[vector<16xi32>], vector<16xf32>,
      %add3A_74 = arith.constant 9.99999997E-7 : f32
      %add3A_75 = vector.broadcast %add3A_74 : f32 to vector<16xf32>
      %add3A_76 = arith.addf %gather3A_71, %add3A_75 : vector<16xf32>
      %sub3A_77 = arith.subf %add3A_76, %gather3A_72 : vector<16xf32>
      %mul3A_78 = arith.mulf %sub3A_77, %sub3A_77 : vector<16xf32>
      %add3A_79 = arith.addf %broadcast_in_dim3A_29, %mul3A_78 : vector<16xf32>
      %sub3A_80 = arith.subf %add3A_76, %gather3A_73 : vector<16xf32>
      %mul3A_81 = arith.mulf %sub3A_80, %sub3A_80 : vector<16xf32>
      %add3A_82 = arith.addf %broadcast_in_dim3A_37, %mul3A_81 : vector<16xf32>
      %add3A_83 = arith.constant 3 : i32
      %add3A_84 = vector.broadcast %add3A_83 : i32 to vector<16xi32>
      %add3A_85 = arith.addi %add3A_23, %add3A_84 : vector<16xi32>
      %gather3A_86 = tpu.vector_load_idx %arg6[%add3A_85] : memref<8192xf32, #tpu.memory_space<vmem>>[vector<16xi32>], vector<16xf32>,
      %gather3A_87 = tpu.vector_load_idx %arg7[%add3A_85] : memref<8192xf32, #tpu.memory_space<vmem>>[vector<16xi32>], vector<16xf32>,
      %gather3A_88 = tpu.vector_load_idx %arg8[%add3A_85] : memref<8192xf32, #tpu.memory_space<vmem>>[vector<16xi32>], vector<16xf32>,
      %add3A_89 = arith.constant 9.99999997E-7 : f32
      %add3A_90 = vector.broadcast %add3A_89 : f32 to vector<16xf32>
      %add3A_91 = arith.addf %gather3A_86, %add3A_90 : vector<16xf32>
      %sub3A_92 = arith.subf %add3A_91, %gather3A_87 : vector<16xf32>
      %mul3A_93 = arith.mulf %sub3A_92, %sub3A_92 : vector<16xf32>
      %add3A_94 = arith.addf %broadcast_in_dim3A_31, %mul3A_93 : vector<16xf32>
      %sub3A_95 = arith.subf %add3A_91, %gather3A_88 : vector<16xf32>
      %mul3A_96 = arith.mulf %sub3A_95, %sub3A_95 : vector<16xf32>
      %add3A_97 = arith.addf %broadcast_in_dim3A_39, %mul3A_96 : vector<16xf32>
      %add3A_98 = arith.constant 4 : i32
      %add3A_99 = vector.broadcast %add3A_98 : i32 to vector<16xi32>
      %add3A_100 = arith.addi %add3A_23, %add3A_99 : vector<16xi32>
      %gather3A_101 = tpu.vector_load_idx %arg6[%add3A_100] : memref<8192xf32, #tpu.memory_space<vmem>>[vector<16xi32>], vector<16xf32>,
      %gather3A_102 = tpu.vector_load_idx %arg7[%add3A_100] : memref<8192xf32, #tpu.memory_space<vmem>>[vector<16xi32>], vector<16xf32>,
      %gather3A_103 = tpu.vector_load_idx %arg8[%add3A_100] : memref<8192xf32, #tpu.memory_space<vmem>>[vector<16xi32>], vector<16xf32>,
      %add3A_104 = arith.constant 9.99999997E-7 : f32
      %add3A_105 = vector.broadcast %add3A_104 : f32 to vector<16xf32>
      %add3A_106 = arith.addf %gather3A_101, %add3A_105 : vector<16xf32>
      %sub3A_107 = arith.subf %add3A_106, %gather3A_102 : vector<16xf32>
      %mul3A_108 = arith.mulf %sub3A_107, %sub3A_107 : vector<16xf32>
      %add3A_109 = arith.addf %add3A_49, %mul3A_108 : vector<16xf32>
      %sub3A_110 = arith.subf %add3A_106, %gather3A_103 : vector<16xf32>
      %mul3A_111 = arith.mulf %sub3A_110, %sub3A_110 : vector<16xf32>
      %add3A_112 = arith.addf %add3A_52, %mul3A_111 : vector<16xf32>
      %add3A_113 = arith.constant 5 : i32
      %add3A_114 = vector.broadcast %add3A_113 : i32 to vector<16xi32>
      %add3A_115 = arith.addi %add3A_23, %add3A_114 : vector<16xi32>
      %gather3A_116 = tpu.vector_load_idx %arg6[%add3A_115] : memref<8192xf32, #tpu.memory_space<vmem>>[vector<16xi32>], vector<16xf32>,
      %gather3A_117 = tpu.vector_load_idx %arg7[%add3A_115] : memref<8192xf32, #tpu.memory_space<vmem>>[vector<16xi32>], vector<16xf32>,
      %gather3A_118 = tpu.vector_load_idx %arg8[%add3A_115] : memref<8192xf32, #tpu.memory_space<vmem>>[vector<16xi32>], vector<16xf32>,
      %add3A_119 = arith.constant 9.99999997E-7 : f32
      %add3A_120 = vector.broadcast %add3A_119 : f32 to vector<16xf32>
      %add3A_121 = arith.addf %gather3A_116, %add3A_120 : vector<16xf32>
      %sub3A_122 = arith.subf %add3A_121, %gather3A_117 : vector<16xf32>
      %mul3A_123 = arith.mulf %sub3A_122, %sub3A_122 : vector<16xf32>
      %add3A_124 = arith.addf %add3A_64, %mul3A_123 : vector<16xf32>
      %sub3A_125 = arith.subf %add3A_121, %gather3A_118 : vector<16xf32>
      %mul3A_126 = arith.mulf %sub3A_125, %sub3A_125 : vector<16xf32>
      %add3A_127 = arith.addf %add3A_67, %mul3A_126 : vector<16xf32>
      %add3A_128 = arith.constant 6 : i32
      %add3A_129 = vector.broadcast %add3A_128 : i32 to vector<16xi32>
      %add3A_130 = arith.addi %add3A_23, %add3A_129 : vector<16xi32>
      %gather3A_131 = tpu.vector_load_idx %arg6[%add3A_130] : memref<8192xf32, #tpu.memory_space<vmem>>[vector<16xi32>], vector<16xf32>,
      %gather3A_132 = tpu.vector_load_idx %arg7[%add3A_130] : memref<8192xf32, #tpu.memory_space<vmem>>[vector<16xi32>], vector<16xf32>,
      %gather3A_133 = tpu.vector_load_idx %arg8[%add3A_130] : memref<8192xf32, #tpu.memory_space<vmem>>[vector<16xi32>], vector<16xf32>,
      %add3A_134 = arith.constant 9.99999997E-7 : f32
      %add3A_135 = vector.broadcast %add3A_134 : f32 to vector<16xf32>
      %add3A_136 = arith.addf %gather3A_131, %add3A_135 : vector<16xf32>
      %sub3A_137 = arith.subf %add3A_136, %gather3A_132 : vector<16xf32>
      %mul3A_138 = arith.mulf %sub3A_137, %sub3A_137 : vector<16xf32>
      %add3A_139 = arith.addf %add3A_79, %mul3A_138 : vector<16xf32>
      %sub3A_140 = arith.subf %add3A_136, %gather3A_133 : vector<16xf32>
      %mul3A_141 = arith.mulf %sub3A_140, %sub3A_140 : vector<16xf32>
      %add3A_142 = arith.addf %add3A_82, %mul3A_141 : vector<16xf32>
      %add3A_143 = arith.constant 7 : i32
      %add3A_144 = vector.broadcast %add3A_143 : i32 to vector<16xi32>
      %add3A_145 = arith.addi %add3A_23, %add3A_144 : vector<16xi32>
      %gather3A_146 = tpu.vector_load_idx %arg6[%add3A_145] : memref<8192xf32, #tpu.memory_space<vmem>>[vector<16xi32>], vector<16xf32>,
      %gather3A_147 = tpu.vector_load_idx %arg7[%add3A_145] : memref<8192xf32, #tpu.memory_space<vmem>>[vector<16xi32>], vector<16xf32>,
      %gather3A_148 = tpu.vector_load_idx %arg8[%add3A_145] : memref<8192xf32, #tpu.memory_space<vmem>>[vector<16xi32>], vector<16xf32>,
      %add3A_149 = arith.constant 9.99999997E-7 : f32
      %add3A_150 = vector.broadcast %add3A_149 : f32 to vector<16xf32>
      %add3A_151 = arith.addf %gather3A_146, %add3A_150 : vector<16xf32>
      %sub3A_152 = arith.subf %add3A_151, %gather3A_147 : vector<16xf32>
      %mul3A_153 = arith.mulf %sub3A_152, %sub3A_152 : vector<16xf32>
      %add3A_154 = arith.addf %add3A_94, %mul3A_153 : vector<16xf32>
      %sub3A_155 = arith.subf %add3A_151, %gather3A_148 : vector<16xf32>
      %mul3A_156 = arith.mulf %sub3A_155, %sub3A_155 : vector<16xf32>
      %add3A_157 = arith.addf %add3A_97, %mul3A_156 : vector<16xf32>
      %add3A_158 = arith.constant 8 : i32
      %add3A_159 = vector.broadcast %add3A_158 : i32 to vector<16xi32>
      %add3A_160 = arith.addi %add3A_23, %add3A_159 : vector<16xi32>
      %gather3A_161 = tpu.vector_load_idx %arg6[%add3A_160] : memref<8192xf32, #tpu.memory_space<vmem>>[vector<16xi32>], vector<16xf32>,
      %gather3A_162 = tpu.vector_load_idx %arg7[%add3A_160] : memref<8192xf32, #tpu.memory_space<vmem>>[vector<16xi32>], vector<16xf32>,
      %gather3A_163 = tpu.vector_load_idx %arg8[%add3A_160] : memref<8192xf32, #tpu.memory_space<vmem>>[vector<16xi32>], vector<16xf32>,
      %add3A_164 = arith.constant 9.99999997E-7 : f32
      %add3A_165 = vector.broadcast %add3A_164 : f32 to vector<16xf32>
      %add3A_166 = arith.addf %gather3A_161, %add3A_165 : vector<16xf32>
      %sub3A_167 = arith.subf %add3A_166, %gather3A_162 : vector<16xf32>
      %mul3A_168 = arith.mulf %sub3A_167, %sub3A_167 : vector<16xf32>
      %add3A_169 = arith.addf %add3A_109, %mul3A_168 : vector<16xf32>
      %sub3A_170 = arith.subf %add3A_166, %gather3A_163 : vector<16xf32>
      %mul3A_171 = arith.mulf %sub3A_170, %sub3A_170 : vector<16xf32>
      %add3A_172 = arith.addf %add3A_112, %mul3A_171 : vector<16xf32>
      %add3A_173 = arith.constant 9 : i32
      %add3A_174 = vector.broadcast %add3A_173 : i32 to vector<16xi32>
      %add3A_175 = arith.addi %add3A_23, %add3A_174 : vector<16xi32>
      %gather3A_176 = tpu.vector_load_idx %arg6[%add3A_175] : memref<8192xf32, #tpu.memory_space<vmem>>[vector<16xi32>], vector<16xf32>,
      %gather3A_177 = tpu.vector_load_idx %arg7[%add3A_175] : memref<8192xf32, #tpu.memory_space<vmem>>[vector<16xi32>], vector<16xf32>,
      %gather3A_178 = tpu.vector_load_idx %arg8[%add3A_175] : memref<8192xf32, #tpu.memory_space<vmem>>[vector<16xi32>], vector<16xf32>,
      %add3A_179 = arith.constant 9.99999997E-7 : f32
      %add3A_180 = vector.broadcast %add3A_179 : f32 to vector<16xf32>
      %add3A_181 = arith.addf %gather3A_176, %add3A_180 : vector<16xf32>
      %sub3A_182 = arith.subf %add3A_181, %gather3A_177 : vector<16xf32>
      %mul3A_183 = arith.mulf %sub3A_182, %sub3A_182 : vector<16xf32>
      %add3A_184 = arith.addf %add3A_124, %mul3A_183 : vector<16xf32>
      %sub3A_185 = arith.subf %add3A_181, %gather3A_178 : vector<16xf32>
      %mul3A_186 = arith.mulf %sub3A_185, %sub3A_185 : vector<16xf32>
      %add3A_187 = arith.addf %add3A_127, %mul3A_186 : vector<16xf32>
      %add3A_188 = arith.constant 10 : i32
      %add3A_189 = vector.broadcast %add3A_188 : i32 to vector<16xi32>
      %add3A_190 = arith.addi %add3A_23, %add3A_189 : vector<16xi32>
      %gather3A_191 = tpu.vector_load_idx %arg6[%add3A_190] : memref<8192xf32, #tpu.memory_space<vmem>>[vector<16xi32>], vector<16xf32>,
      %gather3A_192 = tpu.vector_load_idx %arg7[%add3A_190] : memref<8192xf32, #tpu.memory_space<vmem>>[vector<16xi32>], vector<16xf32>,
      %gather3A_193 = tpu.vector_load_idx %arg8[%add3A_190] : memref<8192xf32, #tpu.memory_space<vmem>>[vector<16xi32>], vector<16xf32>,
      %add3A_194 = arith.constant 9.99999997E-7 : f32
      %add3A_195 = vector.broadcast %add3A_194 : f32 to vector<16xf32>
      %add3A_196 = arith.addf %gather3A_191, %add3A_195 : vector<16xf32>
      %sub3A_197 = arith.subf %add3A_196, %gather3A_192 : vector<16xf32>
      %mul3A_198 = arith.mulf %sub3A_197, %sub3A_197 : vector<16xf32>
      %add3A_199 = arith.addf %add3A_139, %mul3A_198 : vector<16xf32>
      %sub3A_200 = arith.subf %add3A_196, %gather3A_193 : vector<16xf32>
      %mul3A_201 = arith.mulf %sub3A_200, %sub3A_200 : vector<16xf32>
      %add3A_202 = arith.addf %add3A_142, %mul3A_201 : vector<16xf32>
      %add3A_203 = arith.constant 11 : i32
      %add3A_204 = vector.broadcast %add3A_203 : i32 to vector<16xi32>
      %add3A_205 = arith.addi %add3A_23, %add3A_204 : vector<16xi32>
      %gather3A_206 = tpu.vector_load_idx %arg6[%add3A_205] : memref<8192xf32, #tpu.memory_space<vmem>>[vector<16xi32>], vector<16xf32>,
      %gather3A_207 = tpu.vector_load_idx %arg7[%add3A_205] : memref<8192xf32, #tpu.memory_space<vmem>>[vector<16xi32>], vector<16xf32>,
      %gather3A_208 = tpu.vector_load_idx %arg8[%add3A_205] : memref<8192xf32, #tpu.memory_space<vmem>>[vector<16xi32>], vector<16xf32>,
      %add3A_209 = arith.constant 9.99999997E-7 : f32
      %add3A_210 = vector.broadcast %add3A_209 : f32 to vector<16xf32>
      %add3A_211 = arith.addf %gather3A_206, %add3A_210 : vector<16xf32>
      %sub3A_212 = arith.subf %add3A_211, %gather3A_207 : vector<16xf32>
      %mul3A_213 = arith.mulf %sub3A_212, %sub3A_212 : vector<16xf32>
      %add3A_214 = arith.addf %add3A_154, %mul3A_213 : vector<16xf32>
      %sub3A_215 = arith.subf %add3A_211, %gather3A_208 : vector<16xf32>
      %mul3A_216 = arith.mulf %sub3A_215, %sub3A_215 : vector<16xf32>
      %add3A_217 = arith.addf %add3A_157, %mul3A_216 : vector<16xf32>
      %add3A_218 = arith.constant 12 : i32
      %add3A_219 = vector.broadcast %add3A_218 : i32 to vector<16xi32>
      %add3A_220 = arith.addi %add3A_23, %add3A_219 : vector<16xi32>
      %gather3A_221 = tpu.vector_load_idx %arg6[%add3A_220] : memref<8192xf32, #tpu.memory_space<vmem>>[vector<16xi32>], vector<16xf32>,
      %gather3A_222 = tpu.vector_load_idx %arg7[%add3A_220] : memref<8192xf32, #tpu.memory_space<vmem>>[vector<16xi32>], vector<16xf32>,
      %gather3A_223 = tpu.vector_load_idx %arg8[%add3A_220] : memref<8192xf32, #tpu.memory_space<vmem>>[vector<16xi32>], vector<16xf32>,
      %add3A_224 = arith.constant 9.99999997E-7 : f32
      %add3A_225 = vector.broadcast %add3A_224 : f32 to vector<16xf32>
      %add3A_226 = arith.addf %gather3A_221, %add3A_225 : vector<16xf32>
      %sub3A_227 = arith.subf %add3A_226, %gather3A_222 : vector<16xf32>
      %mul3A_228 = arith.mulf %sub3A_227, %sub3A_227 : vector<16xf32>
      %add3A_229 = arith.addf %add3A_169, %mul3A_228 : vector<16xf32>
      %sub3A_230 = arith.subf %add3A_226, %gather3A_223 : vector<16xf32>
      %mul3A_231 = arith.mulf %sub3A_230, %sub3A_230 : vector<16xf32>
      %add3A_232 = arith.addf %add3A_172, %mul3A_231 : vector<16xf32>
      %add3A_233 = arith.constant 13 : i32
      %add3A_234 = vector.broadcast %add3A_233 : i32 to vector<16xi32>
      %add3A_235 = arith.addi %add3A_23, %add3A_234 : vector<16xi32>
      %gather3A_236 = tpu.vector_load_idx %arg6[%add3A_235] : memref<8192xf32, #tpu.memory_space<vmem>>[vector<16xi32>], vector<16xf32>,
      %gather3A_237 = tpu.vector_load_idx %arg7[%add3A_235] : memref<8192xf32, #tpu.memory_space<vmem>>[vector<16xi32>], vector<16xf32>,
      %gather3A_238 = tpu.vector_load_idx %arg8[%add3A_235] : memref<8192xf32, #tpu.memory_space<vmem>>[vector<16xi32>], vector<16xf32>,
      %add3A_239 = arith.constant 9.99999997E-7 : f32
      %add3A_240 = vector.broadcast %add3A_239 : f32 to vector<16xf32>
      %add3A_241 = arith.addf %gather3A_236, %add3A_240 : vector<16xf32>
      %sub3A_242 = arith.subf %add3A_241, %gather3A_237 : vector<16xf32>
      %mul3A_243 = arith.mulf %sub3A_242, %sub3A_242 : vector<16xf32>
      %add3A_244 = arith.addf %add3A_184, %mul3A_243 : vector<16xf32>
      %sub3A_245 = arith.subf %add3A_241, %gather3A_238 : vector<16xf32>
      %mul3A_246 = arith.mulf %sub3A_245, %sub3A_245 : vector<16xf32>
      %add3A_247 = arith.addf %add3A_187, %mul3A_246 : vector<16xf32>
      %add3A_248 = arith.constant 14 : i32
      %add3A_249 = vector.broadcast %add3A_248 : i32 to vector<16xi32>
      %add3A_250 = arith.addi %add3A_23, %add3A_249 : vector<16xi32>
      %gather3A_251 = tpu.vector_load_idx %arg6[%add3A_250] : memref<8192xf32, #tpu.memory_space<vmem>>[vector<16xi32>], vector<16xf32>,
      %gather3A_252 = tpu.vector_load_idx %arg7[%add3A_250] : memref<8192xf32, #tpu.memory_space<vmem>>[vector<16xi32>], vector<16xf32>,
      %gather3A_253 = tpu.vector_load_idx %arg8[%add3A_250] : memref<8192xf32, #tpu.memory_space<vmem>>[vector<16xi32>], vector<16xf32>,
      %add3A_254 = arith.constant 9.99999997E-7 : f32
      %add3A_255 = vector.broadcast %add3A_254 : f32 to vector<16xf32>
      %add3A_256 = arith.addf %gather3A_251, %add3A_255 : vector<16xf32>
      %sub3A_257 = arith.subf %add3A_256, %gather3A_252 : vector<16xf32>
      %mul3A_258 = arith.mulf %sub3A_257, %sub3A_257 : vector<16xf32>
      %add3A_259 = arith.addf %add3A_199, %mul3A_258 : vector<16xf32>
      %sub3A_260 = arith.subf %add3A_256, %gather3A_253 : vector<16xf32>
      %mul3A_261 = arith.mulf %sub3A_260, %sub3A_260 : vector<16xf32>
      %add3A_262 = arith.addf %add3A_202, %mul3A_261 : vector<16xf32>
      %add3A_263 = arith.constant 15 : i32
      %add3A_264 = vector.broadcast %add3A_263 : i32 to vector<16xi32>
      %add3A_265 = arith.addi %add3A_23, %add3A_264 : vector<16xi32>
      %gather3A_266 = tpu.vector_load_idx %arg6[%add3A_265] : memref<8192xf32, #tpu.memory_space<vmem>>[vector<16xi32>], vector<16xf32>,
      %gather3A_267 = tpu.vector_load_idx %arg7[%add3A_265] : memref<8192xf32, #tpu.memory_space<vmem>>[vector<16xi32>], vector<16xf32>,
      %gather3A_268 = tpu.vector_load_idx %arg8[%add3A_265] : memref<8192xf32, #tpu.memory_space<vmem>>[vector<16xi32>], vector<16xf32>,
      %add3A_269 = arith.constant 9.99999997E-7 : f32
      %add3A_270 = vector.broadcast %add3A_269 : f32 to vector<16xf32>
      %add3A_271 = arith.addf %gather3A_266, %add3A_270 : vector<16xf32>
      %sub3A_272 = arith.subf %add3A_271, %gather3A_267 : vector<16xf32>
      %mul3A_273 = arith.mulf %sub3A_272, %sub3A_272 : vector<16xf32>
      %add3A_274 = arith.addf %add3A_214, %mul3A_273 : vector<16xf32>
      %sub3A_275 = arith.subf %add3A_271, %gather3A_268 : vector<16xf32>
      %mul3A_276 = arith.mulf %sub3A_275, %sub3A_275 : vector<16xf32>
      %add3A_277 = arith.addf %add3A_217, %mul3A_276 : vector<16xf32>
      %add3A_278 = arith.constant 16 : i32
      %add3A_279 = vector.broadcast %add3A_278 : i32 to vector<16xi32>
      %add3A_280 = arith.addi %add3A_23, %add3A_279 : vector<16xi32>
      %gather3A_281 = tpu.vector_load_idx %arg6[%add3A_280] : memref<8192xf32, #tpu.memory_space<vmem>>[vector<16xi32>], vector<16xf32>,
      %gather3A_282 = tpu.vector_load_idx %arg7[%add3A_280] : memref<8192xf32, #tpu.memory_space<vmem>>[vector<16xi32>], vector<16xf32>,
      %gather3A_283 = tpu.vector_load_idx %arg8[%add3A_280] : memref<8192xf32, #tpu.memory_space<vmem>>[vector<16xi32>], vector<16xf32>,
      %add3A_284 = arith.constant 9.99999997E-7 : f32
      %add3A_285 = vector.broadcast %add3A_284 : f32 to vector<16xf32>
      %add3A_286 = arith.addf %gather3A_281, %add3A_285 : vector<16xf32>
      %sub3A_287 = arith.subf %add3A_286, %gather3A_282 : vector<16xf32>
      %mul3A_288 = arith.mulf %sub3A_287, %sub3A_287 : vector<16xf32>
      %add3A_289 = arith.addf %add3A_229, %mul3A_288 : vector<16xf32>
      %sub3A_290 = arith.subf %add3A_286, %gather3A_283 : vector<16xf32>
      %mul3A_291 = arith.mulf %sub3A_290, %sub3A_290 : vector<16xf32>
      %add3A_292 = arith.addf %add3A_232, %mul3A_291 : vector<16xf32>
      %add3A_293 = arith.constant 17 : i32
      %add3A_294 = vector.broadcast %add3A_293 : i32 to vector<16xi32>
      %add3A_295 = arith.addi %add3A_23, %add3A_294 : vector<16xi32>
      %gather3A_296 = tpu.vector_load_idx %arg6[%add3A_295] : memref<8192xf32, #tpu.memory_space<vmem>>[vector<16xi32>], vector<16xf32>,
      %gather3A_297 = tpu.vector_load_idx %arg7[%add3A_295] : memref<8192xf32, #tpu.memory_space<vmem>>[vector<16xi32>], vector<16xf32>,
      %gather3A_298 = tpu.vector_load_idx %arg8[%add3A_295] : memref<8192xf32, #tpu.memory_space<vmem>>[vector<16xi32>], vector<16xf32>,
      %add3A_299 = arith.constant 9.99999997E-7 : f32
      %add3A_300 = vector.broadcast %add3A_299 : f32 to vector<16xf32>
      %add3A_301 = arith.addf %gather3A_296, %add3A_300 : vector<16xf32>
      %sub3A_302 = arith.subf %add3A_301, %gather3A_297 : vector<16xf32>
      %mul3A_303 = arith.mulf %sub3A_302, %sub3A_302 : vector<16xf32>
      %add3A_304 = arith.addf %add3A_244, %mul3A_303 : vector<16xf32>
      %sub3A_305 = arith.subf %add3A_301, %gather3A_298 : vector<16xf32>
      %mul3A_306 = arith.mulf %sub3A_305, %sub3A_305 : vector<16xf32>
      %add3A_307 = arith.addf %add3A_247, %mul3A_306 : vector<16xf32>
      %add3A_308 = arith.constant 18 : i32
      %add3A_309 = vector.broadcast %add3A_308 : i32 to vector<16xi32>
      %add3A_310 = arith.addi %add3A_23, %add3A_309 : vector<16xi32>
      %gather3A_311 = tpu.vector_load_idx %arg6[%add3A_310] : memref<8192xf32, #tpu.memory_space<vmem>>[vector<16xi32>], vector<16xf32>,
      %gather3A_312 = tpu.vector_load_idx %arg7[%add3A_310] : memref<8192xf32, #tpu.memory_space<vmem>>[vector<16xi32>], vector<16xf32>,
      %gather3A_313 = tpu.vector_load_idx %arg8[%add3A_310] : memref<8192xf32, #tpu.memory_space<vmem>>[vector<16xi32>], vector<16xf32>,
      %add3A_314 = arith.constant 9.99999997E-7 : f32
      %add3A_315 = vector.broadcast %add3A_314 : f32 to vector<16xf32>
      %add3A_316 = arith.addf %gather3A_311, %add3A_315 : vector<16xf32>
      %sub3A_317 = arith.subf %add3A_316, %gather3A_312 : vector<16xf32>
      %mul3A_318 = arith.mulf %sub3A_317, %sub3A_317 : vector<16xf32>
      %add3A_319 = arith.addf %add3A_259, %mul3A_318 : vector<16xf32>
      %sub3A_320 = arith.subf %add3A_316, %gather3A_313 : vector<16xf32>
      %mul3A_321 = arith.mulf %sub3A_320, %sub3A_320 : vector<16xf32>
      %add3A_322 = arith.addf %add3A_262, %mul3A_321 : vector<16xf32>
      %add3A_323 = arith.constant 19 : i32
      %add3A_324 = vector.broadcast %add3A_323 : i32 to vector<16xi32>
      %add3A_325 = arith.addi %add3A_23, %add3A_324 : vector<16xi32>
      %gather3A_326 = tpu.vector_load_idx %arg6[%add3A_325] : memref<8192xf32, #tpu.memory_space<vmem>>[vector<16xi32>], vector<16xf32>,
      %gather3A_327 = tpu.vector_load_idx %arg7[%add3A_325] : memref<8192xf32, #tpu.memory_space<vmem>>[vector<16xi32>], vector<16xf32>,
      %gather3A_328 = tpu.vector_load_idx %arg8[%add3A_325] : memref<8192xf32, #tpu.memory_space<vmem>>[vector<16xi32>], vector<16xf32>,
      %add3A_329 = arith.constant 9.99999997E-7 : f32
      %add3A_330 = vector.broadcast %add3A_329 : f32 to vector<16xf32>
      %add3A_331 = arith.addf %gather3A_326, %add3A_330 : vector<16xf32>
      %sub3A_332 = arith.subf %add3A_331, %gather3A_327 : vector<16xf32>
      %mul3A_333 = arith.mulf %sub3A_332, %sub3A_332 : vector<16xf32>
      %add3A_334 = arith.addf %add3A_274, %mul3A_333 : vector<16xf32>
      %sub3A_335 = arith.subf %add3A_331, %gather3A_328 : vector<16xf32>
      %mul3A_336 = arith.mulf %sub3A_335, %sub3A_335 : vector<16xf32>
      %add3A_337 = arith.addf %add3A_277, %mul3A_336 : vector<16xf32>
      %add3A_338 = arith.constant 20 : i32
      %add3A_339 = vector.broadcast %add3A_338 : i32 to vector<16xi32>
      %add3A_340 = arith.addi %add3A_23, %add3A_339 : vector<16xi32>
      %gather3A_341 = tpu.vector_load_idx %arg6[%add3A_340] : memref<8192xf32, #tpu.memory_space<vmem>>[vector<16xi32>], vector<16xf32>,
      %gather3A_342 = tpu.vector_load_idx %arg7[%add3A_340] : memref<8192xf32, #tpu.memory_space<vmem>>[vector<16xi32>], vector<16xf32>,
      %gather3A_343 = tpu.vector_load_idx %arg8[%add3A_340] : memref<8192xf32, #tpu.memory_space<vmem>>[vector<16xi32>], vector<16xf32>,
      %add3A_344 = arith.constant 9.99999997E-7 : f32
      %add3A_345 = vector.broadcast %add3A_344 : f32 to vector<16xf32>
      %add3A_346 = arith.addf %gather3A_341, %add3A_345 : vector<16xf32>
      %sub3A_347 = arith.subf %add3A_346, %gather3A_342 : vector<16xf32>
      %mul3A_348 = arith.mulf %sub3A_347, %sub3A_347 : vector<16xf32>
      %add3A_349 = arith.addf %add3A_289, %mul3A_348 : vector<16xf32>
      %sub3A_350 = arith.subf %add3A_346, %gather3A_343 : vector<16xf32>
      %mul3A_351 = arith.mulf %sub3A_350, %sub3A_350 : vector<16xf32>
      %add3A_352 = arith.addf %add3A_292, %mul3A_351 : vector<16xf32>
      %add3A_353 = arith.constant 21 : i32
      %add3A_354 = vector.broadcast %add3A_353 : i32 to vector<16xi32>
      %add3A_355 = arith.addi %add3A_23, %add3A_354 : vector<16xi32>
      %gather3A_356 = tpu.vector_load_idx %arg6[%add3A_355] : memref<8192xf32, #tpu.memory_space<vmem>>[vector<16xi32>], vector<16xf32>,
      %gather3A_357 = tpu.vector_load_idx %arg7[%add3A_355] : memref<8192xf32, #tpu.memory_space<vmem>>[vector<16xi32>], vector<16xf32>,
      %gather3A_358 = tpu.vector_load_idx %arg8[%add3A_355] : memref<8192xf32, #tpu.memory_space<vmem>>[vector<16xi32>], vector<16xf32>,
      %add3A_359 = arith.constant 9.99999997E-7 : f32
      %add3A_360 = vector.broadcast %add3A_359 : f32 to vector<16xf32>
      %add3A_361 = arith.addf %gather3A_356, %add3A_360 : vector<16xf32>
      %sub3A_362 = arith.subf %add3A_361, %gather3A_357 : vector<16xf32>
      %mul3A_363 = arith.mulf %sub3A_362, %sub3A_362 : vector<16xf32>
      %add3A_364 = arith.addf %add3A_304, %mul3A_363 : vector<16xf32>
      %sub3A_365 = arith.subf %add3A_361, %gather3A_358 : vector<16xf32>
      %mul3A_366 = arith.mulf %sub3A_365, %sub3A_365 : vector<16xf32>
      %add3A_367 = arith.addf %add3A_307, %mul3A_366 : vector<16xf32>
      %add3A_368 = arith.constant 22 : i32
      %add3A_369 = vector.broadcast %add3A_368 : i32 to vector<16xi32>
      %add3A_370 = arith.addi %add3A_23, %add3A_369 : vector<16xi32>
      %gather3A_371 = tpu.vector_load_idx %arg6[%add3A_370] : memref<8192xf32, #tpu.memory_space<vmem>>[vector<16xi32>], vector<16xf32>,
      %gather3A_372 = tpu.vector_load_idx %arg7[%add3A_370] : memref<8192xf32, #tpu.memory_space<vmem>>[vector<16xi32>], vector<16xf32>,
      %gather3A_373 = tpu.vector_load_idx %arg8[%add3A_370] : memref<8192xf32, #tpu.memory_space<vmem>>[vector<16xi32>], vector<16xf32>,
      %add3A_374 = arith.constant 9.99999997E-7 : f32
      %add3A_375 = vector.broadcast %add3A_374 : f32 to vector<16xf32>
      %add3A_376 = arith.addf %gather3A_371, %add3A_375 : vector<16xf32>
      %sub3A_377 = arith.subf %add3A_376, %gather3A_372 : vector<16xf32>
      %mul3A_378 = arith.mulf %sub3A_377, %sub3A_377 : vector<16xf32>
      %add3A_379 = arith.addf %add3A_319, %mul3A_378 : vector<16xf32>
      %sub3A_380 = arith.subf %add3A_376, %gather3A_373 : vector<16xf32>
      %mul3A_381 = arith.mulf %sub3A_380, %sub3A_380 : vector<16xf32>
      %add3A_382 = arith.addf %add3A_322, %mul3A_381 : vector<16xf32>
      %add3A_383 = arith.constant 23 : i32
      %add3A_384 = vector.broadcast %add3A_383 : i32 to vector<16xi32>
      %add3A_385 = arith.addi %add3A_23, %add3A_384 : vector<16xi32>
      %gather3A_386 = tpu.vector_load_idx %arg6[%add3A_385] : memref<8192xf32, #tpu.memory_space<vmem>>[vector<16xi32>], vector<16xf32>,
      %gather3A_387 = tpu.vector_load_idx %arg7[%add3A_385] : memref<8192xf32, #tpu.memory_space<vmem>>[vector<16xi32>], vector<16xf32>,
      %gather3A_388 = tpu.vector_load_idx %arg8[%add3A_385] : memref<8192xf32, #tpu.memory_space<vmem>>[vector<16xi32>], vector<16xf32>,
      %add3A_389 = arith.constant 9.99999997E-7 : f32
      %add3A_390 = vector.broadcast %add3A_389 : f32 to vector<16xf32>
      %add3A_391 = arith.addf %gather3A_386, %add3A_390 : vector<16xf32>
      %sub3A_392 = arith.subf %add3A_391, %gather3A_387 : vector<16xf32>
      %mul3A_393 = arith.mulf %sub3A_392, %sub3A_392 : vector<16xf32>
      %add3A_394 = arith.addf %add3A_334, %mul3A_393 : vector<16xf32>
      %sub3A_395 = arith.subf %add3A_391, %gather3A_388 : vector<16xf32>
      %mul3A_396 = arith.mulf %sub3A_395, %sub3A_395 : vector<16xf32>
      %add3A_397 = arith.addf %add3A_337, %mul3A_396 : vector<16xf32>
      %add3A_398 = arith.constant 24 : i32
      %add3A_399 = vector.broadcast %add3A_398 : i32 to vector<16xi32>
      %add3A_400 = arith.addi %add3A_23, %add3A_399 : vector<16xi32>
      %gather3A_401 = tpu.vector_load_idx %arg6[%add3A_400] : memref<8192xf32, #tpu.memory_space<vmem>>[vector<16xi32>], vector<16xf32>,
      %gather3A_402 = tpu.vector_load_idx %arg7[%add3A_400] : memref<8192xf32, #tpu.memory_space<vmem>>[vector<16xi32>], vector<16xf32>,
      %gather3A_403 = tpu.vector_load_idx %arg8[%add3A_400] : memref<8192xf32, #tpu.memory_space<vmem>>[vector<16xi32>], vector<16xf32>,
      %add3A_404 = arith.constant 9.99999997E-7 : f32
      %add3A_405 = vector.broadcast %add3A_404 : f32 to vector<16xf32>
      %add3A_406 = arith.addf %gather3A_401, %add3A_405 : vector<16xf32>
      %sub3A_407 = arith.subf %add3A_406, %gather3A_402 : vector<16xf32>
      %mul3A_408 = arith.mulf %sub3A_407, %sub3A_407 : vector<16xf32>
      %add3A_409 = arith.addf %add3A_349, %mul3A_408 : vector<16xf32>
      %sub3A_410 = arith.subf %add3A_406, %gather3A_403 : vector<16xf32>
      %mul3A_411 = arith.mulf %sub3A_410, %sub3A_410 : vector<16xf32>
      %add3A_412 = arith.addf %add3A_352, %mul3A_411 : vector<16xf32>
      %add3A_413 = arith.constant 25 : i32
      %add3A_414 = vector.broadcast %add3A_413 : i32 to vector<16xi32>
      %add3A_415 = arith.addi %add3A_23, %add3A_414 : vector<16xi32>
      %gather3A_416 = tpu.vector_load_idx %arg6[%add3A_415] : memref<8192xf32, #tpu.memory_space<vmem>>[vector<16xi32>], vector<16xf32>,
      %gather3A_417 = tpu.vector_load_idx %arg7[%add3A_415] : memref<8192xf32, #tpu.memory_space<vmem>>[vector<16xi32>], vector<16xf32>,
      %gather3A_418 = tpu.vector_load_idx %arg8[%add3A_415] : memref<8192xf32, #tpu.memory_space<vmem>>[vector<16xi32>], vector<16xf32>,
      %add3A_419 = arith.constant 9.99999997E-7 : f32
      %add3A_420 = vector.broadcast %add3A_419 : f32 to vector<16xf32>
      %add3A_421 = arith.addf %gather3A_416, %add3A_420 : vector<16xf32>
      %sub3A_422 = arith.subf %add3A_421, %gather3A_417 : vector<16xf32>
      %mul3A_423 = arith.mulf %sub3A_422, %sub3A_422 : vector<16xf32>
      %add3A_424 = arith.addf %add3A_364, %mul3A_423 : vector<16xf32>
      %sub3A_425 = arith.subf %add3A_421, %gather3A_418 : vector<16xf32>
      %mul3A_426 = arith.mulf %sub3A_425, %sub3A_425 : vector<16xf32>
      %add3A_427 = arith.addf %add3A_367, %mul3A_426 : vector<16xf32>
      %add3A_428 = arith.constant 26 : i32
      %add3A_429 = vector.broadcast %add3A_428 : i32 to vector<16xi32>
      %add3A_430 = arith.addi %add3A_23, %add3A_429 : vector<16xi32>
      %gather3A_431 = tpu.vector_load_idx %arg6[%add3A_430] : memref<8192xf32, #tpu.memory_space<vmem>>[vector<16xi32>], vector<16xf32>,
      %gather3A_432 = tpu.vector_load_idx %arg7[%add3A_430] : memref<8192xf32, #tpu.memory_space<vmem>>[vector<16xi32>], vector<16xf32>,
      %gather3A_433 = tpu.vector_load_idx %arg8[%add3A_430] : memref<8192xf32, #tpu.memory_space<vmem>>[vector<16xi32>], vector<16xf32>,
      %add3A_434 = arith.constant 9.99999997E-7 : f32
      %add3A_435 = vector.broadcast %add3A_434 : f32 to vector<16xf32>
      %add3A_436 = arith.addf %gather3A_431, %add3A_435 : vector<16xf32>
      %sub3A_437 = arith.subf %add3A_436, %gather3A_432 : vector<16xf32>
      %mul3A_438 = arith.mulf %sub3A_437, %sub3A_437 : vector<16xf32>
      %add3A_439 = arith.addf %add3A_379, %mul3A_438 : vector<16xf32>
      %sub3A_440 = arith.subf %add3A_436, %gather3A_433 : vector<16xf32>
      %mul3A_441 = arith.mulf %sub3A_440, %sub3A_440 : vector<16xf32>
      %add3A_442 = arith.addf %add3A_382, %mul3A_441 : vector<16xf32>
      %add3A_443 = arith.constant 27 : i32
      %add3A_444 = vector.broadcast %add3A_443 : i32 to vector<16xi32>
      %add3A_445 = arith.addi %add3A_23, %add3A_444 : vector<16xi32>
      %gather3A_446 = tpu.vector_load_idx %arg6[%add3A_445] : memref<8192xf32, #tpu.memory_space<vmem>>[vector<16xi32>], vector<16xf32>,
      %gather3A_447 = tpu.vector_load_idx %arg7[%add3A_445] : memref<8192xf32, #tpu.memory_space<vmem>>[vector<16xi32>], vector<16xf32>,
      %gather3A_448 = tpu.vector_load_idx %arg8[%add3A_445] : memref<8192xf32, #tpu.memory_space<vmem>>[vector<16xi32>], vector<16xf32>,
      %add3A_449 = arith.constant 9.99999997E-7 : f32
      %add3A_450 = vector.broadcast %add3A_449 : f32 to vector<16xf32>
      %add3A_451 = arith.addf %gather3A_446, %add3A_450 : vector<16xf32>
      %sub3A_452 = arith.subf %add3A_451, %gather3A_447 : vector<16xf32>
      %mul3A_453 = arith.mulf %sub3A_452, %sub3A_452 : vector<16xf32>
      %add3A_454 = arith.addf %add3A_394, %mul3A_453 : vector<16xf32>
      %sub3A_455 = arith.subf %add3A_451, %gather3A_448 : vector<16xf32>
      %mul3A_456 = arith.mulf %sub3A_455, %sub3A_455 : vector<16xf32>
      %add3A_457 = arith.addf %add3A_397, %mul3A_456 : vector<16xf32>
      %add3A_458 = arith.constant 28 : i32
      %add3A_459 = vector.broadcast %add3A_458 : i32 to vector<16xi32>
      %add3A_460 = arith.addi %add3A_23, %add3A_459 : vector<16xi32>
      %gather3A_461 = tpu.vector_load_idx %arg6[%add3A_460] : memref<8192xf32, #tpu.memory_space<vmem>>[vector<16xi32>], vector<16xf32>,
      %gather3A_462 = tpu.vector_load_idx %arg7[%add3A_460] : memref<8192xf32, #tpu.memory_space<vmem>>[vector<16xi32>], vector<16xf32>,
      %gather3A_463 = tpu.vector_load_idx %arg8[%add3A_460] : memref<8192xf32, #tpu.memory_space<vmem>>[vector<16xi32>], vector<16xf32>,
      %add3A_464 = arith.constant 9.99999997E-7 : f32
      %add3A_465 = vector.broadcast %add3A_464 : f32 to vector<16xf32>
      %add3A_466 = arith.addf %gather3A_461, %add3A_465 : vector<16xf32>
      %sub3A_467 = arith.subf %add3A_466, %gather3A_462 : vector<16xf32>
      %mul3A_468 = arith.mulf %sub3A_467, %sub3A_467 : vector<16xf32>
      %add3A_469 = arith.addf %add3A_409, %mul3A_468 : vector<16xf32>
      %sub3A_470 = arith.subf %add3A_466, %gather3A_463 : vector<16xf32>
      %mul3A_471 = arith.mulf %sub3A_470, %sub3A_470 : vector<16xf32>
      %add3A_472 = arith.addf %add3A_412, %mul3A_471 : vector<16xf32>
      %add3A_473 = arith.constant 29 : i32
      %add3A_474 = vector.broadcast %add3A_473 : i32 to vector<16xi32>
      %add3A_475 = arith.addi %add3A_23, %add3A_474 : vector<16xi32>
      %gather3A_476 = tpu.vector_load_idx %arg6[%add3A_475] : memref<8192xf32, #tpu.memory_space<vmem>>[vector<16xi32>], vector<16xf32>,
      %gather3A_477 = tpu.vector_load_idx %arg7[%add3A_475] : memref<8192xf32, #tpu.memory_space<vmem>>[vector<16xi32>], vector<16xf32>,
      %gather3A_478 = tpu.vector_load_idx %arg8[%add3A_475] : memref<8192xf32, #tpu.memory_space<vmem>>[vector<16xi32>], vector<16xf32>,
      %add3A_479 = arith.constant 9.99999997E-7 : f32
      %add3A_480 = vector.broadcast %add3A_479 : f32 to vector<16xf32>
      %add3A_481 = arith.addf %gather3A_476, %add3A_480 : vector<16xf32>
      %sub3A_482 = arith.subf %add3A_481, %gather3A_477 : vector<16xf32>
      %mul3A_483 = arith.mulf %sub3A_482, %sub3A_482 : vector<16xf32>
      %add3A_484 = arith.addf %add3A_424, %mul3A_483 : vector<16xf32>
      %sub3A_485 = arith.subf %add3A_481, %gather3A_478 : vector<16xf32>
      %mul3A_486 = arith.mulf %sub3A_485, %sub3A_485 : vector<16xf32>
      %add3A_487 = arith.addf %add3A_427, %mul3A_486 : vector<16xf32>
      %add3A_488 = arith.constant 30 : i32
      %add3A_489 = vector.broadcast %add3A_488 : i32 to vector<16xi32>
      %add3A_490 = arith.addi %add3A_23, %add3A_489 : vector<16xi32>
      %gather3A_491 = tpu.vector_load_idx %arg6[%add3A_490] : memref<8192xf32, #tpu.memory_space<vmem>>[vector<16xi32>], vector<16xf32>,
      %gather3A_492 = tpu.vector_load_idx %arg7[%add3A_490] : memref<8192xf32, #tpu.memory_space<vmem>>[vector<16xi32>], vector<16xf32>,
      %gather3A_493 = tpu.vector_load_idx %arg8[%add3A_490] : memref<8192xf32, #tpu.memory_space<vmem>>[vector<16xi32>], vector<16xf32>,
      %add3A_494 = arith.constant 9.99999997E-7 : f32
      %add3A_495 = vector.broadcast %add3A_494 : f32 to vector<16xf32>
      %add3A_496 = arith.addf %gather3A_491, %add3A_495 : vector<16xf32>
      %sub3A_497 = arith.subf %add3A_496, %gather3A_492 : vector<16xf32>
      %mul3A_498 = arith.mulf %sub3A_497, %sub3A_497 : vector<16xf32>
      %add3A_499 = arith.addf %add3A_439, %mul3A_498 : vector<16xf32>
      %sub3A_500 = arith.subf %add3A_496, %gather3A_493 : vector<16xf32>
      %mul3A_501 = arith.mulf %sub3A_500, %sub3A_500 : vector<16xf32>
      %add3A_502 = arith.addf %add3A_442, %mul3A_501 : vector<16xf32>
      %add3A_503 = arith.constant 31 : i32
      %add3A_504 = vector.broadcast %add3A_503 : i32 to vector<16xi32>
      %add3A_505 = arith.addi %add3A_23, %add3A_504 : vector<16xi32>
      %gather3A_506 = tpu.vector_load_idx %arg6[%add3A_505] : memref<8192xf32, #tpu.memory_space<vmem>>[vector<16xi32>], vector<16xf32>,
      %gather3A_507 = tpu.vector_load_idx %arg7[%add3A_505] : memref<8192xf32, #tpu.memory_space<vmem>>[vector<16xi32>], vector<16xf32>,
      %gather3A_508 = tpu.vector_load_idx %arg8[%add3A_505] : memref<8192xf32, #tpu.memory_space<vmem>>[vector<16xi32>], vector<16xf32>,
      %add3A_509 = arith.constant 9.99999997E-7 : f32
      %add3A_510 = vector.broadcast %add3A_509 : f32 to vector<16xf32>
      %add3A_511 = arith.addf %gather3A_506, %add3A_510 : vector<16xf32>
      %sub3A_512 = arith.subf %add3A_511, %gather3A_507 : vector<16xf32>
      %mul3A_513 = arith.mulf %sub3A_512, %sub3A_512 : vector<16xf32>
      %add3A_514 = arith.addf %add3A_454, %mul3A_513 : vector<16xf32>
      %sub3A_515 = arith.subf %add3A_511, %gather3A_508 : vector<16xf32>
      %mul3A_516 = arith.mulf %sub3A_515, %sub3A_515 : vector<16xf32>
      %add3A_517 = arith.addf %add3A_457, %mul3A_516 : vector<16xf32>
      %add3A_518 = arith.constant 32 : i32
      %add3A_519 = vector.broadcast %add3A_518 : i32 to vector<16xi32>
      %add3A_520 = arith.addi %add3A_23, %add3A_519 : vector<16xi32>
      %gather3A_521 = tpu.vector_load_idx %arg6[%add3A_520] : memref<8192xf32, #tpu.memory_space<vmem>>[vector<16xi32>], vector<16xf32>,
      %gather3A_522 = tpu.vector_load_idx %arg7[%add3A_520] : memref<8192xf32, #tpu.memory_space<vmem>>[vector<16xi32>], vector<16xf32>,
      %gather3A_523 = tpu.vector_load_idx %arg8[%add3A_520] : memref<8192xf32, #tpu.memory_space<vmem>>[vector<16xi32>], vector<16xf32>,
      %add3A_524 = arith.constant 9.99999997E-7 : f32
      %add3A_525 = vector.broadcast %add3A_524 : f32 to vector<16xf32>
      %add3A_526 = arith.addf %gather3A_521, %add3A_525 : vector<16xf32>
      %sub3A_527 = arith.subf %add3A_526, %gather3A_522 : vector<16xf32>
      %mul3A_528 = arith.mulf %sub3A_527, %sub3A_527 : vector<16xf32>
      %add3A_529 = arith.addf %add3A_469, %mul3A_528 : vector<16xf32>
      %sub3A_530 = arith.subf %add3A_526, %gather3A_523 : vector<16xf32>
      %mul3A_531 = arith.mulf %sub3A_530, %sub3A_530 : vector<16xf32>
      %add3A_532 = arith.addf %add3A_472, %mul3A_531 : vector<16xf32>
      %add3A_533 = arith.constant 33 : i32
      %add3A_534 = vector.broadcast %add3A_533 : i32 to vector<16xi32>
      %add3A_535 = arith.addi %add3A_23, %add3A_534 : vector<16xi32>
      %gather3A_536 = tpu.vector_load_idx %arg6[%add3A_535] : memref<8192xf32, #tpu.memory_space<vmem>>[vector<16xi32>], vector<16xf32>,
      %gather3A_537 = tpu.vector_load_idx %arg7[%add3A_535] : memref<8192xf32, #tpu.memory_space<vmem>>[vector<16xi32>], vector<16xf32>,
      %gather3A_538 = tpu.vector_load_idx %arg8[%add3A_535] : memref<8192xf32, #tpu.memory_space<vmem>>[vector<16xi32>], vector<16xf32>,
      %add3A_539 = arith.constant 9.99999997E-7 : f32
      %add3A_540 = vector.broadcast %add3A_539 : f32 to vector<16xf32>
      %add3A_541 = arith.addf %gather3A_536, %add3A_540 : vector<16xf32>
      %sub3A_542 = arith.subf %add3A_541, %gather3A_537 : vector<16xf32>
      %mul3A_543 = arith.mulf %sub3A_542, %sub3A_542 : vector<16xf32>
      %add3A_544 = arith.addf %add3A_484, %mul3A_543 : vector<16xf32>
      %sub3A_545 = arith.subf %add3A_541, %gather3A_538 : vector<16xf32>
      %mul3A_546 = arith.mulf %sub3A_545, %sub3A_545 : vector<16xf32>
      %add3A_547 = arith.addf %add3A_487, %mul3A_546 : vector<16xf32>
      %add3A_548 = arith.constant 34 : i32
      %add3A_549 = vector.broadcast %add3A_548 : i32 to vector<16xi32>
      %add3A_550 = arith.addi %add3A_23, %add3A_549 : vector<16xi32>
      %gather3A_551 = tpu.vector_load_idx %arg6[%add3A_550] : memref<8192xf32, #tpu.memory_space<vmem>>[vector<16xi32>], vector<16xf32>,
      %gather3A_552 = tpu.vector_load_idx %arg7[%add3A_550] : memref<8192xf32, #tpu.memory_space<vmem>>[vector<16xi32>], vector<16xf32>,
      %gather3A_553 = tpu.vector_load_idx %arg8[%add3A_550] : memref<8192xf32, #tpu.memory_space<vmem>>[vector<16xi32>], vector<16xf32>,
      %add3A_554 = arith.constant 9.99999997E-7 : f32
      %add3A_555 = vector.broadcast %add3A_554 : f32 to vector<16xf32>
      %add3A_556 = arith.addf %gather3A_551, %add3A_555 : vector<16xf32>
      %sub3A_557 = arith.subf %add3A_556, %gather3A_552 : vector<16xf32>
      %mul3A_558 = arith.mulf %sub3A_557, %sub3A_557 : vector<16xf32>
      %add3A_559 = arith.addf %add3A_499, %mul3A_558 : vector<16xf32>
      %sub3A_560 = arith.subf %add3A_556, %gather3A_553 : vector<16xf32>
      %mul3A_561 = arith.mulf %sub3A_560, %sub3A_560 : vector<16xf32>
      %add3A_562 = arith.addf %add3A_502, %mul3A_561 : vector<16xf32>
      %add3A_563 = arith.constant 35 : i32
      %add3A_564 = vector.broadcast %add3A_563 : i32 to vector<16xi32>
      %add3A_565 = arith.addi %add3A_23, %add3A_564 : vector<16xi32>
      %gather3A_566 = tpu.vector_load_idx %arg6[%add3A_565] : memref<8192xf32, #tpu.memory_space<vmem>>[vector<16xi32>], vector<16xf32>,
      %gather3A_567 = tpu.vector_load_idx %arg7[%add3A_565] : memref<8192xf32, #tpu.memory_space<vmem>>[vector<16xi32>], vector<16xf32>,
      %gather3A_568 = tpu.vector_load_idx %arg8[%add3A_565] : memref<8192xf32, #tpu.memory_space<vmem>>[vector<16xi32>], vector<16xf32>,
      %add3A_569 = arith.constant 9.99999997E-7 : f32
      %add3A_570 = vector.broadcast %add3A_569 : f32 to vector<16xf32>
      %add3A_571 = arith.addf %gather3A_566, %add3A_570 : vector<16xf32>
      %sub3A_572 = arith.subf %add3A_571, %gather3A_567 : vector<16xf32>
      %mul3A_573 = arith.mulf %sub3A_572, %sub3A_572 : vector<16xf32>
      %add3A_574 = arith.addf %add3A_514, %mul3A_573 : vector<16xf32>
      %sub3A_575 = arith.subf %add3A_571, %gather3A_568 : vector<16xf32>
      %mul3A_576 = arith.mulf %sub3A_575, %sub3A_575 : vector<16xf32>
      %add3A_577 = arith.addf %add3A_517, %mul3A_576 : vector<16xf32>
      %add3A_578 = arith.constant 36 : i32
      %add3A_579 = vector.broadcast %add3A_578 : i32 to vector<16xi32>
      %add3A_580 = arith.addi %add3A_23, %add3A_579 : vector<16xi32>
      %gather3A_581 = tpu.vector_load_idx %arg6[%add3A_580] : memref<8192xf32, #tpu.memory_space<vmem>>[vector<16xi32>], vector<16xf32>,
      %gather3A_582 = tpu.vector_load_idx %arg7[%add3A_580] : memref<8192xf32, #tpu.memory_space<vmem>>[vector<16xi32>], vector<16xf32>,
      %gather3A_583 = tpu.vector_load_idx %arg8[%add3A_580] : memref<8192xf32, #tpu.memory_space<vmem>>[vector<16xi32>], vector<16xf32>,
      %add3A_584 = arith.constant 9.99999997E-7 : f32
      %add3A_585 = vector.broadcast %add3A_584 : f32 to vector<16xf32>
      %add3A_586 = arith.addf %gather3A_581, %add3A_585 : vector<16xf32>
      %sub3A_587 = arith.subf %add3A_586, %gather3A_582 : vector<16xf32>
      %mul3A_588 = arith.mulf %sub3A_587, %sub3A_587 : vector<16xf32>
      %add3A_589 = arith.addf %add3A_529, %mul3A_588 : vector<16xf32>
      %sub3A_590 = arith.subf %add3A_586, %gather3A_583 : vector<16xf32>
      %mul3A_591 = arith.mulf %sub3A_590, %sub3A_590 : vector<16xf32>
      %add3A_592 = arith.addf %add3A_532, %mul3A_591 : vector<16xf32>
      %add3A_593 = arith.constant 37 : i32
      %add3A_594 = vector.broadcast %add3A_593 : i32 to vector<16xi32>
      %add3A_595 = arith.addi %add3A_23, %add3A_594 : vector<16xi32>
      %gather3A_596 = tpu.vector_load_idx %arg6[%add3A_595] : memref<8192xf32, #tpu.memory_space<vmem>>[vector<16xi32>], vector<16xf32>,
      %gather3A_597 = tpu.vector_load_idx %arg7[%add3A_595] : memref<8192xf32, #tpu.memory_space<vmem>>[vector<16xi32>], vector<16xf32>,
      %gather3A_598 = tpu.vector_load_idx %arg8[%add3A_595] : memref<8192xf32, #tpu.memory_space<vmem>>[vector<16xi32>], vector<16xf32>,
      %add3A_599 = arith.constant 9.99999997E-7 : f32
      %add3A_600 = vector.broadcast %add3A_599 : f32 to vector<16xf32>
      %add3A_601 = arith.addf %gather3A_596, %add3A_600 : vector<16xf32>
      %sub3A_602 = arith.subf %add3A_601, %gather3A_597 : vector<16xf32>
      %mul3A_603 = arith.mulf %sub3A_602, %sub3A_602 : vector<16xf32>
      %add3A_604 = arith.addf %add3A_544, %mul3A_603 : vector<16xf32>
      %sub3A_605 = arith.subf %add3A_601, %gather3A_598 : vector<16xf32>
      %mul3A_606 = arith.mulf %sub3A_605, %sub3A_605 : vector<16xf32>
      %add3A_607 = arith.addf %add3A_547, %mul3A_606 : vector<16xf32>
      %add3A_608 = arith.constant 38 : i32
      %add3A_609 = vector.broadcast %add3A_608 : i32 to vector<16xi32>
      %add3A_610 = arith.addi %add3A_23, %add3A_609 : vector<16xi32>
      %gather3A_611 = tpu.vector_load_idx %arg6[%add3A_610] : memref<8192xf32, #tpu.memory_space<vmem>>[vector<16xi32>], vector<16xf32>,
      %gather3A_612 = tpu.vector_load_idx %arg7[%add3A_610] : memref<8192xf32, #tpu.memory_space<vmem>>[vector<16xi32>], vector<16xf32>,
      %gather3A_613 = tpu.vector_load_idx %arg8[%add3A_610] : memref<8192xf32, #tpu.memory_space<vmem>>[vector<16xi32>], vector<16xf32>,
      %add3A_614 = arith.constant 9.99999997E-7 : f32
      %add3A_615 = vector.broadcast %add3A_614 : f32 to vector<16xf32>
      %add3A_616 = arith.addf %gather3A_611, %add3A_615 : vector<16xf32>
      %sub3A_617 = arith.subf %add3A_616, %gather3A_612 : vector<16xf32>
      %mul3A_618 = arith.mulf %sub3A_617, %sub3A_617 : vector<16xf32>
      %add3A_619 = arith.addf %add3A_559, %mul3A_618 : vector<16xf32>
      %sub3A_620 = arith.subf %add3A_616, %gather3A_613 : vector<16xf32>
      %mul3A_621 = arith.mulf %sub3A_620, %sub3A_620 : vector<16xf32>
      %add3A_622 = arith.addf %add3A_562, %mul3A_621 : vector<16xf32>
      %add3A_623 = arith.constant 39 : i32
      %add3A_624 = vector.broadcast %add3A_623 : i32 to vector<16xi32>
      %add3A_625 = arith.addi %add3A_23, %add3A_624 : vector<16xi32>
      %gather3A_626 = tpu.vector_load_idx %arg6[%add3A_625] : memref<8192xf32, #tpu.memory_space<vmem>>[vector<16xi32>], vector<16xf32>,
      %gather3A_627 = tpu.vector_load_idx %arg7[%add3A_625] : memref<8192xf32, #tpu.memory_space<vmem>>[vector<16xi32>], vector<16xf32>,
      %gather3A_628 = tpu.vector_load_idx %arg8[%add3A_625] : memref<8192xf32, #tpu.memory_space<vmem>>[vector<16xi32>], vector<16xf32>,
      %add3A_629 = arith.constant 9.99999997E-7 : f32
      %add3A_630 = vector.broadcast %add3A_629 : f32 to vector<16xf32>
      %add3A_631 = arith.addf %gather3A_626, %add3A_630 : vector<16xf32>
      %sub3A_632 = arith.subf %add3A_631, %gather3A_627 : vector<16xf32>
      %mul3A_633 = arith.mulf %sub3A_632, %sub3A_632 : vector<16xf32>
      %add3A_634 = arith.addf %add3A_574, %mul3A_633 : vector<16xf32>
      %sub3A_635 = arith.subf %add3A_631, %gather3A_628 : vector<16xf32>
      %mul3A_636 = arith.mulf %sub3A_635, %sub3A_635 : vector<16xf32>
      %add3A_637 = arith.addf %add3A_577, %mul3A_636 : vector<16xf32>
      %add3A_638 = arith.constant 40 : i32
      %add3A_639 = vector.broadcast %add3A_638 : i32 to vector<16xi32>
      %add3A_640 = arith.addi %add3A_23, %add3A_639 : vector<16xi32>
      %gather3A_641 = tpu.vector_load_idx %arg6[%add3A_640] : memref<8192xf32, #tpu.memory_space<vmem>>[vector<16xi32>], vector<16xf32>,
      %gather3A_642 = tpu.vector_load_idx %arg7[%add3A_640] : memref<8192xf32, #tpu.memory_space<vmem>>[vector<16xi32>], vector<16xf32>,
      %gather3A_643 = tpu.vector_load_idx %arg8[%add3A_640] : memref<8192xf32, #tpu.memory_space<vmem>>[vector<16xi32>], vector<16xf32>,
      %add3A_644 = arith.constant 9.99999997E-7 : f32
      %add3A_645 = vector.broadcast %add3A_644 : f32 to vector<16xf32>
      %add3A_646 = arith.addf %gather3A_641, %add3A_645 : vector<16xf32>
      %sub3A_647 = arith.subf %add3A_646, %gather3A_642 : vector<16xf32>
      %mul3A_648 = arith.mulf %sub3A_647, %sub3A_647 : vector<16xf32>
      %add3A_649 = arith.addf %add3A_589, %mul3A_648 : vector<16xf32>
      %sub3A_650 = arith.subf %add3A_646, %gather3A_643 : vector<16xf32>
      %mul3A_651 = arith.mulf %sub3A_650, %sub3A_650 : vector<16xf32>
      %add3A_652 = arith.addf %add3A_592, %mul3A_651 : vector<16xf32>
      %add3A_653 = arith.constant 41 : i32
      %add3A_654 = vector.broadcast %add3A_653 : i32 to vector<16xi32>
      %add3A_655 = arith.addi %add3A_23, %add3A_654 : vector<16xi32>
      %gather3A_656 = tpu.vector_load_idx %arg6[%add3A_655] : memref<8192xf32, #tpu.memory_space<vmem>>[vector<16xi32>], vector<16xf32>,
      %gather3A_657 = tpu.vector_load_idx %arg7[%add3A_655] : memref<8192xf32, #tpu.memory_space<vmem>>[vector<16xi32>], vector<16xf32>,
      %gather3A_658 = tpu.vector_load_idx %arg8[%add3A_655] : memref<8192xf32, #tpu.memory_space<vmem>>[vector<16xi32>], vector<16xf32>,
      %add3A_659 = arith.constant 9.99999997E-7 : f32
      %add3A_660 = vector.broadcast %add3A_659 : f32 to vector<16xf32>
      %add3A_661 = arith.addf %gather3A_656, %add3A_660 : vector<16xf32>
      %sub3A_662 = arith.subf %add3A_661, %gather3A_657 : vector<16xf32>
      %mul3A_663 = arith.mulf %sub3A_662, %sub3A_662 : vector<16xf32>
      %add3A_664 = arith.addf %add3A_604, %mul3A_663 : vector<16xf32>
      %sub3A_665 = arith.subf %add3A_661, %gather3A_658 : vector<16xf32>
      %mul3A_666 = arith.mulf %sub3A_665, %sub3A_665 : vector<16xf32>
      %add3A_667 = arith.addf %add3A_607, %mul3A_666 : vector<16xf32>
      %add3A_668 = arith.constant 42 : i32
      %add3A_669 = vector.broadcast %add3A_668 : i32 to vector<16xi32>
      %add3A_670 = arith.addi %add3A_23, %add3A_669 : vector<16xi32>
      %gather3A_671 = tpu.vector_load_idx %arg6[%add3A_670] : memref<8192xf32, #tpu.memory_space<vmem>>[vector<16xi32>], vector<16xf32>,
      %gather3A_672 = tpu.vector_load_idx %arg7[%add3A_670] : memref<8192xf32, #tpu.memory_space<vmem>>[vector<16xi32>], vector<16xf32>,
      %gather3A_673 = tpu.vector_load_idx %arg8[%add3A_670] : memref<8192xf32, #tpu.memory_space<vmem>>[vector<16xi32>], vector<16xf32>,
      %add3A_674 = arith.constant 9.99999997E-7 : f32
      %add3A_675 = vector.broadcast %add3A_674 : f32 to vector<16xf32>
      %add3A_676 = arith.addf %gather3A_671, %add3A_675 : vector<16xf32>
      %sub3A_677 = arith.subf %add3A_676, %gather3A_672 : vector<16xf32>
      %mul3A_678 = arith.mulf %sub3A_677, %sub3A_677 : vector<16xf32>
      %add3A_679 = arith.addf %add3A_619, %mul3A_678 : vector<16xf32>
      %sub3A_680 = arith.subf %add3A_676, %gather3A_673 : vector<16xf32>
      %mul3A_681 = arith.mulf %sub3A_680, %sub3A_680 : vector<16xf32>
      %add3A_682 = arith.addf %add3A_622, %mul3A_681 : vector<16xf32>
      %add3A_683 = arith.constant 43 : i32
      %add3A_684 = vector.broadcast %add3A_683 : i32 to vector<16xi32>
      %add3A_685 = arith.addi %add3A_23, %add3A_684 : vector<16xi32>
      %gather3A_686 = tpu.vector_load_idx %arg6[%add3A_685] : memref<8192xf32, #tpu.memory_space<vmem>>[vector<16xi32>], vector<16xf32>,
      %gather3A_687 = tpu.vector_load_idx %arg7[%add3A_685] : memref<8192xf32, #tpu.memory_space<vmem>>[vector<16xi32>], vector<16xf32>,
      %gather3A_688 = tpu.vector_load_idx %arg8[%add3A_685] : memref<8192xf32, #tpu.memory_space<vmem>>[vector<16xi32>], vector<16xf32>,
      %add3A_689 = arith.constant 9.99999997E-7 : f32
      %add3A_690 = vector.broadcast %add3A_689 : f32 to vector<16xf32>
      %add3A_691 = arith.addf %gather3A_686, %add3A_690 : vector<16xf32>
      %sub3A_692 = arith.subf %add3A_691, %gather3A_687 : vector<16xf32>
      %mul3A_693 = arith.mulf %sub3A_692, %sub3A_692 : vector<16xf32>
      %add3A_694 = arith.addf %add3A_634, %mul3A_693 : vector<16xf32>
      %sub3A_695 = arith.subf %add3A_691, %gather3A_688 : vector<16xf32>
      %mul3A_696 = arith.mulf %sub3A_695, %sub3A_695 : vector<16xf32>
      %add3A_697 = arith.addf %add3A_637, %mul3A_696 : vector<16xf32>
      %add3A_698 = arith.constant 44 : i32
      %add3A_699 = vector.broadcast %add3A_698 : i32 to vector<16xi32>
      %add3A_700 = arith.addi %add3A_23, %add3A_699 : vector<16xi32>
      %gather3A_701 = tpu.vector_load_idx %arg6[%add3A_700] : memref<8192xf32, #tpu.memory_space<vmem>>[vector<16xi32>], vector<16xf32>,
      %gather3A_702 = tpu.vector_load_idx %arg7[%add3A_700] : memref<8192xf32, #tpu.memory_space<vmem>>[vector<16xi32>], vector<16xf32>,
      %gather3A_703 = tpu.vector_load_idx %arg8[%add3A_700] : memref<8192xf32, #tpu.memory_space<vmem>>[vector<16xi32>], vector<16xf32>,
      %add3A_704 = arith.constant 9.99999997E-7 : f32
      %add3A_705 = vector.broadcast %add3A_704 : f32 to vector<16xf32>
      %add3A_706 = arith.addf %gather3A_701, %add3A_705 : vector<16xf32>
      %sub3A_707 = arith.subf %add3A_706, %gather3A_702 : vector<16xf32>
      %mul3A_708 = arith.mulf %sub3A_707, %sub3A_707 : vector<16xf32>
      %add3A_709 = arith.addf %add3A_649, %mul3A_708 : vector<16xf32>
      %sub3A_710 = arith.subf %add3A_706, %gather3A_703 : vector<16xf32>
      %mul3A_711 = arith.mulf %sub3A_710, %sub3A_710 : vector<16xf32>
      %add3A_712 = arith.addf %add3A_652, %mul3A_711 : vector<16xf32>
      %add3A_713 = arith.constant 45 : i32
      %add3A_714 = vector.broadcast %add3A_713 : i32 to vector<16xi32>
      %add3A_715 = arith.addi %add3A_23, %add3A_714 : vector<16xi32>
      %gather3A_716 = tpu.vector_load_idx %arg6[%add3A_715] : memref<8192xf32, #tpu.memory_space<vmem>>[vector<16xi32>], vector<16xf32>,
      %gather3A_717 = tpu.vector_load_idx %arg7[%add3A_715] : memref<8192xf32, #tpu.memory_space<vmem>>[vector<16xi32>], vector<16xf32>,
      %gather3A_718 = tpu.vector_load_idx %arg8[%add3A_715] : memref<8192xf32, #tpu.memory_space<vmem>>[vector<16xi32>], vector<16xf32>,
      %add3A_719 = arith.constant 9.99999997E-7 : f32
      %add3A_720 = vector.broadcast %add3A_719 : f32 to vector<16xf32>
      %add3A_721 = arith.addf %gather3A_716, %add3A_720 : vector<16xf32>
      %sub3A_722 = arith.subf %add3A_721, %gather3A_717 : vector<16xf32>
      %mul3A_723 = arith.mulf %sub3A_722, %sub3A_722 : vector<16xf32>
      %add3A_724 = arith.addf %add3A_664, %mul3A_723 : vector<16xf32>
      %sub3A_725 = arith.subf %add3A_721, %gather3A_718 : vector<16xf32>
      %mul3A_726 = arith.mulf %sub3A_725, %sub3A_725 : vector<16xf32>
      %add3A_727 = arith.addf %add3A_667, %mul3A_726 : vector<16xf32>
      %add3A_728 = arith.constant 46 : i32
      %add3A_729 = vector.broadcast %add3A_728 : i32 to vector<16xi32>
      %add3A_730 = arith.addi %add3A_23, %add3A_729 : vector<16xi32>
      %gather3A_731 = tpu.vector_load_idx %arg6[%add3A_730] : memref<8192xf32, #tpu.memory_space<vmem>>[vector<16xi32>], vector<16xf32>,
      %gather3A_732 = tpu.vector_load_idx %arg7[%add3A_730] : memref<8192xf32, #tpu.memory_space<vmem>>[vector<16xi32>], vector<16xf32>,
      %gather3A_733 = tpu.vector_load_idx %arg8[%add3A_730] : memref<8192xf32, #tpu.memory_space<vmem>>[vector<16xi32>], vector<16xf32>,
      %add3A_734 = arith.constant 9.99999997E-7 : f32
      %add3A_735 = vector.broadcast %add3A_734 : f32 to vector<16xf32>
      %add3A_736 = arith.addf %gather3A_731, %add3A_735 : vector<16xf32>
      %sub3A_737 = arith.subf %add3A_736, %gather3A_732 : vector<16xf32>
      %mul3A_738 = arith.mulf %sub3A_737, %sub3A_737 : vector<16xf32>
      %add3A_739 = arith.addf %add3A_679, %mul3A_738 : vector<16xf32>
      %sub3A_740 = arith.subf %add3A_736, %gather3A_733 : vector<16xf32>
      %mul3A_741 = arith.mulf %sub3A_740, %sub3A_740 : vector<16xf32>
      %add3A_742 = arith.addf %add3A_682, %mul3A_741 : vector<16xf32>
      %add3A_743 = arith.constant 47 : i32
      %add3A_744 = vector.broadcast %add3A_743 : i32 to vector<16xi32>
      %add3A_745 = arith.addi %add3A_23, %add3A_744 : vector<16xi32>
      %gather3A_746 = tpu.vector_load_idx %arg6[%add3A_745] : memref<8192xf32, #tpu.memory_space<vmem>>[vector<16xi32>], vector<16xf32>,
      %gather3A_747 = tpu.vector_load_idx %arg7[%add3A_745] : memref<8192xf32, #tpu.memory_space<vmem>>[vector<16xi32>], vector<16xf32>,
      %gather3A_748 = tpu.vector_load_idx %arg8[%add3A_745] : memref<8192xf32, #tpu.memory_space<vmem>>[vector<16xi32>], vector<16xf32>,
      %add3A_749 = arith.constant 9.99999997E-7 : f32
      %add3A_750 = vector.broadcast %add3A_749 : f32 to vector<16xf32>
      %add3A_751 = arith.addf %gather3A_746, %add3A_750 : vector<16xf32>
      %sub3A_752 = arith.subf %add3A_751, %gather3A_747 : vector<16xf32>
      %mul3A_753 = arith.mulf %sub3A_752, %sub3A_752 : vector<16xf32>
      %add3A_754 = arith.addf %add3A_694, %mul3A_753 : vector<16xf32>
      %sub3A_755 = arith.subf %add3A_751, %gather3A_748 : vector<16xf32>
      %mul3A_756 = arith.mulf %sub3A_755, %sub3A_755 : vector<16xf32>
      %add3A_757 = arith.addf %add3A_697, %mul3A_756 : vector<16xf32>
      %add3A_758 = arith.constant 48 : i32
      %add3A_759 = vector.broadcast %add3A_758 : i32 to vector<16xi32>
      %add3A_760 = arith.addi %add3A_23, %add3A_759 : vector<16xi32>
      %gather3A_761 = tpu.vector_load_idx %arg6[%add3A_760] : memref<8192xf32, #tpu.memory_space<vmem>>[vector<16xi32>], vector<16xf32>,
      %gather3A_762 = tpu.vector_load_idx %arg7[%add3A_760] : memref<8192xf32, #tpu.memory_space<vmem>>[vector<16xi32>], vector<16xf32>,
      %gather3A_763 = tpu.vector_load_idx %arg8[%add3A_760] : memref<8192xf32, #tpu.memory_space<vmem>>[vector<16xi32>], vector<16xf32>,
      %add3A_764 = arith.constant 9.99999997E-7 : f32
      %add3A_765 = vector.broadcast %add3A_764 : f32 to vector<16xf32>
      %add3A_766 = arith.addf %gather3A_761, %add3A_765 : vector<16xf32>
      %sub3A_767 = arith.subf %add3A_766, %gather3A_762 : vector<16xf32>
      %mul3A_768 = arith.mulf %sub3A_767, %sub3A_767 : vector<16xf32>
      %add3A_769 = arith.addf %add3A_709, %mul3A_768 : vector<16xf32>
      %sub3A_770 = arith.subf %add3A_766, %gather3A_763 : vector<16xf32>
      %mul3A_771 = arith.mulf %sub3A_770, %sub3A_770 : vector<16xf32>
      %add3A_772 = arith.addf %add3A_712, %mul3A_771 : vector<16xf32>
      %add3A_773 = arith.constant 49 : i32
      %add3A_774 = vector.broadcast %add3A_773 : i32 to vector<16xi32>
      %add3A_775 = arith.addi %add3A_23, %add3A_774 : vector<16xi32>
      %gather3A_776 = tpu.vector_load_idx %arg6[%add3A_775] : memref<8192xf32, #tpu.memory_space<vmem>>[vector<16xi32>], vector<16xf32>,
      %gather3A_777 = tpu.vector_load_idx %arg7[%add3A_775] : memref<8192xf32, #tpu.memory_space<vmem>>[vector<16xi32>], vector<16xf32>,
      %gather3A_778 = tpu.vector_load_idx %arg8[%add3A_775] : memref<8192xf32, #tpu.memory_space<vmem>>[vector<16xi32>], vector<16xf32>,
      %add3A_779 = arith.constant 9.99999997E-7 : f32
      %add3A_780 = vector.broadcast %add3A_779 : f32 to vector<16xf32>
      %add3A_781 = arith.addf %gather3A_776, %add3A_780 : vector<16xf32>
      %sub3A_782 = arith.subf %add3A_781, %gather3A_777 : vector<16xf32>
      %mul3A_783 = arith.mulf %sub3A_782, %sub3A_782 : vector<16xf32>
      %add3A_784 = arith.addf %add3A_724, %mul3A_783 : vector<16xf32>
      %sub3A_785 = arith.subf %add3A_781, %gather3A_778 : vector<16xf32>
      %mul3A_786 = arith.mulf %sub3A_785, %sub3A_785 : vector<16xf32>
      %add3A_787 = arith.addf %add3A_727, %mul3A_786 : vector<16xf32>
      %add3A_788 = arith.constant 50 : i32
      %add3A_789 = vector.broadcast %add3A_788 : i32 to vector<16xi32>
      %add3A_790 = arith.addi %add3A_23, %add3A_789 : vector<16xi32>
      %gather3A_791 = tpu.vector_load_idx %arg6[%add3A_790] : memref<8192xf32, #tpu.memory_space<vmem>>[vector<16xi32>], vector<16xf32>,
      %gather3A_792 = tpu.vector_load_idx %arg7[%add3A_790] : memref<8192xf32, #tpu.memory_space<vmem>>[vector<16xi32>], vector<16xf32>,
      %gather3A_793 = tpu.vector_load_idx %arg8[%add3A_790] : memref<8192xf32, #tpu.memory_space<vmem>>[vector<16xi32>], vector<16xf32>,
      %add3A_794 = arith.constant 9.99999997E-7 : f32
      %add3A_795 = vector.broadcast %add3A_794 : f32 to vector<16xf32>
      %add3A_796 = arith.addf %gather3A_791, %add3A_795 : vector<16xf32>
      %sub3A_797 = arith.subf %add3A_796, %gather3A_792 : vector<16xf32>
      %mul3A_798 = arith.mulf %sub3A_797, %sub3A_797 : vector<16xf32>
      %add3A_799 = arith.addf %add3A_739, %mul3A_798 : vector<16xf32>
      %sub3A_800 = arith.subf %add3A_796, %gather3A_793 : vector<16xf32>
      %mul3A_801 = arith.mulf %sub3A_800, %sub3A_800 : vector<16xf32>
      %add3A_802 = arith.addf %add3A_742, %mul3A_801 : vector<16xf32>
      %add3A_803 = arith.constant 51 : i32
      %add3A_804 = vector.broadcast %add3A_803 : i32 to vector<16xi32>
      %add3A_805 = arith.addi %add3A_23, %add3A_804 : vector<16xi32>
      %gather3A_806 = tpu.vector_load_idx %arg6[%add3A_805] : memref<8192xf32, #tpu.memory_space<vmem>>[vector<16xi32>], vector<16xf32>,
      %gather3A_807 = tpu.vector_load_idx %arg7[%add3A_805] : memref<8192xf32, #tpu.memory_space<vmem>>[vector<16xi32>], vector<16xf32>,
      %gather3A_808 = tpu.vector_load_idx %arg8[%add3A_805] : memref<8192xf32, #tpu.memory_space<vmem>>[vector<16xi32>], vector<16xf32>,
      %add3A_809 = arith.constant 9.99999997E-7 : f32
      %add3A_810 = vector.broadcast %add3A_809 : f32 to vector<16xf32>
      %add3A_811 = arith.addf %gather3A_806, %add3A_810 : vector<16xf32>
      %sub3A_812 = arith.subf %add3A_811, %gather3A_807 : vector<16xf32>
      %mul3A_813 = arith.mulf %sub3A_812, %sub3A_812 : vector<16xf32>
      %add3A_814 = arith.addf %add3A_754, %mul3A_813 : vector<16xf32>
      %sub3A_815 = arith.subf %add3A_811, %gather3A_808 : vector<16xf32>
      %mul3A_816 = arith.mulf %sub3A_815, %sub3A_815 : vector<16xf32>
      %add3A_817 = arith.addf %add3A_757, %mul3A_816 : vector<16xf32>
      %add3A_818 = arith.constant 52 : i32
      %add3A_819 = vector.broadcast %add3A_818 : i32 to vector<16xi32>
      %add3A_820 = arith.addi %add3A_23, %add3A_819 : vector<16xi32>
      %gather3A_821 = tpu.vector_load_idx %arg6[%add3A_820] : memref<8192xf32, #tpu.memory_space<vmem>>[vector<16xi32>], vector<16xf32>,
      %gather3A_822 = tpu.vector_load_idx %arg7[%add3A_820] : memref<8192xf32, #tpu.memory_space<vmem>>[vector<16xi32>], vector<16xf32>,
      %gather3A_823 = tpu.vector_load_idx %arg8[%add3A_820] : memref<8192xf32, #tpu.memory_space<vmem>>[vector<16xi32>], vector<16xf32>,
      %add3A_824 = arith.constant 9.99999997E-7 : f32
      %add3A_825 = vector.broadcast %add3A_824 : f32 to vector<16xf32>
      %add3A_826 = arith.addf %gather3A_821, %add3A_825 : vector<16xf32>
      %sub3A_827 = arith.subf %add3A_826, %gather3A_822 : vector<16xf32>
      %mul3A_828 = arith.mulf %sub3A_827, %sub3A_827 : vector<16xf32>
      %add3A_829 = arith.addf %add3A_769, %mul3A_828 : vector<16xf32>
      %sub3A_830 = arith.subf %add3A_826, %gather3A_823 : vector<16xf32>
      %mul3A_831 = arith.mulf %sub3A_830, %sub3A_830 : vector<16xf32>
      %add3A_832 = arith.addf %add3A_772, %mul3A_831 : vector<16xf32>
      %add3A_833 = arith.constant 53 : i32
      %add3A_834 = vector.broadcast %add3A_833 : i32 to vector<16xi32>
      %add3A_835 = arith.addi %add3A_23, %add3A_834 : vector<16xi32>
      %gather3A_836 = tpu.vector_load_idx %arg6[%add3A_835] : memref<8192xf32, #tpu.memory_space<vmem>>[vector<16xi32>], vector<16xf32>,
      %gather3A_837 = tpu.vector_load_idx %arg7[%add3A_835] : memref<8192xf32, #tpu.memory_space<vmem>>[vector<16xi32>], vector<16xf32>,
      %gather3A_838 = tpu.vector_load_idx %arg8[%add3A_835] : memref<8192xf32, #tpu.memory_space<vmem>>[vector<16xi32>], vector<16xf32>,
      %add3A_839 = arith.constant 9.99999997E-7 : f32
      %add3A_840 = vector.broadcast %add3A_839 : f32 to vector<16xf32>
      %add3A_841 = arith.addf %gather3A_836, %add3A_840 : vector<16xf32>
      %sub3A_842 = arith.subf %add3A_841, %gather3A_837 : vector<16xf32>
      %mul3A_843 = arith.mulf %sub3A_842, %sub3A_842 : vector<16xf32>
      %add3A_844 = arith.addf %add3A_784, %mul3A_843 : vector<16xf32>
      %sub3A_845 = arith.subf %add3A_841, %gather3A_838 : vector<16xf32>
      %mul3A_846 = arith.mulf %sub3A_845, %sub3A_845 : vector<16xf32>
      %add3A_847 = arith.addf %add3A_787, %mul3A_846 : vector<16xf32>
      %add3A_848 = arith.constant 54 : i32
      %add3A_849 = vector.broadcast %add3A_848 : i32 to vector<16xi32>
      %add3A_850 = arith.addi %add3A_23, %add3A_849 : vector<16xi32>
      %gather3A_851 = tpu.vector_load_idx %arg6[%add3A_850] : memref<8192xf32, #tpu.memory_space<vmem>>[vector<16xi32>], vector<16xf32>,
      %gather3A_852 = tpu.vector_load_idx %arg7[%add3A_850] : memref<8192xf32, #tpu.memory_space<vmem>>[vector<16xi32>], vector<16xf32>,
      %gather3A_853 = tpu.vector_load_idx %arg8[%add3A_850] : memref<8192xf32, #tpu.memory_space<vmem>>[vector<16xi32>], vector<16xf32>,
      %add3A_854 = arith.constant 9.99999997E-7 : f32
      %add3A_855 = vector.broadcast %add3A_854 : f32 to vector<16xf32>
      %add3A_856 = arith.addf %gather3A_851, %add3A_855 : vector<16xf32>
      %sub3A_857 = arith.subf %add3A_856, %gather3A_852 : vector<16xf32>
      %mul3A_858 = arith.mulf %sub3A_857, %sub3A_857 : vector<16xf32>
      %add3A_859 = arith.addf %add3A_799, %mul3A_858 : vector<16xf32>
      %sub3A_860 = arith.subf %add3A_856, %gather3A_853 : vector<16xf32>
      %mul3A_861 = arith.mulf %sub3A_860, %sub3A_860 : vector<16xf32>
      %add3A_862 = arith.addf %add3A_802, %mul3A_861 : vector<16xf32>
      %add3A_863 = arith.constant 55 : i32
      %add3A_864 = vector.broadcast %add3A_863 : i32 to vector<16xi32>
      %add3A_865 = arith.addi %add3A_23, %add3A_864 : vector<16xi32>
      %gather3A_866 = tpu.vector_load_idx %arg6[%add3A_865] : memref<8192xf32, #tpu.memory_space<vmem>>[vector<16xi32>], vector<16xf32>,
      %gather3A_867 = tpu.vector_load_idx %arg7[%add3A_865] : memref<8192xf32, #tpu.memory_space<vmem>>[vector<16xi32>], vector<16xf32>,
      %gather3A_868 = tpu.vector_load_idx %arg8[%add3A_865] : memref<8192xf32, #tpu.memory_space<vmem>>[vector<16xi32>], vector<16xf32>,
      %add3A_869 = arith.constant 9.99999997E-7 : f32
      %add3A_870 = vector.broadcast %add3A_869 : f32 to vector<16xf32>
      %add3A_871 = arith.addf %gather3A_866, %add3A_870 : vector<16xf32>
      %sub3A_872 = arith.subf %add3A_871, %gather3A_867 : vector<16xf32>
      %mul3A_873 = arith.mulf %sub3A_872, %sub3A_872 : vector<16xf32>
      %add3A_874 = arith.addf %add3A_814, %mul3A_873 : vector<16xf32>
      %sub3A_875 = arith.subf %add3A_871, %gather3A_868 : vector<16xf32>
      %mul3A_876 = arith.mulf %sub3A_875, %sub3A_875 : vector<16xf32>
      %add3A_877 = arith.addf %add3A_817, %mul3A_876 : vector<16xf32>
      %add3A_878 = arith.constant 56 : i32
      %add3A_879 = vector.broadcast %add3A_878 : i32 to vector<16xi32>
      %add3A_880 = arith.addi %add3A_23, %add3A_879 : vector<16xi32>
      %gather3A_881 = tpu.vector_load_idx %arg6[%add3A_880] : memref<8192xf32, #tpu.memory_space<vmem>>[vector<16xi32>], vector<16xf32>,
      %gather3A_882 = tpu.vector_load_idx %arg7[%add3A_880] : memref<8192xf32, #tpu.memory_space<vmem>>[vector<16xi32>], vector<16xf32>,
      %gather3A_883 = tpu.vector_load_idx %arg8[%add3A_880] : memref<8192xf32, #tpu.memory_space<vmem>>[vector<16xi32>], vector<16xf32>,
      %add3A_884 = arith.constant 9.99999997E-7 : f32
      %add3A_885 = vector.broadcast %add3A_884 : f32 to vector<16xf32>
      %add3A_886 = arith.addf %gather3A_881, %add3A_885 : vector<16xf32>
      %sub3A_887 = arith.subf %add3A_886, %gather3A_882 : vector<16xf32>
      %mul3A_888 = arith.mulf %sub3A_887, %sub3A_887 : vector<16xf32>
      %add3A_889 = arith.addf %add3A_829, %mul3A_888 : vector<16xf32>
      %sub3A_890 = arith.subf %add3A_886, %gather3A_883 : vector<16xf32>
      %mul3A_891 = arith.mulf %sub3A_890, %sub3A_890 : vector<16xf32>
      %add3A_892 = arith.addf %add3A_832, %mul3A_891 : vector<16xf32>
      %add3A_893 = arith.constant 57 : i32
      %add3A_894 = vector.broadcast %add3A_893 : i32 to vector<16xi32>
      %add3A_895 = arith.addi %add3A_23, %add3A_894 : vector<16xi32>
      %gather3A_896 = tpu.vector_load_idx %arg6[%add3A_895] : memref<8192xf32, #tpu.memory_space<vmem>>[vector<16xi32>], vector<16xf32>,
      %gather3A_897 = tpu.vector_load_idx %arg7[%add3A_895] : memref<8192xf32, #tpu.memory_space<vmem>>[vector<16xi32>], vector<16xf32>,
      %gather3A_898 = tpu.vector_load_idx %arg8[%add3A_895] : memref<8192xf32, #tpu.memory_space<vmem>>[vector<16xi32>], vector<16xf32>,
      %add3A_899 = arith.constant 9.99999997E-7 : f32
      %add3A_900 = vector.broadcast %add3A_899 : f32 to vector<16xf32>
      %add3A_901 = arith.addf %gather3A_896, %add3A_900 : vector<16xf32>
      %sub3A_902 = arith.subf %add3A_901, %gather3A_897 : vector<16xf32>
      %mul3A_903 = arith.mulf %sub3A_902, %sub3A_902 : vector<16xf32>
      %add3A_904 = arith.addf %add3A_844, %mul3A_903 : vector<16xf32>
      %sub3A_905 = arith.subf %add3A_901, %gather3A_898 : vector<16xf32>
      %mul3A_906 = arith.mulf %sub3A_905, %sub3A_905 : vector<16xf32>
      %add3A_907 = arith.addf %add3A_847, %mul3A_906 : vector<16xf32>
      %add3A_908 = arith.constant 58 : i32
      %add3A_909 = vector.broadcast %add3A_908 : i32 to vector<16xi32>
      %add3A_910 = arith.addi %add3A_23, %add3A_909 : vector<16xi32>
      %gather3A_911 = tpu.vector_load_idx %arg6[%add3A_910] : memref<8192xf32, #tpu.memory_space<vmem>>[vector<16xi32>], vector<16xf32>,
      %gather3A_912 = tpu.vector_load_idx %arg7[%add3A_910] : memref<8192xf32, #tpu.memory_space<vmem>>[vector<16xi32>], vector<16xf32>,
      %gather3A_913 = tpu.vector_load_idx %arg8[%add3A_910] : memref<8192xf32, #tpu.memory_space<vmem>>[vector<16xi32>], vector<16xf32>,
      %add3A_914 = arith.constant 9.99999997E-7 : f32
      %add3A_915 = vector.broadcast %add3A_914 : f32 to vector<16xf32>
      %add3A_916 = arith.addf %gather3A_911, %add3A_915 : vector<16xf32>
      %sub3A_917 = arith.subf %add3A_916, %gather3A_912 : vector<16xf32>
      %mul3A_918 = arith.mulf %sub3A_917, %sub3A_917 : vector<16xf32>
      %add3A_919 = arith.addf %add3A_859, %mul3A_918 : vector<16xf32>
      %sub3A_920 = arith.subf %add3A_916, %gather3A_913 : vector<16xf32>
      %mul3A_921 = arith.mulf %sub3A_920, %sub3A_920 : vector<16xf32>
      %add3A_922 = arith.addf %add3A_862, %mul3A_921 : vector<16xf32>
      %add3A_923 = arith.constant 59 : i32
      %add3A_924 = vector.broadcast %add3A_923 : i32 to vector<16xi32>
      %add3A_925 = arith.addi %add3A_23, %add3A_924 : vector<16xi32>
      %gather3A_926 = tpu.vector_load_idx %arg6[%add3A_925] : memref<8192xf32, #tpu.memory_space<vmem>>[vector<16xi32>], vector<16xf32>,
      %gather3A_927 = tpu.vector_load_idx %arg7[%add3A_925] : memref<8192xf32, #tpu.memory_space<vmem>>[vector<16xi32>], vector<16xf32>,
      %gather3A_928 = tpu.vector_load_idx %arg8[%add3A_925] : memref<8192xf32, #tpu.memory_space<vmem>>[vector<16xi32>], vector<16xf32>,
      %add3A_929 = arith.constant 9.99999997E-7 : f32
      %add3A_930 = vector.broadcast %add3A_929 : f32 to vector<16xf32>
      %add3A_931 = arith.addf %gather3A_926, %add3A_930 : vector<16xf32>
      %sub3A_932 = arith.subf %add3A_931, %gather3A_927 : vector<16xf32>
      %mul3A_933 = arith.mulf %sub3A_932, %sub3A_932 : vector<16xf32>
      %add3A_934 = arith.addf %add3A_874, %mul3A_933 : vector<16xf32>
      %sub3A_935 = arith.subf %add3A_931, %gather3A_928 : vector<16xf32>
      %mul3A_936 = arith.mulf %sub3A_935, %sub3A_935 : vector<16xf32>
      %add3A_937 = arith.addf %add3A_877, %mul3A_936 : vector<16xf32>
      %add3A_938 = arith.constant 60 : i32
      %add3A_939 = vector.broadcast %add3A_938 : i32 to vector<16xi32>
      %add3A_940 = arith.addi %add3A_23, %add3A_939 : vector<16xi32>
      %gather3A_941 = tpu.vector_load_idx %arg6[%add3A_940] : memref<8192xf32, #tpu.memory_space<vmem>>[vector<16xi32>], vector<16xf32>,
      %gather3A_942 = tpu.vector_load_idx %arg7[%add3A_940] : memref<8192xf32, #tpu.memory_space<vmem>>[vector<16xi32>], vector<16xf32>,
      %gather3A_943 = tpu.vector_load_idx %arg8[%add3A_940] : memref<8192xf32, #tpu.memory_space<vmem>>[vector<16xi32>], vector<16xf32>,
      %add3A_944 = arith.constant 9.99999997E-7 : f32
      %add3A_945 = vector.broadcast %add3A_944 : f32 to vector<16xf32>
      %add3A_946 = arith.addf %gather3A_941, %add3A_945 : vector<16xf32>
      %sub3A_947 = arith.subf %add3A_946, %gather3A_942 : vector<16xf32>
      %mul3A_948 = arith.mulf %sub3A_947, %sub3A_947 : vector<16xf32>
      %add3A_949 = arith.addf %add3A_889, %mul3A_948 : vector<16xf32>
      %sub3A_950 = arith.subf %add3A_946, %gather3A_943 : vector<16xf32>
      %mul3A_951 = arith.mulf %sub3A_950, %sub3A_950 : vector<16xf32>
      %add3A_952 = arith.addf %add3A_892, %mul3A_951 : vector<16xf32>
      %add3A_953 = arith.constant 61 : i32
      %add3A_954 = vector.broadcast %add3A_953 : i32 to vector<16xi32>
      %add3A_955 = arith.addi %add3A_23, %add3A_954 : vector<16xi32>
      %gather3A_956 = tpu.vector_load_idx %arg6[%add3A_955] : memref<8192xf32, #tpu.memory_space<vmem>>[vector<16xi32>], vector<16xf32>,
      %gather3A_957 = tpu.vector_load_idx %arg7[%add3A_955] : memref<8192xf32, #tpu.memory_space<vmem>>[vector<16xi32>], vector<16xf32>,
      %gather3A_958 = tpu.vector_load_idx %arg8[%add3A_955] : memref<8192xf32, #tpu.memory_space<vmem>>[vector<16xi32>], vector<16xf32>,
      %add3A_959 = arith.constant 9.99999997E-7 : f32
      %add3A_960 = vector.broadcast %add3A_959 : f32 to vector<16xf32>
      %add3A_961 = arith.addf %gather3A_956, %add3A_960 : vector<16xf32>
      %sub3A_962 = arith.subf %add3A_961, %gather3A_957 : vector<16xf32>
      %mul3A_963 = arith.mulf %sub3A_962, %sub3A_962 : vector<16xf32>
      %add3A_964 = arith.addf %add3A_904, %mul3A_963 : vector<16xf32>
      %sub3A_965 = arith.subf %add3A_961, %gather3A_958 : vector<16xf32>
      %mul3A_966 = arith.mulf %sub3A_965, %sub3A_965 : vector<16xf32>
      %add3A_967 = arith.addf %add3A_907, %mul3A_966 : vector<16xf32>
      %add3A_968 = arith.constant 62 : i32
      %add3A_969 = vector.broadcast %add3A_968 : i32 to vector<16xi32>
      %add3A_970 = arith.addi %add3A_23, %add3A_969 : vector<16xi32>
      %gather3A_971 = tpu.vector_load_idx %arg6[%add3A_970] : memref<8192xf32, #tpu.memory_space<vmem>>[vector<16xi32>], vector<16xf32>,
      %gather3A_972 = tpu.vector_load_idx %arg7[%add3A_970] : memref<8192xf32, #tpu.memory_space<vmem>>[vector<16xi32>], vector<16xf32>,
      %gather3A_973 = tpu.vector_load_idx %arg8[%add3A_970] : memref<8192xf32, #tpu.memory_space<vmem>>[vector<16xi32>], vector<16xf32>,
      %add3A_974 = arith.constant 9.99999997E-7 : f32
      %add3A_975 = vector.broadcast %add3A_974 : f32 to vector<16xf32>
      %add3A_976 = arith.addf %gather3A_971, %add3A_975 : vector<16xf32>
      %sub3A_977 = arith.subf %add3A_976, %gather3A_972 : vector<16xf32>
      %mul3A_978 = arith.mulf %sub3A_977, %sub3A_977 : vector<16xf32>
      %add3A_979 = arith.addf %add3A_919, %mul3A_978 : vector<16xf32>
      %sub3A_980 = arith.subf %add3A_976, %gather3A_973 : vector<16xf32>
      %mul3A_981 = arith.mulf %sub3A_980, %sub3A_980 : vector<16xf32>
      %add3A_982 = arith.addf %add3A_922, %mul3A_981 : vector<16xf32>
      %add3A_983 = arith.constant 63 : i32
      %add3A_984 = vector.broadcast %add3A_983 : i32 to vector<16xi32>
      %add3A_985 = arith.addi %add3A_23, %add3A_984 : vector<16xi32>
      %gather3A_986 = tpu.vector_load_idx %arg6[%add3A_985] : memref<8192xf32, #tpu.memory_space<vmem>>[vector<16xi32>], vector<16xf32>,
      %gather3A_987 = tpu.vector_load_idx %arg7[%add3A_985] : memref<8192xf32, #tpu.memory_space<vmem>>[vector<16xi32>], vector<16xf32>,
      %gather3A_988 = tpu.vector_load_idx %arg8[%add3A_985] : memref<8192xf32, #tpu.memory_space<vmem>>[vector<16xi32>], vector<16xf32>,
      %add3A_989 = arith.constant 9.99999997E-7 : f32
      %add3A_990 = vector.broadcast %add3A_989 : f32 to vector<16xf32>
      %add3A_991 = arith.addf %gather3A_986, %add3A_990 : vector<16xf32>
      %sub3A_992 = arith.subf %add3A_991, %gather3A_987 : vector<16xf32>
      %mul3A_993 = arith.mulf %sub3A_992, %sub3A_992 : vector<16xf32>
      %add3A_994 = arith.addf %add3A_934, %mul3A_993 : vector<16xf32>
      %sub3A_995 = arith.subf %add3A_991, %gather3A_988 : vector<16xf32>
      %mul3A_996 = arith.mulf %sub3A_995, %sub3A_995 : vector<16xf32>
      %add3A_997 = arith.addf %add3A_937, %mul3A_996 : vector<16xf32>
      %add3A_998 = arith.constant 64 : i32
      %add3A_999 = vector.broadcast %add3A_998 : i32 to vector<16xi32>
      %add3A_1000 = arith.addi %add3A_23, %add3A_999 : vector<16xi32>
      %gather3A_1001 = tpu.vector_load_idx %arg6[%add3A_1000] : memref<8192xf32, #tpu.memory_space<vmem>>[vector<16xi32>], vector<16xf32>,
      %gather3A_1002 = tpu.vector_load_idx %arg7[%add3A_1000] : memref<8192xf32, #tpu.memory_space<vmem>>[vector<16xi32>], vector<16xf32>,
      %gather3A_1003 = tpu.vector_load_idx %arg8[%add3A_1000] : memref<8192xf32, #tpu.memory_space<vmem>>[vector<16xi32>], vector<16xf32>,
      %add3A_1004 = arith.constant 9.99999997E-7 : f32
      %add3A_1005 = vector.broadcast %add3A_1004 : f32 to vector<16xf32>
      %add3A_1006 = arith.addf %gather3A_1001, %add3A_1005 : vector<16xf32>
      %sub3A_1007 = arith.subf %add3A_1006, %gather3A_1002 : vector<16xf32>
      %mul3A_1008 = arith.mulf %sub3A_1007, %sub3A_1007 : vector<16xf32>
      %add3A_1009 = arith.addf %add3A_949, %mul3A_1008 : vector<16xf32>
      %sub3A_1010 = arith.subf %add3A_1006, %gather3A_1003 : vector<16xf32>
      %mul3A_1011 = arith.mulf %sub3A_1010, %sub3A_1010 : vector<16xf32>
      %add3A_1012 = arith.addf %add3A_952, %mul3A_1011 : vector<16xf32>
      %add3A_1013 = arith.constant 65 : i32
      %add3A_1014 = vector.broadcast %add3A_1013 : i32 to vector<16xi32>
      %add3A_1015 = arith.addi %add3A_23, %add3A_1014 : vector<16xi32>
      %gather3A_1016 = tpu.vector_load_idx %arg6[%add3A_1015] : memref<8192xf32, #tpu.memory_space<vmem>>[vector<16xi32>], vector<16xf32>,
      %gather3A_1017 = tpu.vector_load_idx %arg7[%add3A_1015] : memref<8192xf32, #tpu.memory_space<vmem>>[vector<16xi32>], vector<16xf32>,
      %gather3A_1018 = tpu.vector_load_idx %arg8[%add3A_1015] : memref<8192xf32, #tpu.memory_space<vmem>>[vector<16xi32>], vector<16xf32>,
      %add3A_1019 = arith.constant 9.99999997E-7 : f32
      %add3A_1020 = vector.broadcast %add3A_1019 : f32 to vector<16xf32>
      %add3A_1021 = arith.addf %gather3A_1016, %add3A_1020 : vector<16xf32>
      %sub3A_1022 = arith.subf %add3A_1021, %gather3A_1017 : vector<16xf32>
      %mul3A_1023 = arith.mulf %sub3A_1022, %sub3A_1022 : vector<16xf32>
      %add3A_1024 = arith.addf %add3A_964, %mul3A_1023 : vector<16xf32>
      %sub3A_1025 = arith.subf %add3A_1021, %gather3A_1018 : vector<16xf32>
      %mul3A_1026 = arith.mulf %sub3A_1025, %sub3A_1025 : vector<16xf32>
      %add3A_1027 = arith.addf %add3A_967, %mul3A_1026 : vector<16xf32>
      %add3A_1028 = arith.constant 66 : i32
      %add3A_1029 = vector.broadcast %add3A_1028 : i32 to vector<16xi32>
      %add3A_1030 = arith.addi %add3A_23, %add3A_1029 : vector<16xi32>
      %gather3A_1031 = tpu.vector_load_idx %arg6[%add3A_1030] : memref<8192xf32, #tpu.memory_space<vmem>>[vector<16xi32>], vector<16xf32>,
      %gather3A_1032 = tpu.vector_load_idx %arg7[%add3A_1030] : memref<8192xf32, #tpu.memory_space<vmem>>[vector<16xi32>], vector<16xf32>,
      %gather3A_1033 = tpu.vector_load_idx %arg8[%add3A_1030] : memref<8192xf32, #tpu.memory_space<vmem>>[vector<16xi32>], vector<16xf32>,
      %add3A_1034 = arith.constant 9.99999997E-7 : f32
      %add3A_1035 = vector.broadcast %add3A_1034 : f32 to vector<16xf32>
      %add3A_1036 = arith.addf %gather3A_1031, %add3A_1035 : vector<16xf32>
      %sub3A_1037 = arith.subf %add3A_1036, %gather3A_1032 : vector<16xf32>
      %mul3A_1038 = arith.mulf %sub3A_1037, %sub3A_1037 : vector<16xf32>
      %add3A_1039 = arith.addf %add3A_979, %mul3A_1038 : vector<16xf32>
      %sub3A_1040 = arith.subf %add3A_1036, %gather3A_1033 : vector<16xf32>
      %mul3A_1041 = arith.mulf %sub3A_1040, %sub3A_1040 : vector<16xf32>
      %add3A_1042 = arith.addf %add3A_982, %mul3A_1041 : vector<16xf32>
      %add3A_1043 = arith.constant 67 : i32
      %add3A_1044 = vector.broadcast %add3A_1043 : i32 to vector<16xi32>
      %add3A_1045 = arith.addi %add3A_23, %add3A_1044 : vector<16xi32>
      %gather3A_1046 = tpu.vector_load_idx %arg6[%add3A_1045] : memref<8192xf32, #tpu.memory_space<vmem>>[vector<16xi32>], vector<16xf32>,
      %gather3A_1047 = tpu.vector_load_idx %arg7[%add3A_1045] : memref<8192xf32, #tpu.memory_space<vmem>>[vector<16xi32>], vector<16xf32>,
      %gather3A_1048 = tpu.vector_load_idx %arg8[%add3A_1045] : memref<8192xf32, #tpu.memory_space<vmem>>[vector<16xi32>], vector<16xf32>,
      %add3A_1049 = arith.constant 9.99999997E-7 : f32
      %add3A_1050 = vector.broadcast %add3A_1049 : f32 to vector<16xf32>
      %add3A_1051 = arith.addf %gather3A_1046, %add3A_1050 : vector<16xf32>
      %sub3A_1052 = arith.subf %add3A_1051, %gather3A_1047 : vector<16xf32>
      %mul3A_1053 = arith.mulf %sub3A_1052, %sub3A_1052 : vector<16xf32>
      %add3A_1054 = arith.addf %add3A_994, %mul3A_1053 : vector<16xf32>
      %sub3A_1055 = arith.subf %add3A_1051, %gather3A_1048 : vector<16xf32>
      %mul3A_1056 = arith.mulf %sub3A_1055, %sub3A_1055 : vector<16xf32>
      %add3A_1057 = arith.addf %add3A_997, %mul3A_1056 : vector<16xf32>
      %add3A_1058 = arith.constant 68 : i32
      %add3A_1059 = vector.broadcast %add3A_1058 : i32 to vector<16xi32>
      %add3A_1060 = arith.addi %add3A_23, %add3A_1059 : vector<16xi32>
      %gather3A_1061 = tpu.vector_load_idx %arg6[%add3A_1060] : memref<8192xf32, #tpu.memory_space<vmem>>[vector<16xi32>], vector<16xf32>,
      %gather3A_1062 = tpu.vector_load_idx %arg7[%add3A_1060] : memref<8192xf32, #tpu.memory_space<vmem>>[vector<16xi32>], vector<16xf32>,
      %gather3A_1063 = tpu.vector_load_idx %arg8[%add3A_1060] : memref<8192xf32, #tpu.memory_space<vmem>>[vector<16xi32>], vector<16xf32>,
      %add3A_1064 = arith.constant 9.99999997E-7 : f32
      %add3A_1065 = vector.broadcast %add3A_1064 : f32 to vector<16xf32>
      %add3A_1066 = arith.addf %gather3A_1061, %add3A_1065 : vector<16xf32>
      %sub3A_1067 = arith.subf %add3A_1066, %gather3A_1062 : vector<16xf32>
      %mul3A_1068 = arith.mulf %sub3A_1067, %sub3A_1067 : vector<16xf32>
      %add3A_1069 = arith.addf %add3A_1009, %mul3A_1068 : vector<16xf32>
      %sub3A_1070 = arith.subf %add3A_1066, %gather3A_1063 : vector<16xf32>
      %mul3A_1071 = arith.mulf %sub3A_1070, %sub3A_1070 : vector<16xf32>
      %add3A_1072 = arith.addf %add3A_1012, %mul3A_1071 : vector<16xf32>
      %add3A_1073 = arith.constant 69 : i32
      %add3A_1074 = vector.broadcast %add3A_1073 : i32 to vector<16xi32>
      %add3A_1075 = arith.addi %add3A_23, %add3A_1074 : vector<16xi32>
      %gather3A_1076 = tpu.vector_load_idx %arg6[%add3A_1075] : memref<8192xf32, #tpu.memory_space<vmem>>[vector<16xi32>], vector<16xf32>,
      %gather3A_1077 = tpu.vector_load_idx %arg7[%add3A_1075] : memref<8192xf32, #tpu.memory_space<vmem>>[vector<16xi32>], vector<16xf32>,
      %gather3A_1078 = tpu.vector_load_idx %arg8[%add3A_1075] : memref<8192xf32, #tpu.memory_space<vmem>>[vector<16xi32>], vector<16xf32>,
      %add3A_1079 = arith.constant 9.99999997E-7 : f32
      %add3A_1080 = vector.broadcast %add3A_1079 : f32 to vector<16xf32>
      %add3A_1081 = arith.addf %gather3A_1076, %add3A_1080 : vector<16xf32>
      %sub3A_1082 = arith.subf %add3A_1081, %gather3A_1077 : vector<16xf32>
      %mul3A_1083 = arith.mulf %sub3A_1082, %sub3A_1082 : vector<16xf32>
      %add3A_1084 = arith.addf %add3A_1024, %mul3A_1083 : vector<16xf32>
      %sub3A_1085 = arith.subf %add3A_1081, %gather3A_1078 : vector<16xf32>
      %mul3A_1086 = arith.mulf %sub3A_1085, %sub3A_1085 : vector<16xf32>
      %add3A_1087 = arith.addf %add3A_1027, %mul3A_1086 : vector<16xf32>
      %add3A_1088 = arith.constant 70 : i32
      %add3A_1089 = vector.broadcast %add3A_1088 : i32 to vector<16xi32>
      %add3A_1090 = arith.addi %add3A_23, %add3A_1089 : vector<16xi32>
      %gather3A_1091 = tpu.vector_load_idx %arg6[%add3A_1090] : memref<8192xf32, #tpu.memory_space<vmem>>[vector<16xi32>], vector<16xf32>,
      %gather3A_1092 = tpu.vector_load_idx %arg7[%add3A_1090] : memref<8192xf32, #tpu.memory_space<vmem>>[vector<16xi32>], vector<16xf32>,
      %gather3A_1093 = tpu.vector_load_idx %arg8[%add3A_1090] : memref<8192xf32, #tpu.memory_space<vmem>>[vector<16xi32>], vector<16xf32>,
      %add3A_1094 = arith.constant 9.99999997E-7 : f32
      %add3A_1095 = vector.broadcast %add3A_1094 : f32 to vector<16xf32>
      %add3A_1096 = arith.addf %gather3A_1091, %add3A_1095 : vector<16xf32>
      %sub3A_1097 = arith.subf %add3A_1096, %gather3A_1092 : vector<16xf32>
      %mul3A_1098 = arith.mulf %sub3A_1097, %sub3A_1097 : vector<16xf32>
      %add3A_1099 = arith.addf %add3A_1039, %mul3A_1098 : vector<16xf32>
      %sub3A_1100 = arith.subf %add3A_1096, %gather3A_1093 : vector<16xf32>
      %mul3A_1101 = arith.mulf %sub3A_1100, %sub3A_1100 : vector<16xf32>
      %add3A_1102 = arith.addf %add3A_1042, %mul3A_1101 : vector<16xf32>
      %add3A_1103 = arith.constant 71 : i32
      %add3A_1104 = vector.broadcast %add3A_1103 : i32 to vector<16xi32>
      %add3A_1105 = arith.addi %add3A_23, %add3A_1104 : vector<16xi32>
      %gather3A_1106 = tpu.vector_load_idx %arg6[%add3A_1105] : memref<8192xf32, #tpu.memory_space<vmem>>[vector<16xi32>], vector<16xf32>,
      %gather3A_1107 = tpu.vector_load_idx %arg7[%add3A_1105] : memref<8192xf32, #tpu.memory_space<vmem>>[vector<16xi32>], vector<16xf32>,
      %gather3A_1108 = tpu.vector_load_idx %arg8[%add3A_1105] : memref<8192xf32, #tpu.memory_space<vmem>>[vector<16xi32>], vector<16xf32>,
      %add3A_1109 = arith.constant 9.99999997E-7 : f32
      %add3A_1110 = vector.broadcast %add3A_1109 : f32 to vector<16xf32>
      %add3A_1111 = arith.addf %gather3A_1106, %add3A_1110 : vector<16xf32>
      %sub3A_1112 = arith.subf %add3A_1111, %gather3A_1107 : vector<16xf32>
      %mul3A_1113 = arith.mulf %sub3A_1112, %sub3A_1112 : vector<16xf32>
      %add3A_1114 = arith.addf %add3A_1054, %mul3A_1113 : vector<16xf32>
      %sub3A_1115 = arith.subf %add3A_1111, %gather3A_1108 : vector<16xf32>
      %mul3A_1116 = arith.mulf %sub3A_1115, %sub3A_1115 : vector<16xf32>
      %add3A_1117 = arith.addf %add3A_1057, %mul3A_1116 : vector<16xf32>
      %add3A_1118 = arith.constant 72 : i32
      %add3A_1119 = vector.broadcast %add3A_1118 : i32 to vector<16xi32>
      %add3A_1120 = arith.addi %add3A_23, %add3A_1119 : vector<16xi32>
      %gather3A_1121 = tpu.vector_load_idx %arg6[%add3A_1120] : memref<8192xf32, #tpu.memory_space<vmem>>[vector<16xi32>], vector<16xf32>,
      %gather3A_1122 = tpu.vector_load_idx %arg7[%add3A_1120] : memref<8192xf32, #tpu.memory_space<vmem>>[vector<16xi32>], vector<16xf32>,
      %gather3A_1123 = tpu.vector_load_idx %arg8[%add3A_1120] : memref<8192xf32, #tpu.memory_space<vmem>>[vector<16xi32>], vector<16xf32>,
      %add3A_1124 = arith.constant 9.99999997E-7 : f32
      %add3A_1125 = vector.broadcast %add3A_1124 : f32 to vector<16xf32>
      %add3A_1126 = arith.addf %gather3A_1121, %add3A_1125 : vector<16xf32>
      %sub3A_1127 = arith.subf %add3A_1126, %gather3A_1122 : vector<16xf32>
      %mul3A_1128 = arith.mulf %sub3A_1127, %sub3A_1127 : vector<16xf32>
      %add3A_1129 = arith.addf %add3A_1069, %mul3A_1128 : vector<16xf32>
      %sub3A_1130 = arith.subf %add3A_1126, %gather3A_1123 : vector<16xf32>
      %mul3A_1131 = arith.mulf %sub3A_1130, %sub3A_1130 : vector<16xf32>
      %add3A_1132 = arith.addf %add3A_1072, %mul3A_1131 : vector<16xf32>
      %add3A_1133 = arith.constant 73 : i32
      %add3A_1134 = vector.broadcast %add3A_1133 : i32 to vector<16xi32>
      %add3A_1135 = arith.addi %add3A_23, %add3A_1134 : vector<16xi32>
      %gather3A_1136 = tpu.vector_load_idx %arg6[%add3A_1135] : memref<8192xf32, #tpu.memory_space<vmem>>[vector<16xi32>], vector<16xf32>,
      %gather3A_1137 = tpu.vector_load_idx %arg7[%add3A_1135] : memref<8192xf32, #tpu.memory_space<vmem>>[vector<16xi32>], vector<16xf32>,
      %gather3A_1138 = tpu.vector_load_idx %arg8[%add3A_1135] : memref<8192xf32, #tpu.memory_space<vmem>>[vector<16xi32>], vector<16xf32>,
      %add3A_1139 = arith.constant 9.99999997E-7 : f32
      %add3A_1140 = vector.broadcast %add3A_1139 : f32 to vector<16xf32>
      %add3A_1141 = arith.addf %gather3A_1136, %add3A_1140 : vector<16xf32>
      %sub3A_1142 = arith.subf %add3A_1141, %gather3A_1137 : vector<16xf32>
      %mul3A_1143 = arith.mulf %sub3A_1142, %sub3A_1142 : vector<16xf32>
      %add3A_1144 = arith.addf %add3A_1084, %mul3A_1143 : vector<16xf32>
      %sub3A_1145 = arith.subf %add3A_1141, %gather3A_1138 : vector<16xf32>
      %mul3A_1146 = arith.mulf %sub3A_1145, %sub3A_1145 : vector<16xf32>
      %add3A_1147 = arith.addf %add3A_1087, %mul3A_1146 : vector<16xf32>
      %add3A_1148 = arith.constant 74 : i32
      %add3A_1149 = vector.broadcast %add3A_1148 : i32 to vector<16xi32>
      %add3A_1150 = arith.addi %add3A_23, %add3A_1149 : vector<16xi32>
      %gather3A_1151 = tpu.vector_load_idx %arg6[%add3A_1150] : memref<8192xf32, #tpu.memory_space<vmem>>[vector<16xi32>], vector<16xf32>,
      %gather3A_1152 = tpu.vector_load_idx %arg7[%add3A_1150] : memref<8192xf32, #tpu.memory_space<vmem>>[vector<16xi32>], vector<16xf32>,
      %gather3A_1153 = tpu.vector_load_idx %arg8[%add3A_1150] : memref<8192xf32, #tpu.memory_space<vmem>>[vector<16xi32>], vector<16xf32>,
      %add3A_1154 = arith.constant 9.99999997E-7 : f32
      %add3A_1155 = vector.broadcast %add3A_1154 : f32 to vector<16xf32>
      %add3A_1156 = arith.addf %gather3A_1151, %add3A_1155 : vector<16xf32>
      %sub3A_1157 = arith.subf %add3A_1156, %gather3A_1152 : vector<16xf32>
      %mul3A_1158 = arith.mulf %sub3A_1157, %sub3A_1157 : vector<16xf32>
      %add3A_1159 = arith.addf %add3A_1099, %mul3A_1158 : vector<16xf32>
      %sub3A_1160 = arith.subf %add3A_1156, %gather3A_1153 : vector<16xf32>
      %mul3A_1161 = arith.mulf %sub3A_1160, %sub3A_1160 : vector<16xf32>
      %add3A_1162 = arith.addf %add3A_1102, %mul3A_1161 : vector<16xf32>
      %add3A_1163 = arith.constant 75 : i32
      %add3A_1164 = vector.broadcast %add3A_1163 : i32 to vector<16xi32>
      %add3A_1165 = arith.addi %add3A_23, %add3A_1164 : vector<16xi32>
      %gather3A_1166 = tpu.vector_load_idx %arg6[%add3A_1165] : memref<8192xf32, #tpu.memory_space<vmem>>[vector<16xi32>], vector<16xf32>,
      %gather3A_1167 = tpu.vector_load_idx %arg7[%add3A_1165] : memref<8192xf32, #tpu.memory_space<vmem>>[vector<16xi32>], vector<16xf32>,
      %gather3A_1168 = tpu.vector_load_idx %arg8[%add3A_1165] : memref<8192xf32, #tpu.memory_space<vmem>>[vector<16xi32>], vector<16xf32>,
      %add3A_1169 = arith.constant 9.99999997E-7 : f32
      %add3A_1170 = vector.broadcast %add3A_1169 : f32 to vector<16xf32>
      %add3A_1171 = arith.addf %gather3A_1166, %add3A_1170 : vector<16xf32>
      %sub3A_1172 = arith.subf %add3A_1171, %gather3A_1167 : vector<16xf32>
      %mul3A_1173 = arith.mulf %sub3A_1172, %sub3A_1172 : vector<16xf32>
      %add3A_1174 = arith.addf %add3A_1114, %mul3A_1173 : vector<16xf32>
      %sub3A_1175 = arith.subf %add3A_1171, %gather3A_1168 : vector<16xf32>
      %mul3A_1176 = arith.mulf %sub3A_1175, %sub3A_1175 : vector<16xf32>
      %add3A_1177 = arith.addf %add3A_1117, %mul3A_1176 : vector<16xf32>
      %add3A_1178 = arith.constant 76 : i32
      %add3A_1179 = vector.broadcast %add3A_1178 : i32 to vector<16xi32>
      %add3A_1180 = arith.addi %add3A_23, %add3A_1179 : vector<16xi32>
      %gather3A_1181 = tpu.vector_load_idx %arg6[%add3A_1180] : memref<8192xf32, #tpu.memory_space<vmem>>[vector<16xi32>], vector<16xf32>,
      %gather3A_1182 = tpu.vector_load_idx %arg7[%add3A_1180] : memref<8192xf32, #tpu.memory_space<vmem>>[vector<16xi32>], vector<16xf32>,
      %gather3A_1183 = tpu.vector_load_idx %arg8[%add3A_1180] : memref<8192xf32, #tpu.memory_space<vmem>>[vector<16xi32>], vector<16xf32>,
      %add3A_1184 = arith.constant 9.99999997E-7 : f32
      %add3A_1185 = vector.broadcast %add3A_1184 : f32 to vector<16xf32>
      %add3A_1186 = arith.addf %gather3A_1181, %add3A_1185 : vector<16xf32>
      %sub3A_1187 = arith.subf %add3A_1186, %gather3A_1182 : vector<16xf32>
      %mul3A_1188 = arith.mulf %sub3A_1187, %sub3A_1187 : vector<16xf32>
      %add3A_1189 = arith.addf %add3A_1129, %mul3A_1188 : vector<16xf32>
      %sub3A_1190 = arith.subf %add3A_1186, %gather3A_1183 : vector<16xf32>
      %mul3A_1191 = arith.mulf %sub3A_1190, %sub3A_1190 : vector<16xf32>
      %add3A_1192 = arith.addf %add3A_1132, %mul3A_1191 : vector<16xf32>
      %add3A_1193 = arith.constant 77 : i32
      %add3A_1194 = vector.broadcast %add3A_1193 : i32 to vector<16xi32>
      %add3A_1195 = arith.addi %add3A_23, %add3A_1194 : vector<16xi32>
      %gather3A_1196 = tpu.vector_load_idx %arg6[%add3A_1195] : memref<8192xf32, #tpu.memory_space<vmem>>[vector<16xi32>], vector<16xf32>,
      %gather3A_1197 = tpu.vector_load_idx %arg7[%add3A_1195] : memref<8192xf32, #tpu.memory_space<vmem>>[vector<16xi32>], vector<16xf32>,
      %gather3A_1198 = tpu.vector_load_idx %arg8[%add3A_1195] : memref<8192xf32, #tpu.memory_space<vmem>>[vector<16xi32>], vector<16xf32>,
      %add3A_1199 = arith.constant 9.99999997E-7 : f32
      %add3A_1200 = vector.broadcast %add3A_1199 : f32 to vector<16xf32>
      %add3A_1201 = arith.addf %gather3A_1196, %add3A_1200 : vector<16xf32>
      %sub3A_1202 = arith.subf %add3A_1201, %gather3A_1197 : vector<16xf32>
      %mul3A_1203 = arith.mulf %sub3A_1202, %sub3A_1202 : vector<16xf32>
      %add3A_1204 = arith.addf %add3A_1144, %mul3A_1203 : vector<16xf32>
      %sub3A_1205 = arith.subf %add3A_1201, %gather3A_1198 : vector<16xf32>
      %mul3A_1206 = arith.mulf %sub3A_1205, %sub3A_1205 : vector<16xf32>
      %add3A_1207 = arith.addf %add3A_1147, %mul3A_1206 : vector<16xf32>
      %add3A_1208 = arith.constant 78 : i32
      %add3A_1209 = vector.broadcast %add3A_1208 : i32 to vector<16xi32>
      %add3A_1210 = arith.addi %add3A_23, %add3A_1209 : vector<16xi32>
      %gather3A_1211 = tpu.vector_load_idx %arg6[%add3A_1210] : memref<8192xf32, #tpu.memory_space<vmem>>[vector<16xi32>], vector<16xf32>,
      %gather3A_1212 = tpu.vector_load_idx %arg7[%add3A_1210] : memref<8192xf32, #tpu.memory_space<vmem>>[vector<16xi32>], vector<16xf32>,
      %gather3A_1213 = tpu.vector_load_idx %arg8[%add3A_1210] : memref<8192xf32, #tpu.memory_space<vmem>>[vector<16xi32>], vector<16xf32>,
      %add3A_1214 = arith.constant 9.99999997E-7 : f32
      %add3A_1215 = vector.broadcast %add3A_1214 : f32 to vector<16xf32>
      %add3A_1216 = arith.addf %gather3A_1211, %add3A_1215 : vector<16xf32>
      %sub3A_1217 = arith.subf %add3A_1216, %gather3A_1212 : vector<16xf32>
      %mul3A_1218 = arith.mulf %sub3A_1217, %sub3A_1217 : vector<16xf32>
      %add3A_1219 = arith.addf %add3A_1159, %mul3A_1218 : vector<16xf32>
      %sub3A_1220 = arith.subf %add3A_1216, %gather3A_1213 : vector<16xf32>
      %mul3A_1221 = arith.mulf %sub3A_1220, %sub3A_1220 : vector<16xf32>
      %add3A_1222 = arith.addf %add3A_1162, %mul3A_1221 : vector<16xf32>
      %add3A_1223 = arith.constant 79 : i32
      %add3A_1224 = vector.broadcast %add3A_1223 : i32 to vector<16xi32>
      %add3A_1225 = arith.addi %add3A_23, %add3A_1224 : vector<16xi32>
      %gather3A_1226 = tpu.vector_load_idx %arg6[%add3A_1225] : memref<8192xf32, #tpu.memory_space<vmem>>[vector<16xi32>], vector<16xf32>,
      %gather3A_1227 = tpu.vector_load_idx %arg7[%add3A_1225] : memref<8192xf32, #tpu.memory_space<vmem>>[vector<16xi32>], vector<16xf32>,
      %gather3A_1228 = tpu.vector_load_idx %arg8[%add3A_1225] : memref<8192xf32, #tpu.memory_space<vmem>>[vector<16xi32>], vector<16xf32>,
      %add3A_1229 = arith.constant 9.99999997E-7 : f32
      %add3A_1230 = vector.broadcast %add3A_1229 : f32 to vector<16xf32>
      %add3A_1231 = arith.addf %gather3A_1226, %add3A_1230 : vector<16xf32>
      %sub3A_1232 = arith.subf %add3A_1231, %gather3A_1227 : vector<16xf32>
      %mul3A_1233 = arith.mulf %sub3A_1232, %sub3A_1232 : vector<16xf32>
      %add3A_1234 = arith.addf %add3A_1174, %mul3A_1233 : vector<16xf32>
      %sub3A_1235 = arith.subf %add3A_1231, %gather3A_1228 : vector<16xf32>
      %mul3A_1236 = arith.mulf %sub3A_1235, %sub3A_1235 : vector<16xf32>
      %add3A_1237 = arith.addf %add3A_1177, %mul3A_1236 : vector<16xf32>
      %add3A_1238 = arith.constant 80 : i32
      %add3A_1239 = vector.broadcast %add3A_1238 : i32 to vector<16xi32>
      %add3A_1240 = arith.addi %add3A_23, %add3A_1239 : vector<16xi32>
      %gather3A_1241 = tpu.vector_load_idx %arg6[%add3A_1240] : memref<8192xf32, #tpu.memory_space<vmem>>[vector<16xi32>], vector<16xf32>,
      %gather3A_1242 = tpu.vector_load_idx %arg7[%add3A_1240] : memref<8192xf32, #tpu.memory_space<vmem>>[vector<16xi32>], vector<16xf32>,
      %gather3A_1243 = tpu.vector_load_idx %arg8[%add3A_1240] : memref<8192xf32, #tpu.memory_space<vmem>>[vector<16xi32>], vector<16xf32>,
      %add3A_1244 = arith.constant 9.99999997E-7 : f32
      %add3A_1245 = vector.broadcast %add3A_1244 : f32 to vector<16xf32>
      %add3A_1246 = arith.addf %gather3A_1241, %add3A_1245 : vector<16xf32>
      %sub3A_1247 = arith.subf %add3A_1246, %gather3A_1242 : vector<16xf32>
      %mul3A_1248 = arith.mulf %sub3A_1247, %sub3A_1247 : vector<16xf32>
      %add3A_1249 = arith.addf %add3A_1189, %mul3A_1248 : vector<16xf32>
      %sub3A_1250 = arith.subf %add3A_1246, %gather3A_1243 : vector<16xf32>
      %mul3A_1251 = arith.mulf %sub3A_1250, %sub3A_1250 : vector<16xf32>
      %add3A_1252 = arith.addf %add3A_1192, %mul3A_1251 : vector<16xf32>
      %add3A_1253 = arith.constant 81 : i32
      %add3A_1254 = vector.broadcast %add3A_1253 : i32 to vector<16xi32>
      %add3A_1255 = arith.addi %add3A_23, %add3A_1254 : vector<16xi32>
      %gather3A_1256 = tpu.vector_load_idx %arg6[%add3A_1255] : memref<8192xf32, #tpu.memory_space<vmem>>[vector<16xi32>], vector<16xf32>,
      %gather3A_1257 = tpu.vector_load_idx %arg7[%add3A_1255] : memref<8192xf32, #tpu.memory_space<vmem>>[vector<16xi32>], vector<16xf32>,
      %gather3A_1258 = tpu.vector_load_idx %arg8[%add3A_1255] : memref<8192xf32, #tpu.memory_space<vmem>>[vector<16xi32>], vector<16xf32>,
      %add3A_1259 = arith.constant 9.99999997E-7 : f32
      %add3A_1260 = vector.broadcast %add3A_1259 : f32 to vector<16xf32>
      %add3A_1261 = arith.addf %gather3A_1256, %add3A_1260 : vector<16xf32>
      %sub3A_1262 = arith.subf %add3A_1261, %gather3A_1257 : vector<16xf32>
      %mul3A_1263 = arith.mulf %sub3A_1262, %sub3A_1262 : vector<16xf32>
      %add3A_1264 = arith.addf %add3A_1204, %mul3A_1263 : vector<16xf32>
      %sub3A_1265 = arith.subf %add3A_1261, %gather3A_1258 : vector<16xf32>
      %mul3A_1266 = arith.mulf %sub3A_1265, %sub3A_1265 : vector<16xf32>
      %add3A_1267 = arith.addf %add3A_1207, %mul3A_1266 : vector<16xf32>
      %add3A_1268 = arith.constant 82 : i32
      %add3A_1269 = vector.broadcast %add3A_1268 : i32 to vector<16xi32>
      %add3A_1270 = arith.addi %add3A_23, %add3A_1269 : vector<16xi32>
      %gather3A_1271 = tpu.vector_load_idx %arg6[%add3A_1270] : memref<8192xf32, #tpu.memory_space<vmem>>[vector<16xi32>], vector<16xf32>,
      %gather3A_1272 = tpu.vector_load_idx %arg7[%add3A_1270] : memref<8192xf32, #tpu.memory_space<vmem>>[vector<16xi32>], vector<16xf32>,
      %gather3A_1273 = tpu.vector_load_idx %arg8[%add3A_1270] : memref<8192xf32, #tpu.memory_space<vmem>>[vector<16xi32>], vector<16xf32>,
      %add3A_1274 = arith.constant 9.99999997E-7 : f32
      %add3A_1275 = vector.broadcast %add3A_1274 : f32 to vector<16xf32>
      %add3A_1276 = arith.addf %gather3A_1271, %add3A_1275 : vector<16xf32>
      %sub3A_1277 = arith.subf %add3A_1276, %gather3A_1272 : vector<16xf32>
      %mul3A_1278 = arith.mulf %sub3A_1277, %sub3A_1277 : vector<16xf32>
      %add3A_1279 = arith.addf %add3A_1219, %mul3A_1278 : vector<16xf32>
      %sub3A_1280 = arith.subf %add3A_1276, %gather3A_1273 : vector<16xf32>
      %mul3A_1281 = arith.mulf %sub3A_1280, %sub3A_1280 : vector<16xf32>
      %add3A_1282 = arith.addf %add3A_1222, %mul3A_1281 : vector<16xf32>
      %add3A_1283 = arith.constant 83 : i32
      %add3A_1284 = vector.broadcast %add3A_1283 : i32 to vector<16xi32>
      %add3A_1285 = arith.addi %add3A_23, %add3A_1284 : vector<16xi32>
      %gather3A_1286 = tpu.vector_load_idx %arg6[%add3A_1285] : memref<8192xf32, #tpu.memory_space<vmem>>[vector<16xi32>], vector<16xf32>,
      %gather3A_1287 = tpu.vector_load_idx %arg7[%add3A_1285] : memref<8192xf32, #tpu.memory_space<vmem>>[vector<16xi32>], vector<16xf32>,
      %gather3A_1288 = tpu.vector_load_idx %arg8[%add3A_1285] : memref<8192xf32, #tpu.memory_space<vmem>>[vector<16xi32>], vector<16xf32>,
      %add3A_1289 = arith.constant 9.99999997E-7 : f32
      %add3A_1290 = vector.broadcast %add3A_1289 : f32 to vector<16xf32>
      %add3A_1291 = arith.addf %gather3A_1286, %add3A_1290 : vector<16xf32>
      %sub3A_1292 = arith.subf %add3A_1291, %gather3A_1287 : vector<16xf32>
      %mul3A_1293 = arith.mulf %sub3A_1292, %sub3A_1292 : vector<16xf32>
      %add3A_1294 = arith.addf %add3A_1234, %mul3A_1293 : vector<16xf32>
      %sub3A_1295 = arith.subf %add3A_1291, %gather3A_1288 : vector<16xf32>
      %mul3A_1296 = arith.mulf %sub3A_1295, %sub3A_1295 : vector<16xf32>
      %add3A_1297 = arith.addf %add3A_1237, %mul3A_1296 : vector<16xf32>
      %add3A_1298 = arith.constant 84 : i32
      %add3A_1299 = vector.broadcast %add3A_1298 : i32 to vector<16xi32>
      %add3A_1300 = arith.addi %add3A_23, %add3A_1299 : vector<16xi32>
      %gather3A_1301 = tpu.vector_load_idx %arg6[%add3A_1300] : memref<8192xf32, #tpu.memory_space<vmem>>[vector<16xi32>], vector<16xf32>,
      %gather3A_1302 = tpu.vector_load_idx %arg7[%add3A_1300] : memref<8192xf32, #tpu.memory_space<vmem>>[vector<16xi32>], vector<16xf32>,
      %gather3A_1303 = tpu.vector_load_idx %arg8[%add3A_1300] : memref<8192xf32, #tpu.memory_space<vmem>>[vector<16xi32>], vector<16xf32>,
      %add3A_1304 = arith.constant 9.99999997E-7 : f32
      %add3A_1305 = vector.broadcast %add3A_1304 : f32 to vector<16xf32>
      %add3A_1306 = arith.addf %gather3A_1301, %add3A_1305 : vector<16xf32>
      %sub3A_1307 = arith.subf %add3A_1306, %gather3A_1302 : vector<16xf32>
      %mul3A_1308 = arith.mulf %sub3A_1307, %sub3A_1307 : vector<16xf32>
      %add3A_1309 = arith.addf %add3A_1249, %mul3A_1308 : vector<16xf32>
      %sub3A_1310 = arith.subf %add3A_1306, %gather3A_1303 : vector<16xf32>
      %mul3A_1311 = arith.mulf %sub3A_1310, %sub3A_1310 : vector<16xf32>
      %add3A_1312 = arith.addf %add3A_1252, %mul3A_1311 : vector<16xf32>
      %add3A_1313 = arith.constant 85 : i32
      %add3A_1314 = vector.broadcast %add3A_1313 : i32 to vector<16xi32>
      %add3A_1315 = arith.addi %add3A_23, %add3A_1314 : vector<16xi32>
      %gather3A_1316 = tpu.vector_load_idx %arg6[%add3A_1315] : memref<8192xf32, #tpu.memory_space<vmem>>[vector<16xi32>], vector<16xf32>,
      %gather3A_1317 = tpu.vector_load_idx %arg7[%add3A_1315] : memref<8192xf32, #tpu.memory_space<vmem>>[vector<16xi32>], vector<16xf32>,
      %gather3A_1318 = tpu.vector_load_idx %arg8[%add3A_1315] : memref<8192xf32, #tpu.memory_space<vmem>>[vector<16xi32>], vector<16xf32>,
      %add3A_1319 = arith.constant 9.99999997E-7 : f32
      %add3A_1320 = vector.broadcast %add3A_1319 : f32 to vector<16xf32>
      %add3A_1321 = arith.addf %gather3A_1316, %add3A_1320 : vector<16xf32>
      %sub3A_1322 = arith.subf %add3A_1321, %gather3A_1317 : vector<16xf32>
      %mul3A_1323 = arith.mulf %sub3A_1322, %sub3A_1322 : vector<16xf32>
      %add3A_1324 = arith.addf %add3A_1264, %mul3A_1323 : vector<16xf32>
      %sub3A_1325 = arith.subf %add3A_1321, %gather3A_1318 : vector<16xf32>
      %mul3A_1326 = arith.mulf %sub3A_1325, %sub3A_1325 : vector<16xf32>
      %add3A_1327 = arith.addf %add3A_1267, %mul3A_1326 : vector<16xf32>
      %add3A_1328 = arith.constant 86 : i32
      %add3A_1329 = vector.broadcast %add3A_1328 : i32 to vector<16xi32>
      %add3A_1330 = arith.addi %add3A_23, %add3A_1329 : vector<16xi32>
      %gather3A_1331 = tpu.vector_load_idx %arg6[%add3A_1330] : memref<8192xf32, #tpu.memory_space<vmem>>[vector<16xi32>], vector<16xf32>,
      %gather3A_1332 = tpu.vector_load_idx %arg7[%add3A_1330] : memref<8192xf32, #tpu.memory_space<vmem>>[vector<16xi32>], vector<16xf32>,
      %gather3A_1333 = tpu.vector_load_idx %arg8[%add3A_1330] : memref<8192xf32, #tpu.memory_space<vmem>>[vector<16xi32>], vector<16xf32>,
      %add3A_1334 = arith.constant 9.99999997E-7 : f32
      %add3A_1335 = vector.broadcast %add3A_1334 : f32 to vector<16xf32>
      %add3A_1336 = arith.addf %gather3A_1331, %add3A_1335 : vector<16xf32>
      %sub3A_1337 = arith.subf %add3A_1336, %gather3A_1332 : vector<16xf32>
      %mul3A_1338 = arith.mulf %sub3A_1337, %sub3A_1337 : vector<16xf32>
      %add3A_1339 = arith.addf %add3A_1279, %mul3A_1338 : vector<16xf32>
      %sub3A_1340 = arith.subf %add3A_1336, %gather3A_1333 : vector<16xf32>
      %mul3A_1341 = arith.mulf %sub3A_1340, %sub3A_1340 : vector<16xf32>
      %add3A_1342 = arith.addf %add3A_1282, %mul3A_1341 : vector<16xf32>
      %add3A_1343 = arith.constant 87 : i32
      %add3A_1344 = vector.broadcast %add3A_1343 : i32 to vector<16xi32>
      %add3A_1345 = arith.addi %add3A_23, %add3A_1344 : vector<16xi32>
      %gather3A_1346 = tpu.vector_load_idx %arg6[%add3A_1345] : memref<8192xf32, #tpu.memory_space<vmem>>[vector<16xi32>], vector<16xf32>,
      %gather3A_1347 = tpu.vector_load_idx %arg7[%add3A_1345] : memref<8192xf32, #tpu.memory_space<vmem>>[vector<16xi32>], vector<16xf32>,
      %gather3A_1348 = tpu.vector_load_idx %arg8[%add3A_1345] : memref<8192xf32, #tpu.memory_space<vmem>>[vector<16xi32>], vector<16xf32>,
      %add3A_1349 = arith.constant 9.99999997E-7 : f32
      %add3A_1350 = vector.broadcast %add3A_1349 : f32 to vector<16xf32>
      %add3A_1351 = arith.addf %gather3A_1346, %add3A_1350 : vector<16xf32>
      %sub3A_1352 = arith.subf %add3A_1351, %gather3A_1347 : vector<16xf32>
      %mul3A_1353 = arith.mulf %sub3A_1352, %sub3A_1352 : vector<16xf32>
      %add3A_1354 = arith.addf %add3A_1294, %mul3A_1353 : vector<16xf32>
      %sub3A_1355 = arith.subf %add3A_1351, %gather3A_1348 : vector<16xf32>
      %mul3A_1356 = arith.mulf %sub3A_1355, %sub3A_1355 : vector<16xf32>
      %add3A_1357 = arith.addf %add3A_1297, %mul3A_1356 : vector<16xf32>
      %add3A_1358 = arith.constant 88 : i32
      %add3A_1359 = vector.broadcast %add3A_1358 : i32 to vector<16xi32>
      %add3A_1360 = arith.addi %add3A_23, %add3A_1359 : vector<16xi32>
      %gather3A_1361 = tpu.vector_load_idx %arg6[%add3A_1360] : memref<8192xf32, #tpu.memory_space<vmem>>[vector<16xi32>], vector<16xf32>,
      %gather3A_1362 = tpu.vector_load_idx %arg7[%add3A_1360] : memref<8192xf32, #tpu.memory_space<vmem>>[vector<16xi32>], vector<16xf32>,
      %gather3A_1363 = tpu.vector_load_idx %arg8[%add3A_1360] : memref<8192xf32, #tpu.memory_space<vmem>>[vector<16xi32>], vector<16xf32>,
      %add3A_1364 = arith.constant 9.99999997E-7 : f32
      %add3A_1365 = vector.broadcast %add3A_1364 : f32 to vector<16xf32>
      %add3A_1366 = arith.addf %gather3A_1361, %add3A_1365 : vector<16xf32>
      %sub3A_1367 = arith.subf %add3A_1366, %gather3A_1362 : vector<16xf32>
      %mul3A_1368 = arith.mulf %sub3A_1367, %sub3A_1367 : vector<16xf32>
      %add3A_1369 = arith.addf %add3A_1309, %mul3A_1368 : vector<16xf32>
      %sub3A_1370 = arith.subf %add3A_1366, %gather3A_1363 : vector<16xf32>
      %mul3A_1371 = arith.mulf %sub3A_1370, %sub3A_1370 : vector<16xf32>
      %add3A_1372 = arith.addf %add3A_1312, %mul3A_1371 : vector<16xf32>
      %add3A_1373 = arith.constant 89 : i32
      %add3A_1374 = vector.broadcast %add3A_1373 : i32 to vector<16xi32>
      %add3A_1375 = arith.addi %add3A_23, %add3A_1374 : vector<16xi32>
      %gather3A_1376 = tpu.vector_load_idx %arg6[%add3A_1375] : memref<8192xf32, #tpu.memory_space<vmem>>[vector<16xi32>], vector<16xf32>,
      %gather3A_1377 = tpu.vector_load_idx %arg7[%add3A_1375] : memref<8192xf32, #tpu.memory_space<vmem>>[vector<16xi32>], vector<16xf32>,
      %gather3A_1378 = tpu.vector_load_idx %arg8[%add3A_1375] : memref<8192xf32, #tpu.memory_space<vmem>>[vector<16xi32>], vector<16xf32>,
      %add3A_1379 = arith.constant 9.99999997E-7 : f32
      %add3A_1380 = vector.broadcast %add3A_1379 : f32 to vector<16xf32>
      %add3A_1381 = arith.addf %gather3A_1376, %add3A_1380 : vector<16xf32>
      %sub3A_1382 = arith.subf %add3A_1381, %gather3A_1377 : vector<16xf32>
      %mul3A_1383 = arith.mulf %sub3A_1382, %sub3A_1382 : vector<16xf32>
      %add3A_1384 = arith.addf %add3A_1324, %mul3A_1383 : vector<16xf32>
      %sub3A_1385 = arith.subf %add3A_1381, %gather3A_1378 : vector<16xf32>
      %mul3A_1386 = arith.mulf %sub3A_1385, %sub3A_1385 : vector<16xf32>
      %add3A_1387 = arith.addf %add3A_1327, %mul3A_1386 : vector<16xf32>
      %add3A_1388 = arith.constant 90 : i32
      %add3A_1389 = vector.broadcast %add3A_1388 : i32 to vector<16xi32>
      %add3A_1390 = arith.addi %add3A_23, %add3A_1389 : vector<16xi32>
      %gather3A_1391 = tpu.vector_load_idx %arg6[%add3A_1390] : memref<8192xf32, #tpu.memory_space<vmem>>[vector<16xi32>], vector<16xf32>,
      %gather3A_1392 = tpu.vector_load_idx %arg7[%add3A_1390] : memref<8192xf32, #tpu.memory_space<vmem>>[vector<16xi32>], vector<16xf32>,
      %gather3A_1393 = tpu.vector_load_idx %arg8[%add3A_1390] : memref<8192xf32, #tpu.memory_space<vmem>>[vector<16xi32>], vector<16xf32>,
      %add3A_1394 = arith.constant 9.99999997E-7 : f32
      %add3A_1395 = vector.broadcast %add3A_1394 : f32 to vector<16xf32>
      %add3A_1396 = arith.addf %gather3A_1391, %add3A_1395 : vector<16xf32>
      %sub3A_1397 = arith.subf %add3A_1396, %gather3A_1392 : vector<16xf32>
      %mul3A_1398 = arith.mulf %sub3A_1397, %sub3A_1397 : vector<16xf32>
      %add3A_1399 = arith.addf %add3A_1339, %mul3A_1398 : vector<16xf32>
      %sub3A_1400 = arith.subf %add3A_1396, %gather3A_1393 : vector<16xf32>
      %mul3A_1401 = arith.mulf %sub3A_1400, %sub3A_1400 : vector<16xf32>
      %add3A_1402 = arith.addf %add3A_1342, %mul3A_1401 : vector<16xf32>
      %add3A_1403 = arith.constant 91 : i32
      %add3A_1404 = vector.broadcast %add3A_1403 : i32 to vector<16xi32>
      %add3A_1405 = arith.addi %add3A_23, %add3A_1404 : vector<16xi32>
      %gather3A_1406 = tpu.vector_load_idx %arg6[%add3A_1405] : memref<8192xf32, #tpu.memory_space<vmem>>[vector<16xi32>], vector<16xf32>,
      %gather3A_1407 = tpu.vector_load_idx %arg7[%add3A_1405] : memref<8192xf32, #tpu.memory_space<vmem>>[vector<16xi32>], vector<16xf32>,
      %gather3A_1408 = tpu.vector_load_idx %arg8[%add3A_1405] : memref<8192xf32, #tpu.memory_space<vmem>>[vector<16xi32>], vector<16xf32>,
      %add3A_1409 = arith.constant 9.99999997E-7 : f32
      %add3A_1410 = vector.broadcast %add3A_1409 : f32 to vector<16xf32>
      %add3A_1411 = arith.addf %gather3A_1406, %add3A_1410 : vector<16xf32>
      %sub3A_1412 = arith.subf %add3A_1411, %gather3A_1407 : vector<16xf32>
      %mul3A_1413 = arith.mulf %sub3A_1412, %sub3A_1412 : vector<16xf32>
      %add3A_1414 = arith.addf %add3A_1354, %mul3A_1413 : vector<16xf32>
      %sub3A_1415 = arith.subf %add3A_1411, %gather3A_1408 : vector<16xf32>
      %mul3A_1416 = arith.mulf %sub3A_1415, %sub3A_1415 : vector<16xf32>
      %add3A_1417 = arith.addf %add3A_1357, %mul3A_1416 : vector<16xf32>
      %add3A_1418 = arith.constant 92 : i32
      %add3A_1419 = vector.broadcast %add3A_1418 : i32 to vector<16xi32>
      %add3A_1420 = arith.addi %add3A_23, %add3A_1419 : vector<16xi32>
      %gather3A_1421 = tpu.vector_load_idx %arg6[%add3A_1420] : memref<8192xf32, #tpu.memory_space<vmem>>[vector<16xi32>], vector<16xf32>,
      %gather3A_1422 = tpu.vector_load_idx %arg7[%add3A_1420] : memref<8192xf32, #tpu.memory_space<vmem>>[vector<16xi32>], vector<16xf32>,
      %gather3A_1423 = tpu.vector_load_idx %arg8[%add3A_1420] : memref<8192xf32, #tpu.memory_space<vmem>>[vector<16xi32>], vector<16xf32>,
      %add3A_1424 = arith.constant 9.99999997E-7 : f32
      %add3A_1425 = vector.broadcast %add3A_1424 : f32 to vector<16xf32>
      %add3A_1426 = arith.addf %gather3A_1421, %add3A_1425 : vector<16xf32>
      %sub3A_1427 = arith.subf %add3A_1426, %gather3A_1422 : vector<16xf32>
      %mul3A_1428 = arith.mulf %sub3A_1427, %sub3A_1427 : vector<16xf32>
      %add3A_1429 = arith.addf %add3A_1369, %mul3A_1428 : vector<16xf32>
      %sub3A_1430 = arith.subf %add3A_1426, %gather3A_1423 : vector<16xf32>
      %mul3A_1431 = arith.mulf %sub3A_1430, %sub3A_1430 : vector<16xf32>
      %add3A_1432 = arith.addf %add3A_1372, %mul3A_1431 : vector<16xf32>
      %add3A_1433 = arith.constant 93 : i32
      %add3A_1434 = vector.broadcast %add3A_1433 : i32 to vector<16xi32>
      %add3A_1435 = arith.addi %add3A_23, %add3A_1434 : vector<16xi32>
      %gather3A_1436 = tpu.vector_load_idx %arg6[%add3A_1435] : memref<8192xf32, #tpu.memory_space<vmem>>[vector<16xi32>], vector<16xf32>,
      %gather3A_1437 = tpu.vector_load_idx %arg7[%add3A_1435] : memref<8192xf32, #tpu.memory_space<vmem>>[vector<16xi32>], vector<16xf32>,
      %gather3A_1438 = tpu.vector_load_idx %arg8[%add3A_1435] : memref<8192xf32, #tpu.memory_space<vmem>>[vector<16xi32>], vector<16xf32>,
      %add3A_1439 = arith.constant 9.99999997E-7 : f32
      %add3A_1440 = vector.broadcast %add3A_1439 : f32 to vector<16xf32>
      %add3A_1441 = arith.addf %gather3A_1436, %add3A_1440 : vector<16xf32>
      %sub3A_1442 = arith.subf %add3A_1441, %gather3A_1437 : vector<16xf32>
      %mul3A_1443 = arith.mulf %sub3A_1442, %sub3A_1442 : vector<16xf32>
      %add3A_1444 = arith.addf %add3A_1384, %mul3A_1443 : vector<16xf32>
      %sub3A_1445 = arith.subf %add3A_1441, %gather3A_1438 : vector<16xf32>
      %mul3A_1446 = arith.mulf %sub3A_1445, %sub3A_1445 : vector<16xf32>
      %add3A_1447 = arith.addf %add3A_1387, %mul3A_1446 : vector<16xf32>
      %add3A_1448 = arith.constant 94 : i32
      %add3A_1449 = vector.broadcast %add3A_1448 : i32 to vector<16xi32>
      %add3A_1450 = arith.addi %add3A_23, %add3A_1449 : vector<16xi32>
      %gather3A_1451 = tpu.vector_load_idx %arg6[%add3A_1450] : memref<8192xf32, #tpu.memory_space<vmem>>[vector<16xi32>], vector<16xf32>,
      %gather3A_1452 = tpu.vector_load_idx %arg7[%add3A_1450] : memref<8192xf32, #tpu.memory_space<vmem>>[vector<16xi32>], vector<16xf32>,
      %gather3A_1453 = tpu.vector_load_idx %arg8[%add3A_1450] : memref<8192xf32, #tpu.memory_space<vmem>>[vector<16xi32>], vector<16xf32>,
      %add3A_1454 = arith.constant 9.99999997E-7 : f32
      %add3A_1455 = vector.broadcast %add3A_1454 : f32 to vector<16xf32>
      %add3A_1456 = arith.addf %gather3A_1451, %add3A_1455 : vector<16xf32>
      %sub3A_1457 = arith.subf %add3A_1456, %gather3A_1452 : vector<16xf32>
      %mul3A_1458 = arith.mulf %sub3A_1457, %sub3A_1457 : vector<16xf32>
      %add3A_1459 = arith.addf %add3A_1399, %mul3A_1458 : vector<16xf32>
      %sub3A_1460 = arith.subf %add3A_1456, %gather3A_1453 : vector<16xf32>
      %mul3A_1461 = arith.mulf %sub3A_1460, %sub3A_1460 : vector<16xf32>
      %add3A_1462 = arith.addf %add3A_1402, %mul3A_1461 : vector<16xf32>
      %add3A_1463 = arith.constant 95 : i32
      %add3A_1464 = vector.broadcast %add3A_1463 : i32 to vector<16xi32>
      %add3A_1465 = arith.addi %add3A_23, %add3A_1464 : vector<16xi32>
      %gather3A_1466 = tpu.vector_load_idx %arg6[%add3A_1465] : memref<8192xf32, #tpu.memory_space<vmem>>[vector<16xi32>], vector<16xf32>,
      %gather3A_1467 = tpu.vector_load_idx %arg7[%add3A_1465] : memref<8192xf32, #tpu.memory_space<vmem>>[vector<16xi32>], vector<16xf32>,
      %gather3A_1468 = tpu.vector_load_idx %arg8[%add3A_1465] : memref<8192xf32, #tpu.memory_space<vmem>>[vector<16xi32>], vector<16xf32>,
      %add3A_1469 = arith.constant 9.99999997E-7 : f32
      %add3A_1470 = vector.broadcast %add3A_1469 : f32 to vector<16xf32>
      %add3A_1471 = arith.addf %gather3A_1466, %add3A_1470 : vector<16xf32>
      %sub3A_1472 = arith.subf %add3A_1471, %gather3A_1467 : vector<16xf32>
      %mul3A_1473 = arith.mulf %sub3A_1472, %sub3A_1472 : vector<16xf32>
      %add3A_1474 = arith.addf %add3A_1414, %mul3A_1473 : vector<16xf32>
      %sub3A_1475 = arith.subf %add3A_1471, %gather3A_1468 : vector<16xf32>
      %mul3A_1476 = arith.mulf %sub3A_1475, %sub3A_1475 : vector<16xf32>
      %add3A_1477 = arith.addf %add3A_1417, %mul3A_1476 : vector<16xf32>
      %add3A_1478 = arith.constant 96 : i32
      %add3A_1479 = vector.broadcast %add3A_1478 : i32 to vector<16xi32>
      %add3A_1480 = arith.addi %add3A_23, %add3A_1479 : vector<16xi32>
      %gather3A_1481 = tpu.vector_load_idx %arg6[%add3A_1480] : memref<8192xf32, #tpu.memory_space<vmem>>[vector<16xi32>], vector<16xf32>,
      %gather3A_1482 = tpu.vector_load_idx %arg7[%add3A_1480] : memref<8192xf32, #tpu.memory_space<vmem>>[vector<16xi32>], vector<16xf32>,
      %gather3A_1483 = tpu.vector_load_idx %arg8[%add3A_1480] : memref<8192xf32, #tpu.memory_space<vmem>>[vector<16xi32>], vector<16xf32>,
      %add3A_1484 = arith.constant 9.99999997E-7 : f32
      %add3A_1485 = vector.broadcast %add3A_1484 : f32 to vector<16xf32>
      %add3A_1486 = arith.addf %gather3A_1481, %add3A_1485 : vector<16xf32>
      %sub3A_1487 = arith.subf %add3A_1486, %gather3A_1482 : vector<16xf32>
      %mul3A_1488 = arith.mulf %sub3A_1487, %sub3A_1487 : vector<16xf32>
      %add3A_1489 = arith.addf %add3A_1429, %mul3A_1488 : vector<16xf32>
      %sub3A_1490 = arith.subf %add3A_1486, %gather3A_1483 : vector<16xf32>
      %mul3A_1491 = arith.mulf %sub3A_1490, %sub3A_1490 : vector<16xf32>
      %add3A_1492 = arith.addf %add3A_1432, %mul3A_1491 : vector<16xf32>
      %add3A_1493 = arith.constant 97 : i32
      %add3A_1494 = vector.broadcast %add3A_1493 : i32 to vector<16xi32>
      %add3A_1495 = arith.addi %add3A_23, %add3A_1494 : vector<16xi32>
      %gather3A_1496 = tpu.vector_load_idx %arg6[%add3A_1495] : memref<8192xf32, #tpu.memory_space<vmem>>[vector<16xi32>], vector<16xf32>,
      %gather3A_1497 = tpu.vector_load_idx %arg7[%add3A_1495] : memref<8192xf32, #tpu.memory_space<vmem>>[vector<16xi32>], vector<16xf32>,
      %gather3A_1498 = tpu.vector_load_idx %arg8[%add3A_1495] : memref<8192xf32, #tpu.memory_space<vmem>>[vector<16xi32>], vector<16xf32>,
      %add3A_1499 = arith.constant 9.99999997E-7 : f32
      %add3A_1500 = vector.broadcast %add3A_1499 : f32 to vector<16xf32>
      %add3A_1501 = arith.addf %gather3A_1496, %add3A_1500 : vector<16xf32>
      %sub3A_1502 = arith.subf %add3A_1501, %gather3A_1497 : vector<16xf32>
      %mul3A_1503 = arith.mulf %sub3A_1502, %sub3A_1502 : vector<16xf32>
      %add3A_1504 = arith.addf %add3A_1444, %mul3A_1503 : vector<16xf32>
      %sub3A_1505 = arith.subf %add3A_1501, %gather3A_1498 : vector<16xf32>
      %mul3A_1506 = arith.mulf %sub3A_1505, %sub3A_1505 : vector<16xf32>
      %add3A_1507 = arith.addf %add3A_1447, %mul3A_1506 : vector<16xf32>
      %add3A_1508 = arith.constant 98 : i32
      %add3A_1509 = vector.broadcast %add3A_1508 : i32 to vector<16xi32>
      %add3A_1510 = arith.addi %add3A_23, %add3A_1509 : vector<16xi32>
      %gather3A_1511 = tpu.vector_load_idx %arg6[%add3A_1510] : memref<8192xf32, #tpu.memory_space<vmem>>[vector<16xi32>], vector<16xf32>,
      %gather3A_1512 = tpu.vector_load_idx %arg7[%add3A_1510] : memref<8192xf32, #tpu.memory_space<vmem>>[vector<16xi32>], vector<16xf32>,
      %gather3A_1513 = tpu.vector_load_idx %arg8[%add3A_1510] : memref<8192xf32, #tpu.memory_space<vmem>>[vector<16xi32>], vector<16xf32>,
      %add3A_1514 = arith.constant 9.99999997E-7 : f32
      %add3A_1515 = vector.broadcast %add3A_1514 : f32 to vector<16xf32>
      %add3A_1516 = arith.addf %gather3A_1511, %add3A_1515 : vector<16xf32>
      %sub3A_1517 = arith.subf %add3A_1516, %gather3A_1512 : vector<16xf32>
      %mul3A_1518 = arith.mulf %sub3A_1517, %sub3A_1517 : vector<16xf32>
      %add3A_1519 = arith.addf %add3A_1459, %mul3A_1518 : vector<16xf32>
      %sub3A_1520 = arith.subf %add3A_1516, %gather3A_1513 : vector<16xf32>
      %mul3A_1521 = arith.mulf %sub3A_1520, %sub3A_1520 : vector<16xf32>
      %add3A_1522 = arith.addf %add3A_1462, %mul3A_1521 : vector<16xf32>
      %add3A_1523 = arith.constant 99 : i32
      %add3A_1524 = vector.broadcast %add3A_1523 : i32 to vector<16xi32>
      %add3A_1525 = arith.addi %add3A_23, %add3A_1524 : vector<16xi32>
      %gather3A_1526 = tpu.vector_load_idx %arg6[%add3A_1525] : memref<8192xf32, #tpu.memory_space<vmem>>[vector<16xi32>], vector<16xf32>,
      %gather3A_1527 = tpu.vector_load_idx %arg7[%add3A_1525] : memref<8192xf32, #tpu.memory_space<vmem>>[vector<16xi32>], vector<16xf32>,
      %gather3A_1528 = tpu.vector_load_idx %arg8[%add3A_1525] : memref<8192xf32, #tpu.memory_space<vmem>>[vector<16xi32>], vector<16xf32>,
      %add3A_1529 = arith.constant 9.99999997E-7 : f32
      %add3A_1530 = vector.broadcast %add3A_1529 : f32 to vector<16xf32>
      %add3A_1531 = arith.addf %gather3A_1526, %add3A_1530 : vector<16xf32>
      %sub3A_1532 = arith.subf %add3A_1531, %gather3A_1527 : vector<16xf32>
      %mul3A_1533 = arith.mulf %sub3A_1532, %sub3A_1532 : vector<16xf32>
      %add3A_1534 = arith.addf %add3A_1474, %mul3A_1533 : vector<16xf32>
      %sub3A_1535 = arith.subf %add3A_1531, %gather3A_1528 : vector<16xf32>
      %mul3A_1536 = arith.mulf %sub3A_1535, %sub3A_1535 : vector<16xf32>
      %add3A_1537 = arith.addf %add3A_1477, %mul3A_1536 : vector<16xf32>
      %add3A_1538 = arith.constant 100 : i32
      %add3A_1539 = vector.broadcast %add3A_1538 : i32 to vector<16xi32>
      %add3A_1540 = arith.addi %add3A_23, %add3A_1539 : vector<16xi32>
      %gather3A_1541 = tpu.vector_load_idx %arg6[%add3A_1540] : memref<8192xf32, #tpu.memory_space<vmem>>[vector<16xi32>], vector<16xf32>,
      %gather3A_1542 = tpu.vector_load_idx %arg7[%add3A_1540] : memref<8192xf32, #tpu.memory_space<vmem>>[vector<16xi32>], vector<16xf32>,
      %gather3A_1543 = tpu.vector_load_idx %arg8[%add3A_1540] : memref<8192xf32, #tpu.memory_space<vmem>>[vector<16xi32>], vector<16xf32>,
      %add3A_1544 = arith.constant 9.99999997E-7 : f32
      %add3A_1545 = vector.broadcast %add3A_1544 : f32 to vector<16xf32>
      %add3A_1546 = arith.addf %gather3A_1541, %add3A_1545 : vector<16xf32>
      %sub3A_1547 = arith.subf %add3A_1546, %gather3A_1542 : vector<16xf32>
      %mul3A_1548 = arith.mulf %sub3A_1547, %sub3A_1547 : vector<16xf32>
      %add3A_1549 = arith.addf %add3A_1489, %mul3A_1548 : vector<16xf32>
      %sub3A_1550 = arith.subf %add3A_1546, %gather3A_1543 : vector<16xf32>
      %mul3A_1551 = arith.mulf %sub3A_1550, %sub3A_1550 : vector<16xf32>
      %add3A_1552 = arith.addf %add3A_1492, %mul3A_1551 : vector<16xf32>
      %add3A_1553 = arith.constant 101 : i32
      %add3A_1554 = vector.broadcast %add3A_1553 : i32 to vector<16xi32>
      %add3A_1555 = arith.addi %add3A_23, %add3A_1554 : vector<16xi32>
      %gather3A_1556 = tpu.vector_load_idx %arg6[%add3A_1555] : memref<8192xf32, #tpu.memory_space<vmem>>[vector<16xi32>], vector<16xf32>,
      %gather3A_1557 = tpu.vector_load_idx %arg7[%add3A_1555] : memref<8192xf32, #tpu.memory_space<vmem>>[vector<16xi32>], vector<16xf32>,
      %gather3A_1558 = tpu.vector_load_idx %arg8[%add3A_1555] : memref<8192xf32, #tpu.memory_space<vmem>>[vector<16xi32>], vector<16xf32>,
      %add3A_1559 = arith.constant 9.99999997E-7 : f32
      %add3A_1560 = vector.broadcast %add3A_1559 : f32 to vector<16xf32>
      %add3A_1561 = arith.addf %gather3A_1556, %add3A_1560 : vector<16xf32>
      %sub3A_1562 = arith.subf %add3A_1561, %gather3A_1557 : vector<16xf32>
      %mul3A_1563 = arith.mulf %sub3A_1562, %sub3A_1562 : vector<16xf32>
      %add3A_1564 = arith.addf %add3A_1504, %mul3A_1563 : vector<16xf32>
      %sub3A_1565 = arith.subf %add3A_1561, %gather3A_1558 : vector<16xf32>
      %mul3A_1566 = arith.mulf %sub3A_1565, %sub3A_1565 : vector<16xf32>
      %add3A_1567 = arith.addf %add3A_1507, %mul3A_1566 : vector<16xf32>
      %add3A_1568 = arith.constant 102 : i32
      %add3A_1569 = vector.broadcast %add3A_1568 : i32 to vector<16xi32>
      %add3A_1570 = arith.addi %add3A_23, %add3A_1569 : vector<16xi32>
      %gather3A_1571 = tpu.vector_load_idx %arg6[%add3A_1570] : memref<8192xf32, #tpu.memory_space<vmem>>[vector<16xi32>], vector<16xf32>,
      %gather3A_1572 = tpu.vector_load_idx %arg7[%add3A_1570] : memref<8192xf32, #tpu.memory_space<vmem>>[vector<16xi32>], vector<16xf32>,
      %gather3A_1573 = tpu.vector_load_idx %arg8[%add3A_1570] : memref<8192xf32, #tpu.memory_space<vmem>>[vector<16xi32>], vector<16xf32>,
      %add3A_1574 = arith.constant 9.99999997E-7 : f32
      %add3A_1575 = vector.broadcast %add3A_1574 : f32 to vector<16xf32>
      %add3A_1576 = arith.addf %gather3A_1571, %add3A_1575 : vector<16xf32>
      %sub3A_1577 = arith.subf %add3A_1576, %gather3A_1572 : vector<16xf32>
      %mul3A_1578 = arith.mulf %sub3A_1577, %sub3A_1577 : vector<16xf32>
      %add3A_1579 = arith.addf %add3A_1519, %mul3A_1578 : vector<16xf32>
      %sub3A_1580 = arith.subf %add3A_1576, %gather3A_1573 : vector<16xf32>
      %mul3A_1581 = arith.mulf %sub3A_1580, %sub3A_1580 : vector<16xf32>
      %add3A_1582 = arith.addf %add3A_1522, %mul3A_1581 : vector<16xf32>
      %add3A_1583 = arith.constant 103 : i32
      %add3A_1584 = vector.broadcast %add3A_1583 : i32 to vector<16xi32>
      %add3A_1585 = arith.addi %add3A_23, %add3A_1584 : vector<16xi32>
      %gather3A_1586 = tpu.vector_load_idx %arg6[%add3A_1585] : memref<8192xf32, #tpu.memory_space<vmem>>[vector<16xi32>], vector<16xf32>,
      %gather3A_1587 = tpu.vector_load_idx %arg7[%add3A_1585] : memref<8192xf32, #tpu.memory_space<vmem>>[vector<16xi32>], vector<16xf32>,
      %gather3A_1588 = tpu.vector_load_idx %arg8[%add3A_1585] : memref<8192xf32, #tpu.memory_space<vmem>>[vector<16xi32>], vector<16xf32>,
      %add3A_1589 = arith.constant 9.99999997E-7 : f32
      %add3A_1590 = vector.broadcast %add3A_1589 : f32 to vector<16xf32>
      %add3A_1591 = arith.addf %gather3A_1586, %add3A_1590 : vector<16xf32>
      %sub3A_1592 = arith.subf %add3A_1591, %gather3A_1587 : vector<16xf32>
      %mul3A_1593 = arith.mulf %sub3A_1592, %sub3A_1592 : vector<16xf32>
      %add3A_1594 = arith.addf %add3A_1534, %mul3A_1593 : vector<16xf32>
      %sub3A_1595 = arith.subf %add3A_1591, %gather3A_1588 : vector<16xf32>
      %mul3A_1596 = arith.mulf %sub3A_1595, %sub3A_1595 : vector<16xf32>
      %add3A_1597 = arith.addf %add3A_1537, %mul3A_1596 : vector<16xf32>
      %add3A_1598 = arith.constant 104 : i32
      %add3A_1599 = vector.broadcast %add3A_1598 : i32 to vector<16xi32>
      %add3A_1600 = arith.addi %add3A_23, %add3A_1599 : vector<16xi32>
      %gather3A_1601 = tpu.vector_load_idx %arg6[%add3A_1600] : memref<8192xf32, #tpu.memory_space<vmem>>[vector<16xi32>], vector<16xf32>,
      %gather3A_1602 = tpu.vector_load_idx %arg7[%add3A_1600] : memref<8192xf32, #tpu.memory_space<vmem>>[vector<16xi32>], vector<16xf32>,
      %gather3A_1603 = tpu.vector_load_idx %arg8[%add3A_1600] : memref<8192xf32, #tpu.memory_space<vmem>>[vector<16xi32>], vector<16xf32>,
      %add3A_1604 = arith.constant 9.99999997E-7 : f32
      %add3A_1605 = vector.broadcast %add3A_1604 : f32 to vector<16xf32>
      %add3A_1606 = arith.addf %gather3A_1601, %add3A_1605 : vector<16xf32>
      %sub3A_1607 = arith.subf %add3A_1606, %gather3A_1602 : vector<16xf32>
      %mul3A_1608 = arith.mulf %sub3A_1607, %sub3A_1607 : vector<16xf32>
      %add3A_1609 = arith.addf %add3A_1549, %mul3A_1608 : vector<16xf32>
      %sub3A_1610 = arith.subf %add3A_1606, %gather3A_1603 : vector<16xf32>
      %mul3A_1611 = arith.mulf %sub3A_1610, %sub3A_1610 : vector<16xf32>
      %add3A_1612 = arith.addf %add3A_1552, %mul3A_1611 : vector<16xf32>
      %add3A_1613 = arith.constant 105 : i32
      %add3A_1614 = vector.broadcast %add3A_1613 : i32 to vector<16xi32>
      %add3A_1615 = arith.addi %add3A_23, %add3A_1614 : vector<16xi32>
      %gather3A_1616 = tpu.vector_load_idx %arg6[%add3A_1615] : memref<8192xf32, #tpu.memory_space<vmem>>[vector<16xi32>], vector<16xf32>,
      %gather3A_1617 = tpu.vector_load_idx %arg7[%add3A_1615] : memref<8192xf32, #tpu.memory_space<vmem>>[vector<16xi32>], vector<16xf32>,
      %gather3A_1618 = tpu.vector_load_idx %arg8[%add3A_1615] : memref<8192xf32, #tpu.memory_space<vmem>>[vector<16xi32>], vector<16xf32>,
      %add3A_1619 = arith.constant 9.99999997E-7 : f32
      %add3A_1620 = vector.broadcast %add3A_1619 : f32 to vector<16xf32>
      %add3A_1621 = arith.addf %gather3A_1616, %add3A_1620 : vector<16xf32>
      %sub3A_1622 = arith.subf %add3A_1621, %gather3A_1617 : vector<16xf32>
      %mul3A_1623 = arith.mulf %sub3A_1622, %sub3A_1622 : vector<16xf32>
      %add3A_1624 = arith.addf %add3A_1564, %mul3A_1623 : vector<16xf32>
      %sub3A_1625 = arith.subf %add3A_1621, %gather3A_1618 : vector<16xf32>
      %mul3A_1626 = arith.mulf %sub3A_1625, %sub3A_1625 : vector<16xf32>
      %add3A_1627 = arith.addf %add3A_1567, %mul3A_1626 : vector<16xf32>
      %add3A_1628 = arith.constant 106 : i32
      %add3A_1629 = vector.broadcast %add3A_1628 : i32 to vector<16xi32>
      %add3A_1630 = arith.addi %add3A_23, %add3A_1629 : vector<16xi32>
      %gather3A_1631 = tpu.vector_load_idx %arg6[%add3A_1630] : memref<8192xf32, #tpu.memory_space<vmem>>[vector<16xi32>], vector<16xf32>,
      %gather3A_1632 = tpu.vector_load_idx %arg7[%add3A_1630] : memref<8192xf32, #tpu.memory_space<vmem>>[vector<16xi32>], vector<16xf32>,
      %gather3A_1633 = tpu.vector_load_idx %arg8[%add3A_1630] : memref<8192xf32, #tpu.memory_space<vmem>>[vector<16xi32>], vector<16xf32>,
      %add3A_1634 = arith.constant 9.99999997E-7 : f32
      %add3A_1635 = vector.broadcast %add3A_1634 : f32 to vector<16xf32>
      %add3A_1636 = arith.addf %gather3A_1631, %add3A_1635 : vector<16xf32>
      %sub3A_1637 = arith.subf %add3A_1636, %gather3A_1632 : vector<16xf32>
      %mul3A_1638 = arith.mulf %sub3A_1637, %sub3A_1637 : vector<16xf32>
      %add3A_1639 = arith.addf %add3A_1579, %mul3A_1638 : vector<16xf32>
      %sub3A_1640 = arith.subf %add3A_1636, %gather3A_1633 : vector<16xf32>
      %mul3A_1641 = arith.mulf %sub3A_1640, %sub3A_1640 : vector<16xf32>
      %add3A_1642 = arith.addf %add3A_1582, %mul3A_1641 : vector<16xf32>
      %add3A_1643 = arith.constant 107 : i32
      %add3A_1644 = vector.broadcast %add3A_1643 : i32 to vector<16xi32>
      %add3A_1645 = arith.addi %add3A_23, %add3A_1644 : vector<16xi32>
      %gather3A_1646 = tpu.vector_load_idx %arg6[%add3A_1645] : memref<8192xf32, #tpu.memory_space<vmem>>[vector<16xi32>], vector<16xf32>,
      %gather3A_1647 = tpu.vector_load_idx %arg7[%add3A_1645] : memref<8192xf32, #tpu.memory_space<vmem>>[vector<16xi32>], vector<16xf32>,
      %gather3A_1648 = tpu.vector_load_idx %arg8[%add3A_1645] : memref<8192xf32, #tpu.memory_space<vmem>>[vector<16xi32>], vector<16xf32>,
      %add3A_1649 = arith.constant 9.99999997E-7 : f32
      %add3A_1650 = vector.broadcast %add3A_1649 : f32 to vector<16xf32>
      %add3A_1651 = arith.addf %gather3A_1646, %add3A_1650 : vector<16xf32>
      %sub3A_1652 = arith.subf %add3A_1651, %gather3A_1647 : vector<16xf32>
      %mul3A_1653 = arith.mulf %sub3A_1652, %sub3A_1652 : vector<16xf32>
      %add3A_1654 = arith.addf %add3A_1594, %mul3A_1653 : vector<16xf32>
      %sub3A_1655 = arith.subf %add3A_1651, %gather3A_1648 : vector<16xf32>
      %mul3A_1656 = arith.mulf %sub3A_1655, %sub3A_1655 : vector<16xf32>
      %add3A_1657 = arith.addf %add3A_1597, %mul3A_1656 : vector<16xf32>
      %add3A_1658 = arith.constant 108 : i32
      %add3A_1659 = vector.broadcast %add3A_1658 : i32 to vector<16xi32>
      %add3A_1660 = arith.addi %add3A_23, %add3A_1659 : vector<16xi32>
      %gather3A_1661 = tpu.vector_load_idx %arg6[%add3A_1660] : memref<8192xf32, #tpu.memory_space<vmem>>[vector<16xi32>], vector<16xf32>,
      %gather3A_1662 = tpu.vector_load_idx %arg7[%add3A_1660] : memref<8192xf32, #tpu.memory_space<vmem>>[vector<16xi32>], vector<16xf32>,
      %gather3A_1663 = tpu.vector_load_idx %arg8[%add3A_1660] : memref<8192xf32, #tpu.memory_space<vmem>>[vector<16xi32>], vector<16xf32>,
      %add3A_1664 = arith.constant 9.99999997E-7 : f32
      %add3A_1665 = vector.broadcast %add3A_1664 : f32 to vector<16xf32>
      %add3A_1666 = arith.addf %gather3A_1661, %add3A_1665 : vector<16xf32>
      %sub3A_1667 = arith.subf %add3A_1666, %gather3A_1662 : vector<16xf32>
      %mul3A_1668 = arith.mulf %sub3A_1667, %sub3A_1667 : vector<16xf32>
      %add3A_1669 = arith.addf %add3A_1609, %mul3A_1668 : vector<16xf32>
      %sub3A_1670 = arith.subf %add3A_1666, %gather3A_1663 : vector<16xf32>
      %mul3A_1671 = arith.mulf %sub3A_1670, %sub3A_1670 : vector<16xf32>
      %add3A_1672 = arith.addf %add3A_1612, %mul3A_1671 : vector<16xf32>
      %add3A_1673 = arith.constant 109 : i32
      %add3A_1674 = vector.broadcast %add3A_1673 : i32 to vector<16xi32>
      %add3A_1675 = arith.addi %add3A_23, %add3A_1674 : vector<16xi32>
      %gather3A_1676 = tpu.vector_load_idx %arg6[%add3A_1675] : memref<8192xf32, #tpu.memory_space<vmem>>[vector<16xi32>], vector<16xf32>,
      %gather3A_1677 = tpu.vector_load_idx %arg7[%add3A_1675] : memref<8192xf32, #tpu.memory_space<vmem>>[vector<16xi32>], vector<16xf32>,
      %gather3A_1678 = tpu.vector_load_idx %arg8[%add3A_1675] : memref<8192xf32, #tpu.memory_space<vmem>>[vector<16xi32>], vector<16xf32>,
      %add3A_1679 = arith.constant 9.99999997E-7 : f32
      %add3A_1680 = vector.broadcast %add3A_1679 : f32 to vector<16xf32>
      %add3A_1681 = arith.addf %gather3A_1676, %add3A_1680 : vector<16xf32>
      %sub3A_1682 = arith.subf %add3A_1681, %gather3A_1677 : vector<16xf32>
      %mul3A_1683 = arith.mulf %sub3A_1682, %sub3A_1682 : vector<16xf32>
      %add3A_1684 = arith.addf %add3A_1624, %mul3A_1683 : vector<16xf32>
      %sub3A_1685 = arith.subf %add3A_1681, %gather3A_1678 : vector<16xf32>
      %mul3A_1686 = arith.mulf %sub3A_1685, %sub3A_1685 : vector<16xf32>
      %add3A_1687 = arith.addf %add3A_1627, %mul3A_1686 : vector<16xf32>
      %add3A_1688 = arith.constant 110 : i32
      %add3A_1689 = vector.broadcast %add3A_1688 : i32 to vector<16xi32>
      %add3A_1690 = arith.addi %add3A_23, %add3A_1689 : vector<16xi32>
      %gather3A_1691 = tpu.vector_load_idx %arg6[%add3A_1690] : memref<8192xf32, #tpu.memory_space<vmem>>[vector<16xi32>], vector<16xf32>,
      %gather3A_1692 = tpu.vector_load_idx %arg7[%add3A_1690] : memref<8192xf32, #tpu.memory_space<vmem>>[vector<16xi32>], vector<16xf32>,
      %gather3A_1693 = tpu.vector_load_idx %arg8[%add3A_1690] : memref<8192xf32, #tpu.memory_space<vmem>>[vector<16xi32>], vector<16xf32>,
      %add3A_1694 = arith.constant 9.99999997E-7 : f32
      %add3A_1695 = vector.broadcast %add3A_1694 : f32 to vector<16xf32>
      %add3A_1696 = arith.addf %gather3A_1691, %add3A_1695 : vector<16xf32>
      %sub3A_1697 = arith.subf %add3A_1696, %gather3A_1692 : vector<16xf32>
      %mul3A_1698 = arith.mulf %sub3A_1697, %sub3A_1697 : vector<16xf32>
      %add3A_1699 = arith.addf %add3A_1639, %mul3A_1698 : vector<16xf32>
      %sub3A_1700 = arith.subf %add3A_1696, %gather3A_1693 : vector<16xf32>
      %mul3A_1701 = arith.mulf %sub3A_1700, %sub3A_1700 : vector<16xf32>
      %add3A_1702 = arith.addf %add3A_1642, %mul3A_1701 : vector<16xf32>
      %add3A_1703 = arith.constant 111 : i32
      %add3A_1704 = vector.broadcast %add3A_1703 : i32 to vector<16xi32>
      %add3A_1705 = arith.addi %add3A_23, %add3A_1704 : vector<16xi32>
      %gather3A_1706 = tpu.vector_load_idx %arg6[%add3A_1705] : memref<8192xf32, #tpu.memory_space<vmem>>[vector<16xi32>], vector<16xf32>,
      %gather3A_1707 = tpu.vector_load_idx %arg7[%add3A_1705] : memref<8192xf32, #tpu.memory_space<vmem>>[vector<16xi32>], vector<16xf32>,
      %gather3A_1708 = tpu.vector_load_idx %arg8[%add3A_1705] : memref<8192xf32, #tpu.memory_space<vmem>>[vector<16xi32>], vector<16xf32>,
      %add3A_1709 = arith.constant 9.99999997E-7 : f32
      %add3A_1710 = vector.broadcast %add3A_1709 : f32 to vector<16xf32>
      %add3A_1711 = arith.addf %gather3A_1706, %add3A_1710 : vector<16xf32>
      %sub3A_1712 = arith.subf %add3A_1711, %gather3A_1707 : vector<16xf32>
      %mul3A_1713 = arith.mulf %sub3A_1712, %sub3A_1712 : vector<16xf32>
      %add3A_1714 = arith.addf %add3A_1654, %mul3A_1713 : vector<16xf32>
      %sub3A_1715 = arith.subf %add3A_1711, %gather3A_1708 : vector<16xf32>
      %mul3A_1716 = arith.mulf %sub3A_1715, %sub3A_1715 : vector<16xf32>
      %add3A_1717 = arith.addf %add3A_1657, %mul3A_1716 : vector<16xf32>
      %add3A_1718 = arith.constant 112 : i32
      %add3A_1719 = vector.broadcast %add3A_1718 : i32 to vector<16xi32>
      %add3A_1720 = arith.addi %add3A_23, %add3A_1719 : vector<16xi32>
      %gather3A_1721 = tpu.vector_load_idx %arg6[%add3A_1720] : memref<8192xf32, #tpu.memory_space<vmem>>[vector<16xi32>], vector<16xf32>,
      %gather3A_1722 = tpu.vector_load_idx %arg7[%add3A_1720] : memref<8192xf32, #tpu.memory_space<vmem>>[vector<16xi32>], vector<16xf32>,
      %gather3A_1723 = tpu.vector_load_idx %arg8[%add3A_1720] : memref<8192xf32, #tpu.memory_space<vmem>>[vector<16xi32>], vector<16xf32>,
      %add3A_1724 = arith.constant 9.99999997E-7 : f32
      %add3A_1725 = vector.broadcast %add3A_1724 : f32 to vector<16xf32>
      %add3A_1726 = arith.addf %gather3A_1721, %add3A_1725 : vector<16xf32>
      %sub3A_1727 = arith.subf %add3A_1726, %gather3A_1722 : vector<16xf32>
      %mul3A_1728 = arith.mulf %sub3A_1727, %sub3A_1727 : vector<16xf32>
      %add3A_1729 = arith.addf %add3A_1669, %mul3A_1728 : vector<16xf32>
      %sub3A_1730 = arith.subf %add3A_1726, %gather3A_1723 : vector<16xf32>
      %mul3A_1731 = arith.mulf %sub3A_1730, %sub3A_1730 : vector<16xf32>
      %add3A_1732 = arith.addf %add3A_1672, %mul3A_1731 : vector<16xf32>
      %ge3A = arith.constant 15 : i32
      %ge3A_1733 = vector.broadcast %ge3A : i32 to vector<16xi32>
      %ge3A_1734 = arith.cmpi sge, %iota3A, %ge3A_1733 : vector<16xi32>
      %jit3A = arith.constant 128 : i32
      %jit3A_1735 = arith.constant 0 : i32
      %broadcast_in_dim3A_1736 = vector.broadcast %jit3A : i32 to vector<16xi32>
      %broadcast_in_dim3A_1737 = vector.broadcast %jit3A_1735 : i32 to vector<16xi32>
      %select_n3A = arith.select %ge3A_1734, %broadcast_in_dim3A_1736, %broadcast_in_dim3A_1737 : vector<16xi1>, vector<16xi32>
      %add3A_1738 = arith.constant 113 : i32
      %add3A_1739 = vector.broadcast %add3A_1738 : i32 to vector<16xi32>
      %add3A_1740 = arith.addi %add3A_23, %add3A_1739 : vector<16xi32>
      %sub3A_1741 = arith.subi %add3A_1740, %select_n3A : vector<16xi32>
      %gather3A_1742 = tpu.vector_load_idx %arg6[%sub3A_1741] : memref<8192xf32, #tpu.memory_space<vmem>>[vector<16xi32>], vector<16xf32>,
      %gather3A_1743 = tpu.vector_load_idx %arg7[%sub3A_1741] : memref<8192xf32, #tpu.memory_space<vmem>>[vector<16xi32>], vector<16xf32>,
      %gather3A_1744 = tpu.vector_load_idx %arg8[%sub3A_1741] : memref<8192xf32, #tpu.memory_space<vmem>>[vector<16xi32>], vector<16xf32>,
      %add3A_1745 = arith.constant 9.99999997E-7 : f32
      %add3A_1746 = vector.broadcast %add3A_1745 : f32 to vector<16xf32>
      %add3A_1747 = arith.addf %gather3A_1742, %add3A_1746 : vector<16xf32>
      %sub3A_1748 = arith.subf %add3A_1747, %gather3A_1743 : vector<16xf32>
      %mul3A_1749 = arith.mulf %sub3A_1748, %sub3A_1748 : vector<16xf32>
      %add3A_1750 = arith.addf %add3A_1684, %mul3A_1749 : vector<16xf32>
      %sub3A_1751 = arith.subf %add3A_1747, %gather3A_1744 : vector<16xf32>
      %mul3A_1752 = arith.mulf %sub3A_1751, %sub3A_1751 : vector<16xf32>
      %add3A_1753 = arith.addf %add3A_1687, %mul3A_1752 : vector<16xf32>
      %ge3A_1754 = arith.constant 14 : i32
      %ge3A_1755 = vector.broadcast %ge3A_1754 : i32 to vector<16xi32>
      %ge3A_1756 = arith.cmpi sge, %iota3A, %ge3A_1755 : vector<16xi32>
      %jit3A_1757 = arith.constant 128 : i32
      %jit3A_1758 = arith.constant 0 : i32
      %broadcast_in_dim3A_1759 = vector.broadcast %jit3A_1757 : i32 to vector<16xi32>
      %broadcast_in_dim3A_1760 = vector.broadcast %jit3A_1758 : i32 to vector<16xi32>
      %select_n3A_1761 = arith.select %ge3A_1756, %broadcast_in_dim3A_1759, %broadcast_in_dim3A_1760 : vector<16xi1>, vector<16xi32>
      %add3A_1762 = arith.constant 114 : i32
      %add3A_1763 = vector.broadcast %add3A_1762 : i32 to vector<16xi32>
      %add3A_1764 = arith.addi %add3A_23, %add3A_1763 : vector<16xi32>
      %sub3A_1765 = arith.subi %add3A_1764, %select_n3A_1761 : vector<16xi32>
      %gather3A_1766 = tpu.vector_load_idx %arg6[%sub3A_1765] : memref<8192xf32, #tpu.memory_space<vmem>>[vector<16xi32>], vector<16xf32>,
      %gather3A_1767 = tpu.vector_load_idx %arg7[%sub3A_1765] : memref<8192xf32, #tpu.memory_space<vmem>>[vector<16xi32>], vector<16xf32>,
      %gather3A_1768 = tpu.vector_load_idx %arg8[%sub3A_1765] : memref<8192xf32, #tpu.memory_space<vmem>>[vector<16xi32>], vector<16xf32>,
      %add3A_1769 = arith.constant 9.99999997E-7 : f32
      %add3A_1770 = vector.broadcast %add3A_1769 : f32 to vector<16xf32>
      %add3A_1771 = arith.addf %gather3A_1766, %add3A_1770 : vector<16xf32>
      %sub3A_1772 = arith.subf %add3A_1771, %gather3A_1767 : vector<16xf32>
      %mul3A_1773 = arith.mulf %sub3A_1772, %sub3A_1772 : vector<16xf32>
      %add3A_1774 = arith.addf %add3A_1699, %mul3A_1773 : vector<16xf32>
      %sub3A_1775 = arith.subf %add3A_1771, %gather3A_1768 : vector<16xf32>
      %mul3A_1776 = arith.mulf %sub3A_1775, %sub3A_1775 : vector<16xf32>
      %add3A_1777 = arith.addf %add3A_1702, %mul3A_1776 : vector<16xf32>
      %ge3A_1778 = arith.constant 13 : i32
      %ge3A_1779 = vector.broadcast %ge3A_1778 : i32 to vector<16xi32>
      %ge3A_1780 = arith.cmpi sge, %iota3A, %ge3A_1779 : vector<16xi32>
      %jit3A_1781 = arith.constant 128 : i32
      %jit3A_1782 = arith.constant 0 : i32
      %broadcast_in_dim3A_1783 = vector.broadcast %jit3A_1781 : i32 to vector<16xi32>
      %broadcast_in_dim3A_1784 = vector.broadcast %jit3A_1782 : i32 to vector<16xi32>
      %select_n3A_1785 = arith.select %ge3A_1780, %broadcast_in_dim3A_1783, %broadcast_in_dim3A_1784 : vector<16xi1>, vector<16xi32>
      %add3A_1786 = arith.constant 115 : i32
      %add3A_1787 = vector.broadcast %add3A_1786 : i32 to vector<16xi32>
      %add3A_1788 = arith.addi %add3A_23, %add3A_1787 : vector<16xi32>
      %sub3A_1789 = arith.subi %add3A_1788, %select_n3A_1785 : vector<16xi32>
      %gather3A_1790 = tpu.vector_load_idx %arg6[%sub3A_1789] : memref<8192xf32, #tpu.memory_space<vmem>>[vector<16xi32>], vector<16xf32>,
      %gather3A_1791 = tpu.vector_load_idx %arg7[%sub3A_1789] : memref<8192xf32, #tpu.memory_space<vmem>>[vector<16xi32>], vector<16xf32>,
      %gather3A_1792 = tpu.vector_load_idx %arg8[%sub3A_1789] : memref<8192xf32, #tpu.memory_space<vmem>>[vector<16xi32>], vector<16xf32>,
      %add3A_1793 = arith.constant 9.99999997E-7 : f32
      %add3A_1794 = vector.broadcast %add3A_1793 : f32 to vector<16xf32>
      %add3A_1795 = arith.addf %gather3A_1790, %add3A_1794 : vector<16xf32>
      %sub3A_1796 = arith.subf %add3A_1795, %gather3A_1791 : vector<16xf32>
      %mul3A_1797 = arith.mulf %sub3A_1796, %sub3A_1796 : vector<16xf32>
      %add3A_1798 = arith.addf %add3A_1714, %mul3A_1797 : vector<16xf32>
      %sub3A_1799 = arith.subf %add3A_1795, %gather3A_1792 : vector<16xf32>
      %mul3A_1800 = arith.mulf %sub3A_1799, %sub3A_1799 : vector<16xf32>
      %add3A_1801 = arith.addf %add3A_1717, %mul3A_1800 : vector<16xf32>
      %ge3A_1802 = arith.constant 12 : i32
      %ge3A_1803 = vector.broadcast %ge3A_1802 : i32 to vector<16xi32>
      %ge3A_1804 = arith.cmpi sge, %iota3A, %ge3A_1803 : vector<16xi32>
      %jit3A_1805 = arith.constant 128 : i32
      %jit3A_1806 = arith.constant 0 : i32
      %broadcast_in_dim3A_1807 = vector.broadcast %jit3A_1805 : i32 to vector<16xi32>
      %broadcast_in_dim3A_1808 = vector.broadcast %jit3A_1806 : i32 to vector<16xi32>
      %select_n3A_1809 = arith.select %ge3A_1804, %broadcast_in_dim3A_1807, %broadcast_in_dim3A_1808 : vector<16xi1>, vector<16xi32>
      %add3A_1810 = arith.constant 116 : i32
      %add3A_1811 = vector.broadcast %add3A_1810 : i32 to vector<16xi32>
      %add3A_1812 = arith.addi %add3A_23, %add3A_1811 : vector<16xi32>
      %sub3A_1813 = arith.subi %add3A_1812, %select_n3A_1809 : vector<16xi32>
      %gather3A_1814 = tpu.vector_load_idx %arg6[%sub3A_1813] : memref<8192xf32, #tpu.memory_space<vmem>>[vector<16xi32>], vector<16xf32>,
      %gather3A_1815 = tpu.vector_load_idx %arg7[%sub3A_1813] : memref<8192xf32, #tpu.memory_space<vmem>>[vector<16xi32>], vector<16xf32>,
      %gather3A_1816 = tpu.vector_load_idx %arg8[%sub3A_1813] : memref<8192xf32, #tpu.memory_space<vmem>>[vector<16xi32>], vector<16xf32>,
      %add3A_1817 = arith.constant 9.99999997E-7 : f32
      %add3A_1818 = vector.broadcast %add3A_1817 : f32 to vector<16xf32>
      %add3A_1819 = arith.addf %gather3A_1814, %add3A_1818 : vector<16xf32>
      %sub3A_1820 = arith.subf %add3A_1819, %gather3A_1815 : vector<16xf32>
      %mul3A_1821 = arith.mulf %sub3A_1820, %sub3A_1820 : vector<16xf32>
      %add3A_1822 = arith.addf %add3A_1729, %mul3A_1821 : vector<16xf32>
      %sub3A_1823 = arith.subf %add3A_1819, %gather3A_1816 : vector<16xf32>
      %mul3A_1824 = arith.mulf %sub3A_1823, %sub3A_1823 : vector<16xf32>
      %add3A_1825 = arith.addf %add3A_1732, %mul3A_1824 : vector<16xf32>
      %ge3A_1826 = arith.constant 11 : i32
      %ge3A_1827 = vector.broadcast %ge3A_1826 : i32 to vector<16xi32>
      %ge3A_1828 = arith.cmpi sge, %iota3A, %ge3A_1827 : vector<16xi32>
      %jit3A_1829 = arith.constant 128 : i32
      %jit3A_1830 = arith.constant 0 : i32
      %broadcast_in_dim3A_1831 = vector.broadcast %jit3A_1829 : i32 to vector<16xi32>
      %broadcast_in_dim3A_1832 = vector.broadcast %jit3A_1830 : i32 to vector<16xi32>
      %select_n3A_1833 = arith.select %ge3A_1828, %broadcast_in_dim3A_1831, %broadcast_in_dim3A_1832 : vector<16xi1>, vector<16xi32>
      %add3A_1834 = arith.constant 117 : i32
      %add3A_1835 = vector.broadcast %add3A_1834 : i32 to vector<16xi32>
      %add3A_1836 = arith.addi %add3A_23, %add3A_1835 : vector<16xi32>
      %sub3A_1837 = arith.subi %add3A_1836, %select_n3A_1833 : vector<16xi32>
      %gather3A_1838 = tpu.vector_load_idx %arg6[%sub3A_1837] : memref<8192xf32, #tpu.memory_space<vmem>>[vector<16xi32>], vector<16xf32>,
      %gather3A_1839 = tpu.vector_load_idx %arg7[%sub3A_1837] : memref<8192xf32, #tpu.memory_space<vmem>>[vector<16xi32>], vector<16xf32>,
      %gather3A_1840 = tpu.vector_load_idx %arg8[%sub3A_1837] : memref<8192xf32, #tpu.memory_space<vmem>>[vector<16xi32>], vector<16xf32>,
      %add3A_1841 = arith.constant 9.99999997E-7 : f32
      %add3A_1842 = vector.broadcast %add3A_1841 : f32 to vector<16xf32>
      %add3A_1843 = arith.addf %gather3A_1838, %add3A_1842 : vector<16xf32>
      %sub3A_1844 = arith.subf %add3A_1843, %gather3A_1839 : vector<16xf32>
      %mul3A_1845 = arith.mulf %sub3A_1844, %sub3A_1844 : vector<16xf32>
      %add3A_1846 = arith.addf %add3A_1750, %mul3A_1845 : vector<16xf32>
      %sub3A_1847 = arith.subf %add3A_1843, %gather3A_1840 : vector<16xf32>
      %mul3A_1848 = arith.mulf %sub3A_1847, %sub3A_1847 : vector<16xf32>
      %add3A_1849 = arith.addf %add3A_1753, %mul3A_1848 : vector<16xf32>
      %ge3A_1850 = arith.constant 10 : i32
      %ge3A_1851 = vector.broadcast %ge3A_1850 : i32 to vector<16xi32>
      %ge3A_1852 = arith.cmpi sge, %iota3A, %ge3A_1851 : vector<16xi32>
      %jit3A_1853 = arith.constant 128 : i32
      %jit3A_1854 = arith.constant 0 : i32
      %broadcast_in_dim3A_1855 = vector.broadcast %jit3A_1853 : i32 to vector<16xi32>
      %broadcast_in_dim3A_1856 = vector.broadcast %jit3A_1854 : i32 to vector<16xi32>
      %select_n3A_1857 = arith.select %ge3A_1852, %broadcast_in_dim3A_1855, %broadcast_in_dim3A_1856 : vector<16xi1>, vector<16xi32>
      %add3A_1858 = arith.constant 118 : i32
      %add3A_1859 = vector.broadcast %add3A_1858 : i32 to vector<16xi32>
      %add3A_1860 = arith.addi %add3A_23, %add3A_1859 : vector<16xi32>
      %sub3A_1861 = arith.subi %add3A_1860, %select_n3A_1857 : vector<16xi32>
      %gather3A_1862 = tpu.vector_load_idx %arg6[%sub3A_1861] : memref<8192xf32, #tpu.memory_space<vmem>>[vector<16xi32>], vector<16xf32>,
      %gather3A_1863 = tpu.vector_load_idx %arg7[%sub3A_1861] : memref<8192xf32, #tpu.memory_space<vmem>>[vector<16xi32>], vector<16xf32>,
      %gather3A_1864 = tpu.vector_load_idx %arg8[%sub3A_1861] : memref<8192xf32, #tpu.memory_space<vmem>>[vector<16xi32>], vector<16xf32>,
      %add3A_1865 = arith.constant 9.99999997E-7 : f32
      %add3A_1866 = vector.broadcast %add3A_1865 : f32 to vector<16xf32>
      %add3A_1867 = arith.addf %gather3A_1862, %add3A_1866 : vector<16xf32>
      %sub3A_1868 = arith.subf %add3A_1867, %gather3A_1863 : vector<16xf32>
      %mul3A_1869 = arith.mulf %sub3A_1868, %sub3A_1868 : vector<16xf32>
      %add3A_1870 = arith.addf %add3A_1774, %mul3A_1869 : vector<16xf32>
      %sub3A_1871 = arith.subf %add3A_1867, %gather3A_1864 : vector<16xf32>
      %mul3A_1872 = arith.mulf %sub3A_1871, %sub3A_1871 : vector<16xf32>
      %add3A_1873 = arith.addf %add3A_1777, %mul3A_1872 : vector<16xf32>
      %ge3A_1874 = arith.constant 9 : i32
      %ge3A_1875 = vector.broadcast %ge3A_1874 : i32 to vector<16xi32>
      %ge3A_1876 = arith.cmpi sge, %iota3A, %ge3A_1875 : vector<16xi32>
      %jit3A_1877 = arith.constant 128 : i32
      %jit3A_1878 = arith.constant 0 : i32
      %broadcast_in_dim3A_1879 = vector.broadcast %jit3A_1877 : i32 to vector<16xi32>
      %broadcast_in_dim3A_1880 = vector.broadcast %jit3A_1878 : i32 to vector<16xi32>
      %select_n3A_1881 = arith.select %ge3A_1876, %broadcast_in_dim3A_1879, %broadcast_in_dim3A_1880 : vector<16xi1>, vector<16xi32>
      %add3A_1882 = arith.constant 119 : i32
      %add3A_1883 = vector.broadcast %add3A_1882 : i32 to vector<16xi32>
      %add3A_1884 = arith.addi %add3A_23, %add3A_1883 : vector<16xi32>
      %sub3A_1885 = arith.subi %add3A_1884, %select_n3A_1881 : vector<16xi32>
      %gather3A_1886 = tpu.vector_load_idx %arg6[%sub3A_1885] : memref<8192xf32, #tpu.memory_space<vmem>>[vector<16xi32>], vector<16xf32>,
      %gather3A_1887 = tpu.vector_load_idx %arg7[%sub3A_1885] : memref<8192xf32, #tpu.memory_space<vmem>>[vector<16xi32>], vector<16xf32>,
      %gather3A_1888 = tpu.vector_load_idx %arg8[%sub3A_1885] : memref<8192xf32, #tpu.memory_space<vmem>>[vector<16xi32>], vector<16xf32>,
      %add3A_1889 = arith.constant 9.99999997E-7 : f32
      %add3A_1890 = vector.broadcast %add3A_1889 : f32 to vector<16xf32>
      %add3A_1891 = arith.addf %gather3A_1886, %add3A_1890 : vector<16xf32>
      %sub3A_1892 = arith.subf %add3A_1891, %gather3A_1887 : vector<16xf32>
      %mul3A_1893 = arith.mulf %sub3A_1892, %sub3A_1892 : vector<16xf32>
      %add3A_1894 = arith.addf %add3A_1798, %mul3A_1893 : vector<16xf32>
      %sub3A_1895 = arith.subf %add3A_1891, %gather3A_1888 : vector<16xf32>
      %mul3A_1896 = arith.mulf %sub3A_1895, %sub3A_1895 : vector<16xf32>
      %add3A_1897 = arith.addf %add3A_1801, %mul3A_1896 : vector<16xf32>
      %ge3A_1898 = arith.constant 8 : i32
      %ge3A_1899 = vector.broadcast %ge3A_1898 : i32 to vector<16xi32>
      %ge3A_1900 = arith.cmpi sge, %iota3A, %ge3A_1899 : vector<16xi32>
      %jit3A_1901 = arith.constant 128 : i32
      %jit3A_1902 = arith.constant 0 : i32
      %broadcast_in_dim3A_1903 = vector.broadcast %jit3A_1901 : i32 to vector<16xi32>
      %broadcast_in_dim3A_1904 = vector.broadcast %jit3A_1902 : i32 to vector<16xi32>
      %select_n3A_1905 = arith.select %ge3A_1900, %broadcast_in_dim3A_1903, %broadcast_in_dim3A_1904 : vector<16xi1>, vector<16xi32>
      %add3A_1906 = arith.constant 120 : i32
      %add3A_1907 = vector.broadcast %add3A_1906 : i32 to vector<16xi32>
      %add3A_1908 = arith.addi %add3A_23, %add3A_1907 : vector<16xi32>
      %sub3A_1909 = arith.subi %add3A_1908, %select_n3A_1905 : vector<16xi32>
      %gather3A_1910 = tpu.vector_load_idx %arg6[%sub3A_1909] : memref<8192xf32, #tpu.memory_space<vmem>>[vector<16xi32>], vector<16xf32>,
      %gather3A_1911 = tpu.vector_load_idx %arg7[%sub3A_1909] : memref<8192xf32, #tpu.memory_space<vmem>>[vector<16xi32>], vector<16xf32>,
      %gather3A_1912 = tpu.vector_load_idx %arg8[%sub3A_1909] : memref<8192xf32, #tpu.memory_space<vmem>>[vector<16xi32>], vector<16xf32>,
      %add3A_1913 = arith.constant 9.99999997E-7 : f32
      %add3A_1914 = vector.broadcast %add3A_1913 : f32 to vector<16xf32>
      %add3A_1915 = arith.addf %gather3A_1910, %add3A_1914 : vector<16xf32>
      %sub3A_1916 = arith.subf %add3A_1915, %gather3A_1911 : vector<16xf32>
      %mul3A_1917 = arith.mulf %sub3A_1916, %sub3A_1916 : vector<16xf32>
      %add3A_1918 = arith.addf %add3A_1822, %mul3A_1917 : vector<16xf32>
      %sub3A_1919 = arith.subf %add3A_1915, %gather3A_1912 : vector<16xf32>
      %mul3A_1920 = arith.mulf %sub3A_1919, %sub3A_1919 : vector<16xf32>
      %add3A_1921 = arith.addf %add3A_1825, %mul3A_1920 : vector<16xf32>
      %ge3A_1922 = arith.constant 7 : i32
      %ge3A_1923 = vector.broadcast %ge3A_1922 : i32 to vector<16xi32>
      %ge3A_1924 = arith.cmpi sge, %iota3A, %ge3A_1923 : vector<16xi32>
      %jit3A_1925 = arith.constant 128 : i32
      %jit3A_1926 = arith.constant 0 : i32
      %broadcast_in_dim3A_1927 = vector.broadcast %jit3A_1925 : i32 to vector<16xi32>
      %broadcast_in_dim3A_1928 = vector.broadcast %jit3A_1926 : i32 to vector<16xi32>
      %select_n3A_1929 = arith.select %ge3A_1924, %broadcast_in_dim3A_1927, %broadcast_in_dim3A_1928 : vector<16xi1>, vector<16xi32>
      %add3A_1930 = arith.constant 121 : i32
      %add3A_1931 = vector.broadcast %add3A_1930 : i32 to vector<16xi32>
      %add3A_1932 = arith.addi %add3A_23, %add3A_1931 : vector<16xi32>
      %sub3A_1933 = arith.subi %add3A_1932, %select_n3A_1929 : vector<16xi32>
      %gather3A_1934 = tpu.vector_load_idx %arg6[%sub3A_1933] : memref<8192xf32, #tpu.memory_space<vmem>>[vector<16xi32>], vector<16xf32>,
      %gather3A_1935 = tpu.vector_load_idx %arg7[%sub3A_1933] : memref<8192xf32, #tpu.memory_space<vmem>>[vector<16xi32>], vector<16xf32>,
      %gather3A_1936 = tpu.vector_load_idx %arg8[%sub3A_1933] : memref<8192xf32, #tpu.memory_space<vmem>>[vector<16xi32>], vector<16xf32>,
      %add3A_1937 = arith.constant 9.99999997E-7 : f32
      %add3A_1938 = vector.broadcast %add3A_1937 : f32 to vector<16xf32>
      %add3A_1939 = arith.addf %gather3A_1934, %add3A_1938 : vector<16xf32>
      %sub3A_1940 = arith.subf %add3A_1939, %gather3A_1935 : vector<16xf32>
      %mul3A_1941 = arith.mulf %sub3A_1940, %sub3A_1940 : vector<16xf32>
      %add3A_1942 = arith.addf %add3A_1846, %mul3A_1941 : vector<16xf32>
      %sub3A_1943 = arith.subf %add3A_1939, %gather3A_1936 : vector<16xf32>
      %mul3A_1944 = arith.mulf %sub3A_1943, %sub3A_1943 : vector<16xf32>
      %add3A_1945 = arith.addf %add3A_1849, %mul3A_1944 : vector<16xf32>
      %ge3A_1946 = arith.constant 6 : i32
      %ge3A_1947 = vector.broadcast %ge3A_1946 : i32 to vector<16xi32>
      %ge3A_1948 = arith.cmpi sge, %iota3A, %ge3A_1947 : vector<16xi32>
      %jit3A_1949 = arith.constant 128 : i32
      %jit3A_1950 = arith.constant 0 : i32
      %broadcast_in_dim3A_1951 = vector.broadcast %jit3A_1949 : i32 to vector<16xi32>
      %broadcast_in_dim3A_1952 = vector.broadcast %jit3A_1950 : i32 to vector<16xi32>
      %select_n3A_1953 = arith.select %ge3A_1948, %broadcast_in_dim3A_1951, %broadcast_in_dim3A_1952 : vector<16xi1>, vector<16xi32>
      %add3A_1954 = arith.constant 122 : i32
      %add3A_1955 = vector.broadcast %add3A_1954 : i32 to vector<16xi32>
      %add3A_1956 = arith.addi %add3A_23, %add3A_1955 : vector<16xi32>
      %sub3A_1957 = arith.subi %add3A_1956, %select_n3A_1953 : vector<16xi32>
      %gather3A_1958 = tpu.vector_load_idx %arg6[%sub3A_1957] : memref<8192xf32, #tpu.memory_space<vmem>>[vector<16xi32>], vector<16xf32>,
      %gather3A_1959 = tpu.vector_load_idx %arg7[%sub3A_1957] : memref<8192xf32, #tpu.memory_space<vmem>>[vector<16xi32>], vector<16xf32>,
      %gather3A_1960 = tpu.vector_load_idx %arg8[%sub3A_1957] : memref<8192xf32, #tpu.memory_space<vmem>>[vector<16xi32>], vector<16xf32>,
      %add3A_1961 = arith.constant 9.99999997E-7 : f32
      %add3A_1962 = vector.broadcast %add3A_1961 : f32 to vector<16xf32>
      %add3A_1963 = arith.addf %gather3A_1958, %add3A_1962 : vector<16xf32>
      %sub3A_1964 = arith.subf %add3A_1963, %gather3A_1959 : vector<16xf32>
      %mul3A_1965 = arith.mulf %sub3A_1964, %sub3A_1964 : vector<16xf32>
      %add3A_1966 = arith.addf %add3A_1870, %mul3A_1965 : vector<16xf32>
      %sub3A_1967 = arith.subf %add3A_1963, %gather3A_1960 : vector<16xf32>
      %mul3A_1968 = arith.mulf %sub3A_1967, %sub3A_1967 : vector<16xf32>
      %add3A_1969 = arith.addf %add3A_1873, %mul3A_1968 : vector<16xf32>
      %ge3A_1970 = arith.constant 5 : i32
      %ge3A_1971 = vector.broadcast %ge3A_1970 : i32 to vector<16xi32>
      %ge3A_1972 = arith.cmpi sge, %iota3A, %ge3A_1971 : vector<16xi32>
      %jit3A_1973 = arith.constant 128 : i32
      %jit3A_1974 = arith.constant 0 : i32
      %broadcast_in_dim3A_1975 = vector.broadcast %jit3A_1973 : i32 to vector<16xi32>
      %broadcast_in_dim3A_1976 = vector.broadcast %jit3A_1974 : i32 to vector<16xi32>
      %select_n3A_1977 = arith.select %ge3A_1972, %broadcast_in_dim3A_1975, %broadcast_in_dim3A_1976 : vector<16xi1>, vector<16xi32>
      %add3A_1978 = arith.constant 123 : i32
      %add3A_1979 = vector.broadcast %add3A_1978 : i32 to vector<16xi32>
      %add3A_1980 = arith.addi %add3A_23, %add3A_1979 : vector<16xi32>
      %sub3A_1981 = arith.subi %add3A_1980, %select_n3A_1977 : vector<16xi32>
      %gather3A_1982 = tpu.vector_load_idx %arg6[%sub3A_1981] : memref<8192xf32, #tpu.memory_space<vmem>>[vector<16xi32>], vector<16xf32>,
      %gather3A_1983 = tpu.vector_load_idx %arg7[%sub3A_1981] : memref<8192xf32, #tpu.memory_space<vmem>>[vector<16xi32>], vector<16xf32>,
      %gather3A_1984 = tpu.vector_load_idx %arg8[%sub3A_1981] : memref<8192xf32, #tpu.memory_space<vmem>>[vector<16xi32>], vector<16xf32>,
      %add3A_1985 = arith.constant 9.99999997E-7 : f32
      %add3A_1986 = vector.broadcast %add3A_1985 : f32 to vector<16xf32>
      %add3A_1987 = arith.addf %gather3A_1982, %add3A_1986 : vector<16xf32>
      %sub3A_1988 = arith.subf %add3A_1987, %gather3A_1983 : vector<16xf32>
      %mul3A_1989 = arith.mulf %sub3A_1988, %sub3A_1988 : vector<16xf32>
      %add3A_1990 = arith.addf %add3A_1894, %mul3A_1989 : vector<16xf32>
      %sub3A_1991 = arith.subf %add3A_1987, %gather3A_1984 : vector<16xf32>
      %mul3A_1992 = arith.mulf %sub3A_1991, %sub3A_1991 : vector<16xf32>
      %add3A_1993 = arith.addf %add3A_1897, %mul3A_1992 : vector<16xf32>
      %ge3A_1994 = arith.constant 4 : i32
      %ge3A_1995 = vector.broadcast %ge3A_1994 : i32 to vector<16xi32>
      %ge3A_1996 = arith.cmpi sge, %iota3A, %ge3A_1995 : vector<16xi32>
      %jit3A_1997 = arith.constant 128 : i32
      %jit3A_1998 = arith.constant 0 : i32
      %broadcast_in_dim3A_1999 = vector.broadcast %jit3A_1997 : i32 to vector<16xi32>
      %broadcast_in_dim3A_2000 = vector.broadcast %jit3A_1998 : i32 to vector<16xi32>
      %select_n3A_2001 = arith.select %ge3A_1996, %broadcast_in_dim3A_1999, %broadcast_in_dim3A_2000 : vector<16xi1>, vector<16xi32>
      %add3A_2002 = arith.constant 124 : i32
      %add3A_2003 = vector.broadcast %add3A_2002 : i32 to vector<16xi32>
      %add3A_2004 = arith.addi %add3A_23, %add3A_2003 : vector<16xi32>
      %sub3A_2005 = arith.subi %add3A_2004, %select_n3A_2001 : vector<16xi32>
      %gather3A_2006 = tpu.vector_load_idx %arg6[%sub3A_2005] : memref<8192xf32, #tpu.memory_space<vmem>>[vector<16xi32>], vector<16xf32>,
      %gather3A_2007 = tpu.vector_load_idx %arg7[%sub3A_2005] : memref<8192xf32, #tpu.memory_space<vmem>>[vector<16xi32>], vector<16xf32>,
      %gather3A_2008 = tpu.vector_load_idx %arg8[%sub3A_2005] : memref<8192xf32, #tpu.memory_space<vmem>>[vector<16xi32>], vector<16xf32>,
      %add3A_2009 = arith.constant 9.99999997E-7 : f32
      %add3A_2010 = vector.broadcast %add3A_2009 : f32 to vector<16xf32>
      %add3A_2011 = arith.addf %gather3A_2006, %add3A_2010 : vector<16xf32>
      %sub3A_2012 = arith.subf %add3A_2011, %gather3A_2007 : vector<16xf32>
      %mul3A_2013 = arith.mulf %sub3A_2012, %sub3A_2012 : vector<16xf32>
      %add3A_2014 = arith.addf %add3A_1918, %mul3A_2013 : vector<16xf32>
      %sub3A_2015 = arith.subf %add3A_2011, %gather3A_2008 : vector<16xf32>
      %mul3A_2016 = arith.mulf %sub3A_2015, %sub3A_2015 : vector<16xf32>
      %add3A_2017 = arith.addf %add3A_1921, %mul3A_2016 : vector<16xf32>
      %ge3A_2018 = arith.constant 3 : i32
      %ge3A_2019 = vector.broadcast %ge3A_2018 : i32 to vector<16xi32>
      %ge3A_2020 = arith.cmpi sge, %iota3A, %ge3A_2019 : vector<16xi32>
      %jit3A_2021 = arith.constant 128 : i32
      %jit3A_2022 = arith.constant 0 : i32
      %broadcast_in_dim3A_2023 = vector.broadcast %jit3A_2021 : i32 to vector<16xi32>
      %broadcast_in_dim3A_2024 = vector.broadcast %jit3A_2022 : i32 to vector<16xi32>
      %select_n3A_2025 = arith.select %ge3A_2020, %broadcast_in_dim3A_2023, %broadcast_in_dim3A_2024 : vector<16xi1>, vector<16xi32>
      %add3A_2026 = arith.constant 125 : i32
      %add3A_2027 = vector.broadcast %add3A_2026 : i32 to vector<16xi32>
      %add3A_2028 = arith.addi %add3A_23, %add3A_2027 : vector<16xi32>
      %sub3A_2029 = arith.subi %add3A_2028, %select_n3A_2025 : vector<16xi32>
      %gather3A_2030 = tpu.vector_load_idx %arg6[%sub3A_2029] : memref<8192xf32, #tpu.memory_space<vmem>>[vector<16xi32>], vector<16xf32>,
      %gather3A_2031 = tpu.vector_load_idx %arg7[%sub3A_2029] : memref<8192xf32, #tpu.memory_space<vmem>>[vector<16xi32>], vector<16xf32>,
      %gather3A_2032 = tpu.vector_load_idx %arg8[%sub3A_2029] : memref<8192xf32, #tpu.memory_space<vmem>>[vector<16xi32>], vector<16xf32>,
      %add3A_2033 = arith.constant 9.99999997E-7 : f32
      %add3A_2034 = vector.broadcast %add3A_2033 : f32 to vector<16xf32>
      %add3A_2035 = arith.addf %gather3A_2030, %add3A_2034 : vector<16xf32>
      %sub3A_2036 = arith.subf %add3A_2035, %gather3A_2031 : vector<16xf32>
      %mul3A_2037 = arith.mulf %sub3A_2036, %sub3A_2036 : vector<16xf32>
      %add3A_2038 = arith.addf %add3A_1942, %mul3A_2037 : vector<16xf32>
      %sub3A_2039 = arith.subf %add3A_2035, %gather3A_2032 : vector<16xf32>
      %mul3A_2040 = arith.mulf %sub3A_2039, %sub3A_2039 : vector<16xf32>
      %add3A_2041 = arith.addf %add3A_1945, %mul3A_2040 : vector<16xf32>
      %ge3A_2042 = arith.constant 2 : i32
      %ge3A_2043 = vector.broadcast %ge3A_2042 : i32 to vector<16xi32>
      %ge3A_2044 = arith.cmpi sge, %iota3A, %ge3A_2043 : vector<16xi32>
      %jit3A_2045 = arith.constant 128 : i32
      %jit3A_2046 = arith.constant 0 : i32
      %broadcast_in_dim3A_2047 = vector.broadcast %jit3A_2045 : i32 to vector<16xi32>
      %broadcast_in_dim3A_2048 = vector.broadcast %jit3A_2046 : i32 to vector<16xi32>
      %select_n3A_2049 = arith.select %ge3A_2044, %broadcast_in_dim3A_2047, %broadcast_in_dim3A_2048 : vector<16xi1>, vector<16xi32>
      %add3A_2050 = arith.constant 126 : i32
      %add3A_2051 = vector.broadcast %add3A_2050 : i32 to vector<16xi32>
      %add3A_2052 = arith.addi %add3A_23, %add3A_2051 : vector<16xi32>
      %sub3A_2053 = arith.subi %add3A_2052, %select_n3A_2049 : vector<16xi32>
      %gather3A_2054 = tpu.vector_load_idx %arg6[%sub3A_2053] : memref<8192xf32, #tpu.memory_space<vmem>>[vector<16xi32>], vector<16xf32>,
      %gather3A_2055 = tpu.vector_load_idx %arg7[%sub3A_2053] : memref<8192xf32, #tpu.memory_space<vmem>>[vector<16xi32>], vector<16xf32>,
      %gather3A_2056 = tpu.vector_load_idx %arg8[%sub3A_2053] : memref<8192xf32, #tpu.memory_space<vmem>>[vector<16xi32>], vector<16xf32>,
      %add3A_2057 = arith.constant 9.99999997E-7 : f32
      %add3A_2058 = vector.broadcast %add3A_2057 : f32 to vector<16xf32>
      %add3A_2059 = arith.addf %gather3A_2054, %add3A_2058 : vector<16xf32>
      %sub3A_2060 = arith.subf %add3A_2059, %gather3A_2055 : vector<16xf32>
      %mul3A_2061 = arith.mulf %sub3A_2060, %sub3A_2060 : vector<16xf32>
      %add3A_2062 = arith.addf %add3A_1966, %mul3A_2061 : vector<16xf32>
      %sub3A_2063 = arith.subf %add3A_2059, %gather3A_2056 : vector<16xf32>
      %mul3A_2064 = arith.mulf %sub3A_2063, %sub3A_2063 : vector<16xf32>
      %add3A_2065 = arith.addf %add3A_1969, %mul3A_2064 : vector<16xf32>
      %ge3A_2066 = arith.constant 1 : i32
      %ge3A_2067 = vector.broadcast %ge3A_2066 : i32 to vector<16xi32>
      %ge3A_2068 = arith.cmpi sge, %iota3A, %ge3A_2067 : vector<16xi32>
      %jit3A_2069 = arith.constant 128 : i32
      %jit3A_2070 = arith.constant 0 : i32
      %broadcast_in_dim3A_2071 = vector.broadcast %jit3A_2069 : i32 to vector<16xi32>
      %broadcast_in_dim3A_2072 = vector.broadcast %jit3A_2070 : i32 to vector<16xi32>
      %select_n3A_2073 = arith.select %ge3A_2068, %broadcast_in_dim3A_2071, %broadcast_in_dim3A_2072 : vector<16xi1>, vector<16xi32>
      %add3A_2074 = arith.constant 127 : i32
      %add3A_2075 = vector.broadcast %add3A_2074 : i32 to vector<16xi32>
      %add3A_2076 = arith.addi %add3A_23, %add3A_2075 : vector<16xi32>
      %sub3A_2077 = arith.subi %add3A_2076, %select_n3A_2073 : vector<16xi32>
      %gather3A_2078 = tpu.vector_load_idx %arg6[%sub3A_2077] : memref<8192xf32, #tpu.memory_space<vmem>>[vector<16xi32>], vector<16xf32>,
      %gather3A_2079 = tpu.vector_load_idx %arg7[%sub3A_2077] : memref<8192xf32, #tpu.memory_space<vmem>>[vector<16xi32>], vector<16xf32>,
      %gather3A_2080 = tpu.vector_load_idx %arg8[%sub3A_2077] : memref<8192xf32, #tpu.memory_space<vmem>>[vector<16xi32>], vector<16xf32>,
      %add3A_2081 = arith.constant 9.99999997E-7 : f32
      %add3A_2082 = vector.broadcast %add3A_2081 : f32 to vector<16xf32>
      %add3A_2083 = arith.addf %gather3A_2078, %add3A_2082 : vector<16xf32>
      %sub3A_2084 = arith.subf %add3A_2083, %gather3A_2079 : vector<16xf32>
      %mul3A_2085 = arith.mulf %sub3A_2084, %sub3A_2084 : vector<16xf32>
      %add3A_2086 = arith.addf %add3A_1990, %mul3A_2085 : vector<16xf32>
      %sub3A_2087 = arith.subf %add3A_2083, %gather3A_2080 : vector<16xf32>
      %mul3A_2088 = arith.mulf %sub3A_2087, %sub3A_2087 : vector<16xf32>
      %add3A_2089 = arith.addf %add3A_1993, %mul3A_2088 : vector<16xf32>
      %add3A_2090 = arith.addf %add3A_2014, %add3A_2038 : vector<16xf32>
      %add3A_2091 = arith.addf %add3A_2062, %add3A_2086 : vector<16xf32>
      %add3A_2092 = arith.addf %add3A_2090, %add3A_2091 : vector<16xf32>
      %bitcast3A = vector.bitcast %add3A_2092 : vector<16xf32> to vector<16xi32>
      %shift_right_arithmetic3A = arith.constant 1 : i32
      %shift_right_arithmetic3A_2093 = vector.broadcast %shift_right_arithmetic3A : i32 to vector<16xi32>
      %shift_right_arithmetic3A_2094 = arith.shrsi %bitcast3A, %shift_right_arithmetic3A_2093 : vector<16xi32>
      %sub3A_2095 = arith.constant 1597463007 : i32
      %sub3A_2096 = vector.broadcast %sub3A_2095 : i32 to vector<16xi32>
      %sub3A_2097 = arith.subi %sub3A_2096, %shift_right_arithmetic3A_2094 : vector<16xi32>
      %bitcast3A_2098 = vector.bitcast %sub3A_2097 : vector<16xi32> to vector<16xf32>
      %mul3A_2099 = arith.constant 5.000000e-01 : f32
      %mul3A_2100 = vector.broadcast %mul3A_2099 : f32 to vector<16xf32>
      %mul3A_2101 = arith.mulf %mul3A_2100, %add3A_2092 : vector<16xf32>
      %mul3A_2102 = arith.mulf %mul3A_2101, %bitcast3A_2098 : vector<16xf32>
      %mul3A_2103 = arith.mulf %mul3A_2102, %bitcast3A_2098 : vector<16xf32>
      %sub3A_2104 = arith.constant 1.500000e+00 : f32
      %sub3A_2105 = vector.broadcast %sub3A_2104 : f32 to vector<16xf32>
      %sub3A_2106 = arith.subf %sub3A_2105, %mul3A_2103 : vector<16xf32>
      %mul3A_2107 = arith.mulf %bitcast3A_2098, %sub3A_2106 : vector<16xf32>
      %mul3A_2108 = arith.constant 5.000000e-01 : f32
      %mul3A_2109 = vector.broadcast %mul3A_2108 : f32 to vector<16xf32>
      %mul3A_2110 = arith.mulf %mul3A_2109, %add3A_2092 : vector<16xf32>
      %mul3A_2111 = arith.mulf %mul3A_2110, %mul3A_2107 : vector<16xf32>
      %mul3A_2112 = arith.mulf %mul3A_2111, %mul3A_2107 : vector<16xf32>
      %sub3A_2113 = arith.constant 1.500000e+00 : f32
      %sub3A_2114 = vector.broadcast %sub3A_2113 : f32 to vector<16xf32>
      %sub3A_2115 = arith.subf %sub3A_2114, %mul3A_2112 : vector<16xf32>
      %mul3A_2116 = arith.mulf %mul3A_2107, %sub3A_2115 : vector<16xf32>
      %mul3A_2117 = arith.constant 5.000000e-01 : f32
      %mul3A_2118 = vector.broadcast %mul3A_2117 : f32 to vector<16xf32>
      %mul3A_2119 = arith.mulf %mul3A_2118, %add3A_2092 : vector<16xf32>
      %mul3A_2120 = arith.mulf %mul3A_2119, %mul3A_2116 : vector<16xf32>
      %mul3A_2121 = arith.mulf %mul3A_2120, %mul3A_2116 : vector<16xf32>
      %sub3A_2122 = arith.constant 1.500000e+00 : f32
      %sub3A_2123 = vector.broadcast %sub3A_2122 : f32 to vector<16xf32>
      %sub3A_2124 = arith.subf %sub3A_2123, %mul3A_2121 : vector<16xf32>
      %mul3A_2125 = arith.mulf %mul3A_2116, %sub3A_2124 : vector<16xf32>
      %gt3A = arith.constant 0.000000e+00 : f32
      %gt3A_2126 = vector.broadcast %gt3A : f32 to vector<16xf32>
      %gt3A_2127 = arith.cmpf ogt, %add3A_2092, %gt3A_2126 : vector<16xf32>
      %mul3A_2128 = arith.mulf %add3A_2092, %mul3A_2125 : vector<16xf32>
      %jit3A_2129 = arith.constant 0.000000e+00 : f32
      %broadcast_in_dim3A_2130 = vector.broadcast %jit3A_2129 : f32 to vector<16xf32>
      %select_n3A_2131 = arith.select %gt3A_2127, %mul3A_2128, %broadcast_in_dim3A_2130 : vector<16xi1>, vector<16xf32>
      %add3A_2132 = arith.addf %add3A_2017, %add3A_2041 : vector<16xf32>
      %add3A_2133 = arith.addf %add3A_2065, %add3A_2089 : vector<16xf32>
      %add3A_2134 = arith.addf %add3A_2132, %add3A_2133 : vector<16xf32>
      %bitcast3A_2135 = vector.bitcast %add3A_2134 : vector<16xf32> to vector<16xi32>
      %shift_right_arithmetic3A_2136 = arith.constant 1 : i32
      %shift_right_arithmetic3A_2137 = vector.broadcast %shift_right_arithmetic3A_2136 : i32 to vector<16xi32>
      %shift_right_arithmetic3A_2138 = arith.shrsi %bitcast3A_2135, %shift_right_arithmetic3A_2137 : vector<16xi32>
      %sub3A_2139 = arith.constant 1597463007 : i32
      %sub3A_2140 = vector.broadcast %sub3A_2139 : i32 to vector<16xi32>
      %sub3A_2141 = arith.subi %sub3A_2140, %shift_right_arithmetic3A_2138 : vector<16xi32>
      %bitcast3A_2142 = vector.bitcast %sub3A_2141 : vector<16xi32> to vector<16xf32>
      %mul3A_2143 = arith.constant 5.000000e-01 : f32
      %mul3A_2144 = vector.broadcast %mul3A_2143 : f32 to vector<16xf32>
      %mul3A_2145 = arith.mulf %mul3A_2144, %add3A_2134 : vector<16xf32>
      %mul3A_2146 = arith.mulf %mul3A_2145, %bitcast3A_2142 : vector<16xf32>
      %mul3A_2147 = arith.mulf %mul3A_2146, %bitcast3A_2142 : vector<16xf32>
      %sub3A_2148 = arith.constant 1.500000e+00 : f32
      %sub3A_2149 = vector.broadcast %sub3A_2148 : f32 to vector<16xf32>
      %sub3A_2150 = arith.subf %sub3A_2149, %mul3A_2147 : vector<16xf32>
      %mul3A_2151 = arith.mulf %bitcast3A_2142, %sub3A_2150 : vector<16xf32>
      %mul3A_2152 = arith.constant 5.000000e-01 : f32
      %mul3A_2153 = vector.broadcast %mul3A_2152 : f32 to vector<16xf32>
      %mul3A_2154 = arith.mulf %mul3A_2153, %add3A_2134 : vector<16xf32>
      %mul3A_2155 = arith.mulf %mul3A_2154, %mul3A_2151 : vector<16xf32>
      %mul3A_2156 = arith.mulf %mul3A_2155, %mul3A_2151 : vector<16xf32>
      %sub3A_2157 = arith.constant 1.500000e+00 : f32
      %sub3A_2158 = vector.broadcast %sub3A_2157 : f32 to vector<16xf32>
      %sub3A_2159 = arith.subf %sub3A_2158, %mul3A_2156 : vector<16xf32>
      %mul3A_2160 = arith.mulf %mul3A_2151, %sub3A_2159 : vector<16xf32>
      %mul3A_2161 = arith.constant 5.000000e-01 : f32
      %mul3A_2162 = vector.broadcast %mul3A_2161 : f32 to vector<16xf32>
      %mul3A_2163 = arith.mulf %mul3A_2162, %add3A_2134 : vector<16xf32>
      %mul3A_2164 = arith.mulf %mul3A_2163, %mul3A_2160 : vector<16xf32>
      %mul3A_2165 = arith.mulf %mul3A_2164, %mul3A_2160 : vector<16xf32>
      %sub3A_2166 = arith.constant 1.500000e+00 : f32
      %sub3A_2167 = vector.broadcast %sub3A_2166 : f32 to vector<16xf32>
      %sub3A_2168 = arith.subf %sub3A_2167, %mul3A_2165 : vector<16xf32>
      %mul3A_2169 = arith.mulf %mul3A_2160, %sub3A_2168 : vector<16xf32>
      %gt3A_2170 = arith.constant 0.000000e+00 : f32
      %gt3A_2171 = vector.broadcast %gt3A_2170 : f32 to vector<16xf32>
      %gt3A_2172 = arith.cmpf ogt, %add3A_2134, %gt3A_2171 : vector<16xf32>
      %mul3A_2173 = arith.mulf %add3A_2134, %mul3A_2169 : vector<16xf32>
      %jit3A_2174 = arith.constant 0.000000e+00 : f32
      %broadcast_in_dim3A_2175 = vector.broadcast %jit3A_2174 : f32 to vector<16xf32>
      %select_n3A_2176 = arith.select %gt3A_2172, %mul3A_2173, %broadcast_in_dim3A_2175 : vector<16xi1>, vector<16xf32>
      %sub3A_2177 = arith.subf %select_n3A_2131, %select_n3A_2176 : vector<16xf32>
      %add3A_2178 = arith.constant 1.000000e+00 : f32
      %add3A_2179 = vector.broadcast %add3A_2178 : f32 to vector<16xf32>
      %add3A_2180 = arith.addf %sub3A_2177, %add3A_2179 : vector<16xf32>
      %max3A = arith.constant 0.000000e+00 : f32
      %max3A_2181 = vector.broadcast %max3A : f32 to vector<16xf32>
      %max3A_2182 = arith.maximumf %add3A_2180, %max3A_2181 : vector<16xf32>
      %add3A_2183 = arith.addf %scan3A_15, %max3A_2182 : vector<16xf32>
      scf.yield %add3A_2183 : vector<16xf32>
    }
    %scan3A_12 = arith.constant 4 : i32
    %swap3A = arith.constant 0 : index
    %swap3A_13 = tpu.vector_load %arg9[%swap3A] {strides = array<i32>} : memref<16xf32, #tpu.memory_space<vmem>>, vector<16xf32>,
    tpu.vector_store %arg9[%swap3A], %scan3A_11 {strides = array<i32>} : memref<16xf32, #tpu.memory_space<vmem>>, vector<16xf32>,
    "tpu.region"() ({
      %run_scoped3A = tpu.sem_alloc : memref<!tpu.dma_semaphore, #tpu.memory_space<semaphore_mem>>
      %dma_start3A = arith.constant 0 : i32
      %dma_start3A_14 = tpu.memref_slice %arg5[%add3A, %dma_start3A] : memref<32x16xf32, #tpu.memory_space<hbm>> -> memref<1x16xf32, #tpu.memory_space<hbm>>
      %dma_start3A_15 = tpu.memref_squeeze %dma_start3A_14 : memref<1x16xf32, #tpu.memory_space<hbm>> -> memref<16xf32, #tpu.memory_space<hbm>>
      %dma_start3A_16 = arith.constant 0 : i32
      %dma_start3A_17 = tpu.memref_slice %arg5[%add3A, %dma_start3A_16] : memref<32x16xf32, #tpu.memory_space<hbm>> -> memref<1x16xf32, #tpu.memory_space<hbm>>
      %dma_start3A_18 = tpu.memref_squeeze %dma_start3A_17 : memref<1x16xf32, #tpu.memory_space<hbm>> -> memref<16xf32, #tpu.memory_space<hbm>>
      tpu.enqueue_dma source(%arg9 : memref<16xf32, #tpu.memory_space<vmem>>) target(%dma_start3A_18 : memref<16xf32, #tpu.memory_space<hbm>>) target_semaphore(%run_scoped3A : memref<!tpu.dma_semaphore, #tpu.memory_space<semaphore_mem>>)
      %dma_wait3A = arith.constant 0 : i32
      %dma_wait3A_19 = tpu.memref_slice %arg5[%add3A, %dma_wait3A] : memref<32x16xf32, #tpu.memory_space<hbm>> -> memref<1x16xf32, #tpu.memory_space<hbm>>
      %dma_wait3A_20 = tpu.memref_squeeze %dma_wait3A_19 : memref<1x16xf32, #tpu.memory_space<hbm>> -> memref<16xf32, #tpu.memory_space<hbm>>
      %dma_wait3A_21 = arith.constant 0 : i32
      %dma_wait3A_22 = tpu.memref_slice %arg5[%add3A, %dma_wait3A_21] : memref<32x16xf32, #tpu.memory_space<hbm>> -> memref<1x16xf32, #tpu.memory_space<hbm>>
      %dma_wait3A_23 = tpu.memref_squeeze %dma_wait3A_22 : memref<1x16xf32, #tpu.memory_space<hbm>> -> memref<16xf32, #tpu.memory_space<hbm>>
      tpu.wait_dma2 semaphore(%run_scoped3A : memref<!tpu.dma_semaphore, #tpu.memory_space<semaphore_mem>>) src(%arg9 : memref<16xf32, #tpu.memory_space<vmem>>) dst(%dma_wait3A_23 : memref<16xf32, #tpu.memory_space<hbm>>)
      tpu.yield
    }) : () -> ()
    return
  }
}

module attributes {stable_mosaic.version = 14 : i64} {
  func.func @_tc_body(%arg0: i32, %arg1: memref<3584x128xf32, #tpu.memory_space<vmem>>, %arg2: memref<3584x128xf32, #tpu.memory_space<vmem>>, %arg3: memref<3584x128xf32, #tpu.memory_space<vmem>>, %arg4: memref<1x1xf32, #tpu.memory_space<vmem>>) attributes {dimension_semantics = [#tpu.dimension_semantics<arbitrary>], iteration_bounds = array<i64: 4>, scalar_prefetch = 0 : i64, scratch_operands = 0 : i64, tpu.core_type = #tpu.core_type<tc>, window_params = [{transform_indices = @transform_0, window_bounds = array<i64: 3584, 128>}, {transform_indices = @transform_1, window_bounds = array<i64: 3584, 128>}, {transform_indices = @transform_2, window_bounds = array<i64: 3584, 128>}, {pipeline_mode = #tpu.pipeline_mode<synchronous>, transform_indices = @transform_3, window_bounds = array<i64: 1, 1>}]} {
    %get3A = arith.constant 0 : index
    %get3A_0 = arith.constant 0 : index
    %get3A_1 = vector.load %arg1[%get3A, %get3A_0] : memref<3584x128xf32, #tpu.memory_space<vmem>>, vector<3584x128xf32>
    %get3A_2 = arith.constant 0 : index
    %get3A_3 = arith.constant 0 : index
    %get3A_4 = vector.load %arg2[%get3A_2, %get3A_3] : memref<3584x128xf32, #tpu.memory_space<vmem>>, vector<3584x128xf32>
    %sub3A = arith.subf %get3A_1, %get3A_4 : vector<3584x128xf32>
    %add3A = arith.constant 9.99999997E-7 : f32
    %add3A_5 = vector.broadcast %add3A : f32 to vector<3584x128xf32>
    %add3A_6 = arith.addf %sub3A, %add3A_5 : vector<3584x128xf32>
    %get3A_7 = arith.constant 0 : index
    %get3A_8 = arith.constant 0 : index
    %get3A_9 = vector.load %arg3[%get3A_7, %get3A_8] : memref<3584x128xf32, #tpu.memory_space<vmem>>, vector<3584x128xf32>
    %sub3A_10 = arith.subf %get3A_1, %get3A_9 : vector<3584x128xf32>
    %add3A_11 = arith.constant 9.99999997E-7 : f32
    %add3A_12 = vector.broadcast %add3A_11 : f32 to vector<3584x128xf32>
    %add3A_13 = arith.addf %sub3A_10, %add3A_12 : vector<3584x128xf32>
    %broadcast_in_dim3A = arith.constant 1.000000e+00 : f32
    %broadcast_in_dim3A_14 = vector.broadcast %broadcast_in_dim3A : f32 to vector<128x8xf32>
    %mul3A = arith.mulf %add3A_6, %add3A_6 : vector<3584x128xf32>
    %dot_general3A = arith.constant dense<0.000000e+00> : vector<3584x8xf32>
    %dot_general3A_15 = tpu.matmul %mul3A, %broadcast_in_dim3A_14, %dot_general3A {dimension_numbers = #tpu.dot_dimension_numbers<[1], [0], [0], [1], [0, 0, 1, 1], [], []>, transpose_lhs_hint = false} : vector<3584x128xf32>, vector<128x8xf32>, vector<3584x8xf32> -> vector<3584x8xf32>
    %mul3A_16 = arith.mulf %add3A_13, %add3A_13 : vector<3584x128xf32>
    %dot_general3A_17 = arith.constant dense<0.000000e+00> : vector<3584x8xf32>
    %dot_general3A_18 = tpu.matmul %mul3A_16, %broadcast_in_dim3A_14, %dot_general3A_17 {dimension_numbers = #tpu.dot_dimension_numbers<[1], [0], [0], [1], [0, 0, 1, 1], [], []>, transpose_lhs_hint = false} : vector<3584x128xf32>, vector<128x8xf32>, vector<3584x8xf32> -> vector<3584x8xf32>
    %sqrt3A = math.sqrt %dot_general3A_15 : vector<3584x8xf32>
    %sqrt3A_19 = math.sqrt %dot_general3A_18 : vector<3584x8xf32>
    %sub3A_20 = arith.subf %sqrt3A, %sqrt3A_19 : vector<3584x8xf32>
    %add3A_21 = arith.constant 1.000000e+00 : f32
    %add3A_22 = vector.broadcast %add3A_21 : f32 to vector<3584x8xf32>
    %add3A_23 = arith.addf %sub3A_20, %add3A_22 : vector<3584x8xf32>
    %max3A = arith.constant 0.000000e+00 : f32
    %max3A_24 = vector.broadcast %max3A : f32 to vector<3584x8xf32>
    %max3A_25 = arith.maximumf %add3A_23, %max3A_24 : vector<3584x8xf32>
    %reduce_sum3A = vector.shape_cast %max3A_25 : vector<3584x8xf32> to vector<1x3584x8xf32>
    %reduce_sum3A_26 = arith.constant dense<0.000000e+00> : vector<1xf32>
    %reduce_sum3A_27 = vector.multi_reduction <add>, %reduce_sum3A, %reduce_sum3A_26 [1, 2] : vector<1x3584x8xf32> to vector<1xf32>
    %reduce_sum3A_28 = vector.shape_cast %reduce_sum3A_27 : vector<1xf32> to vector<1x1x1xf32>
    %reduce_sum3A_29 = vector.extract %reduce_sum3A_28[0, 0, 0] : f32 from vector<1x1x1xf32>
    %mul3A_30 = arith.constant 1.250000e-01 : f32
    %mul3A_31 = arith.mulf %reduce_sum3A_29, %mul3A_30 : f32
    %reshape3A = vector.broadcast %mul3A_31 : f32 to vector<1x1xf32>
    %eq3A = arith.constant 0 : i32
    %eq3A_32 = arith.cmpi eq, %arg0, %eq3A : i32
    %convert_element_type3A = arith.extui %eq3A_32 : i1 to i32
    %cond3A = arith.constant 0 : i32
    %cond3A_33 = arith.cmpi ne, %convert_element_type3A, %cond3A : i32
    scf.if %cond3A_33 {
      %swap3A = arith.constant 0 : index
      %swap3A_38 = arith.constant 0 : index
      %swap3A_39 = vector.load %arg4[%swap3A, %swap3A_38] : memref<1x1xf32, #tpu.memory_space<vmem>>, vector<1x1xf32>
      tpu.vector_store %arg4[%swap3A, %swap3A_38], %reshape3A {strides = array<i32>} : memref<1x1xf32, #tpu.memory_space<vmem>>, vector<1x1xf32>,
    } else {
    }
    %ne3A = arith.constant 0 : i32
    %ne3A_34 = arith.cmpi ne, %arg0, %ne3A : i32
    %convert_element_type3A_35 = arith.extui %ne3A_34 : i1 to i32
    %cond3A_36 = arith.constant 0 : i32
    %cond3A_37 = arith.cmpi ne, %convert_element_type3A_35, %cond3A_36 : i32
    scf.if %cond3A_37 {
      %get3A_38 = arith.constant 0 : index
      %get3A_39 = arith.constant 0 : index
      %get3A_40 = vector.load %arg4[%get3A_38, %get3A_39] : memref<1x1xf32, #tpu.memory_space<vmem>>, vector<1x1xf32>
      %add3A_41 = arith.addf %get3A_40, %reshape3A : vector<1x1xf32>
      %swap3A = arith.constant 0 : index
      %swap3A_42 = arith.constant 0 : index
      %swap3A_43 = vector.load %arg4[%swap3A, %swap3A_42] : memref<1x1xf32, #tpu.memory_space<vmem>>, vector<1x1xf32>
      tpu.vector_store %arg4[%swap3A, %swap3A_42], %add3A_41 {strides = array<i32>} : memref<1x1xf32, #tpu.memory_space<vmem>>, vector<1x1xf32>,
    } else {
    }
    return
  }
  func.func @transform_0(%arg0: i32) -> (i32, i32) {
    %c0_i32 = arith.constant 0 : i32
    %c0_i32_0 = arith.constant 0 : i32
    return %arg0, %c0_i32 : i32, i32
  }
  func.func @transform_1(%arg0: i32) -> (i32, i32) {
    %c0_i32 = arith.constant 0 : i32
    %c0_i32_0 = arith.constant 0 : i32
    return %arg0, %c0_i32 : i32, i32
  }
  func.func @transform_2(%arg0: i32) -> (i32, i32) {
    %c0_i32 = arith.constant 0 : i32
    %c0_i32_0 = arith.constant 0 : i32
    return %arg0, %c0_i32 : i32, i32
  }
  func.func @transform_3(%arg0: i32) -> (i32, i32) {
    %c0_i32 = arith.constant 0 : i32
    %c0_i32_0 = arith.constant 0 : i32
    %c0_i32_1 = arith.constant 0 : i32
    return %c0_i32, %c0_i32_0 : i32, i32
  }
}

</mosaic_0001>

<sc_bundles>
// kernel: kernel.4.cloned.1.call-start
scs
__scs_entry_jumppad:
0x0: {  	(pc) =	sbr.rel $0x88, $3  }
0x1: {  	(tag) =	ssettag $0x0;
	lr =	simm.s32 $0x1  }
0x2: {  	[smem:$0x3F9E] =	sst lr;
	_ =	strace $0xD0000000  }
0x3: {  	_ = 	snop  }
0x4: {  	_ = 	snop  }
0x5: {  	_ = 	snop  }
0x6: {  	_ = 	snop  }
0x7: {  	_ = 	snop  }
__scs_overlays_trampoline_lowered:
0x8: {  	[smem:$0x3FAD] =	sst s0  }
0x9: {  	[smem:$0x3FAE] =	sst s1  }
0xa: {  	[smem:$0x3FAF] =	sst s2  }
0xb: {  	[smem:$0x3FB0] =	sst s3  }
0xc: {  	[smem:$0x3FB1] =	sst s4  }
0xd: {  	[smem:$0x3FB2] =	sst s5  }
0xe: {  	[smem:$0x3FB3] =	sst s6  }
0xf: {  	[smem:$0x3FB4] =	sst s7  }
0x10: {  	[smem:$0x3FB5] =	sst s8  }
0x11: {  	[smem:$0x3FB6] =	sst s9;
	s0 =	simm.s32 @!p0 $0x0  }
0x12: {  	s1 =	sld [smem:$0x3F9C];
	s0 =	simm.s32 @p0 $0x1  }
0x13: {  	[smem:$0x3FB7] =	sst s0;
	s0 =	simm.s32 @!p1 $0x0  }
0x14: {  	s2 =	sld [smem:$0x3F9B];
	s0 =	simm.s32 @p1 $0x1  }
0x15: {  	[smem:$0x3FB8] =	sst s0;
	s0 =	simm.s32 @!p2 $0x0  }
0x16: {  	s3 =	sld [smem:$0x3FDB];
	s0 =	simm.s32 @p2 $0x1  }
0x17: {  	s4 =	simm.s32 $0x1BF5;
	[smem:$0x3FBA] =	sst s0  }
0x18: {  	s0 =	sld [smem:$0x3F9D];
	_ =	swait.ge [sflag:s4], $0x0  }
0x19: {  	s7 =	sld [smem:$0x3F9E]  }
0x1a: {  	s8 =	sadd.s32 $0xFFFFE003, lr  }
0x1b: {  	s9 =	sadd.s32 $0xFFFFFEF7, lr;
	s5 =	simm.s32 $0xFFFFFFFF;
	p2 =	slt.u32 s8, $0xFFFFF086  }
0x1c: {  	p1 =	slt.u32 s9, $0xF7A;
	s5 =	simm.s32 @!p2 $0x0  }
0x1d: {  	s5 =	simm.s32 @p1 $0x1;
	p0 =	seq.s32 s7, s2  }
0x1e: {  	s7 =	smul.u32 @!p0 $0xF7A, s2;
	p2 =	seq.s32 @!p0 s5, $0x0  }
0x1f: {  	s9 =	smul.u32 $0xF7A, s1;
	s8 =	simm.s32 @!p0 $0x1BF5;
	p2 =	por !p2, p0  }
0x20: {  	[sflag:s8] =	ssyncset.s32 @!p0 $0xFFFFF086;
	s6 =	sadd.s32 @!p0 s3, s7;
	s7 =	simm.s32 @!p0 $0x108  }
0x21: {  	s3 =	sadd.s32 s3, s9;
	s6 =	sadd.s32 @!p0 $0x88, s6;
	s7 =	simm.s32 @p2 $0x1082  }
0x22: {  	[simem:s7], [sflag:s8] =	dma.local @!p0 [hbm:s6], $0xF7A  }
0x23: {  	s9 =	sor.u32 $0xD0000000, s2;
	s6 =	simm.s32 $0x108;
	_ =	swait.ge @!p0 [sflag:s8], $0x0  }
0x24: {  	s3 =	sadd.s32 $0x88, s3;
	s6 =	simm.s32 @!p1 $0x1082;
	[sflag:s4] =	ssyncset.s32 $0xFFFFF086  }
0x25: {  	[simem:s6], [sflag:s4] =	dma.local [hbm:s3], $0xF7A  }
0x26: {  	[smem:$0x3F9E] =	sst s1;
	(tag) =	ssettag s2;
	_ =	strace s9  }
0x27: {  	s1 =	sld [smem:$0x3FAE]  }
0x28: {  	s2 =	sld [smem:$0x3FAF]  }
0x29: {  	s4 =	sld [smem:$0x3FB1]  }
0x2a: {  	p0 =	seq.s32 s5, $0x0;
	s5 =	sld [smem:$0x3FB2]  }
0x2b: {  	s6 =	sld [smem:$0x3FB3]  }
0x2c: {  	s7 =	sld [smem:$0x3FB4]  }
0x2d: {  	s3 =	simm.s32 $0x108;
	s8 =	sld [smem:$0x3FB5]  }
0x2e: {  	s3 =	simm.s32 @!p0 $0x1082;
	s9 =	sld [smem:$0x3FB6]  }
0x2f: {  	lr =	sadd.s32 s0, s3;
	s0 =	sld [smem:$0x3FAD]  }
0x30: {  	s3 =	sld [smem:$0x3FB0]  }
0x31: {  	[smem:$0x3FB9] =	sst s10  }
0x32: {  	s10 =	sld [smem:$0x3FB7];
	_ =	sdelay $0x3  }
0x33: {  	p0 =	seq.s32 s10, $0x1;
	s10 =	sld [smem:$0x3FB9];
	_ =	sdelay $0x3  }
0x34: {  	[smem:$0x3FB9] =	sst s10  }
0x35: {  	s10 =	sld [smem:$0x3FB8];
	_ =	sdelay $0x3  }
0x36: {  	p1 =	seq.s32 s10, $0x1;
	s10 =	sld [smem:$0x3FB9];
	_ =	sdelay $0x3  }
0x37: {  	[smem:$0x3FB9] =	sst s10  }
0x38: {  	s10 =	sld [smem:$0x3FBA]  }
0x39: {  	_ = 	snop;
	(pc) =	sbr.ind lr, $3  }
0x3a: {  	_ = 	snop  }
0x3b: {  	_ = 	snop  }
0x3c: {  	p2 =	seq.s32 s10, $0x1;
	s10 =	sld [smem:$0x3FB9]  }
0x3d: {  	_ =	shalt  }
0x3e: {  	_ =	shalt  }
0x3f: {  	_ =	shalt  }
0x40: {  	_ =	shalt  }
0x41: {  	_ =	shalt  }
0x42: {  	_ =	shalt  }
0x43: {  	_ =	shalt  }
0x44: {  	_ =	shalt  }
0x45: {  	_ =	shalt  }
0x46: {  	_ =	shalt  }
0x47: {  	_ =	shalt  }
0x48: {  	_ =	shalt  }
0x49: {  	_ =	shalt  }
0x4a: {  	_ =	shalt  }
0x4b: {  	_ =	shalt  }
0x4c: {  	_ =	shalt  }
0x4d: {  	_ =	shalt  }
0x4e: {  	_ =	shalt  }
0x4f: {  	_ =	shalt  }
0x50: {  	_ =	shalt  }
0x51: {  	_ =	shalt  }
0x52: {  	_ =	shalt  }
0x53: {  	_ =	shalt  }
0x54: {  	_ =	shalt  }
0x55: {  	_ =	shalt  }
0x56: {  	_ =	shalt  }
0x57: {  	_ =	shalt  }
0x58: {  	_ =	shalt  }
0x59: {  	_ =	shalt  }
0x5a: {  	_ =	shalt  }
0x5b: {  	_ =	shalt  }
0x5c: {  	_ =	shalt  }
0x5d: {  	_ =	shalt  }
0x5e: {  	_ =	shalt  }
0x5f: {  	_ =	shalt  }
0x60: {  	_ =	shalt  }
0x61: {  	_ =	shalt  }
0x62: {  	_ =	shalt  }
0x63: {  	_ =	shalt  }
0x64: {  	_ =	shalt  }
0x65: {  	_ =	shalt  }
0x66: {  	_ =	shalt  }
0x67: {  	_ =	shalt  }
0x68: {  	_ =	shalt  }
0x69: {  	_ =	shalt  }
0x6a: {  	_ =	shalt  }
0x6b: {  	_ =	shalt  }
0x6c: {  	_ =	shalt  }
0x6d: {  	_ =	shalt  }
0x6e: {  	_ =	shalt  }
0x6f: {  	_ =	shalt  }
0x70: {  	_ =	shalt  }
0x71: {  	_ =	shalt  }
0x72: {  	_ =	shalt  }
0x73: {  	_ =	shalt  }
0x74: {  	_ =	shalt  }
0x75: {  	_ =	shalt  }
0x76: {  	_ =	shalt  }
0x77: {  	_ =	shalt  }
0x78: {  	_ =	shalt  }
0x79: {  	_ =	shalt  }
0x7a: {  	_ =	shalt  }
0x7b: {  	_ =	shalt  }
0x7c: {  	_ =	shalt  }
0x7d: {  	_ =	shalt  }
0x7e: {  	_ =	shalt  }
0x7f: {  	_ =	shalt  }
0x80: {  	_ =	shalt  }
0x81: {  	_ =	shalt  }
0x82: {  	_ =	shalt  }
0x83: {  	_ =	shalt  }
0x84: {  	_ =	shalt  }
0x85: {  	_ =	shalt  }
0x86: {  	_ =	shalt  }
0x87: {  	_ =	shalt  }
.Lfunc_end0:
.L_simem_size_0:
called_computation_lowered:
.L_overlay_start_0:
0x88: {  	s2 =	sld [smem:$0x3FD9]  }
0x89: {  	s3 =	sld [smem:$0x3FFE];
	_ =	sdelay $0x1  }
0x8a: {  	s1 =	srdreg.scid  }
0x8b: {  	s0 =	sand.u32 $0x1, s1  }
0x8c: {  	s17 =	sshll.u32 s0, $0xA;
	s2 =	sadd.s32 s3, s2  }
0x8d: {  	s2 =	sadd.s32 s2, s17  }
0x8e: {  	[smem:$0x3FC5] =	sst s2  }
0x8f: {  	_ = 	snop  }
0x90: {  	s2 =	sld [smem:$0x3FC9]  }
0x91: {  	s18 =	sld [smem:$0x3FC8]  }
0x92: {  	s4 =	sld [smem:$0x3FC7];
	(tm) =	ssettm $0x1  }
0x93: {  	s5 =	sld [smem:$0x3FFB];
	_ =	sdelay $0x3  }
0x94: {  	_ =	strace s5  }
0x95: {  	s5 =	sld [smem:$0x3FFC];
	_ =	sdelay $0x3  }
0x96: {  	_ =	strace s5  }
0x97: {  	s5 =	sld [smem:$0x3FFD];
	_ =	sdelay $0x3  }
0x98: {  	_ =	strace s5  }
0x99: {  	_ =	strace $0x8FFFFFFF  }
0x9a: {  	s19 =	sld [smem:$0x3FDB];
	_ =	sdelay $0x1  }
0x9b: {  	s6 =	simm.s32 $_scs_section_size  }
0x9c: {  	s7 =	simm.s32 $_size__tile_overlayer_lowered;
	s8 =	simm.s32 $_tile_overlayer_lowered  }
0x9d: {  	s22 =	simm.s32 $0x1BFF;
	s21 =	sshll.u32 s8, $0x1;
	s5 =	sadd.s32 s6, s19  }
0x9e: {  	s9 =	simm.s32 $0x0;
	s20 =	sshll.u32 s7, $0x1;
	s7 =	sadd.s32 s21, s5  }
0x9f: {  	[timem:s9], [sflag:s22] =	dma.local [hbm:s7], s20  }
0xa0: {  	_ =	swait.ge [sflag:s22], s20  }
0xa1: {  	s6 =	ssub.s32 $0x0, s20;
	[sflag:s22] =	ssyncset.done $0x0  }
0xa2: {  	[sflag:s22] =	ssyncadd.s32 s6;
	_ =	sdelay $0x1  }
0xa3: {  	s23 =	simm.s32 $0x1B8B  }
0xa4: {  	_ =	swait.ge [sflag:s23], $0x1  }
0xa5: {  	[sflag:s23] =	ssyncset.done $0x0  }
0xa6: {  	s25 =	simm.s32 $0x1B8E;
	s24 =	sld [smem:$0x3FFE];
	[sflag:s23] =	ssyncadd.s32 $0xFFFFFFFF  }
0xa7: {  	s26 =	simm.s32 $execute0_lowered;
	[smem:$0x3FD2] =	sst s25  }
0xa8: {  	s7 =	sshll.u32 s26, $0x1;
	_ =	strace $0x80000046;
	[dreg:$0x1] =	wrdreg $0xFFFFFFFF  }
0xa9: {  	s28 =	simm.s32 $_size_execute0_lowered;
	s5 =	sadd.s32 s5, s7;
	[dreg:$0x0] =	wrdreg $0x0  }
0xaa: {  	s7 =	sshll.u32 s28, $0x1;
	[dreg:$0x2] =	wrdreg s5  }
0xab: {  	[dreg:$0x3] =	wrdreg s7  }
0xac: {  	[dreg:$0x4] =	wrdreg $0xC0  }
0xad: {  	_ =	task [dreg:s9], $0x5FFFF  }
0xae: {  	[dreg:$0x1] =	wrdreg $0xFFFFFFFF  }
0xaf: {  	[dreg:$0x0] =	wrdreg $0x60  }
0xb0: {  	[dreg:$0x2] =	wrdreg s2  }
0xb1: {  	[dreg:$0x3] =	wrdreg s18  }
0xb2: {  	[dreg:$0x4] =	wrdreg s4  }
0xb3: {  	[dreg:$0x5] =	wrdreg s24  }
0xb4: {  	[dreg:$0x6] =	wrdreg $0x9  }
0xb5: {  	_ =	task.clear_ibuf [dreg:s9], $0x7FFFF;
	_ =	strace $0x90000046  }
0xb6: {  	s29 =	simm.s32 $0x9;
	_ =	strace $0x80000048  }
0xb7: {  	_ =	swait.ge [sflag:s29], $0x1  }
0xb8: {  	[sflag:s29] =	ssyncadd.s32 $0xFFFFFFFF  }
0xb9: {  	_ =	strace $0x90000048  }
0xba: {  	_ =	sfence  }
0xbb: {  	s30 =	sld [smem:$0x0];
	_ =	sdelay $0x2  }
0xbc: {  	s31 =	sshll.u32 s1, $0xD;
	s1 =	sshrl.u32 s1, $0x2  }
0xbd: {  	s3 =	sand.u32 $0x4000, s31;
	s1 =	sadd.s32 s1, s30  }
0xbe: {  	s0 =	sor.u32 s3, s0;
	s1 =	sshll.u32 s1, $0x11  }
0xbf: {  	s0 =	sor.u32 s1, s0  }
0xc0: {  	s0 =	sadd.s32 $0x8F2B, s0  }
0xc1: {  	[sflag:s0] =	ssyncadd.remote.s32 $0x1  }
0xc2: {  	_ =	sfence.sel $0xFFFF  }
0xc3: {  	[dreg:$0x0] =	wrdreg $0xFFFFFFFF;
	(pc) =	sbr.abs _section_cstart, $3  }
0xc4: {  	[dreg:$0x1] =	wrdreg $0xFFFFFFFF  }
0xc5: {  	_ =	task.clear_ibuf [dreg:s9], $0x2FFFF;
	_ =	strace $0x9FFFFFFF  }
0xc6: {  	(tm) =	ssettm $0x7FFFFFFF  }
0xc7: {  	_ =	shalt  }
tec
execute0_lowered:
.L_overlay_start_1:
0x0: {  	(tag) =	ssettag $0x1  }
0x1: {  	v0 =	vlaneseq.u32  }
0x2: {  	v1 =	vadd.s32 $0xE, v0  }
0x3: {  	v3 =	vadd.s32 $0x22, v0;
	[tilespmem:$0x1FC90] =	vst v1  }
0x4: {  	v1 =	vadd.s32 $0xF, v0;
	[tilespmem:$0x1FDD0] =	vst v3  }
0x5: {  	[tilespmem:$0x1FCA0] =	vst v1;
	v1 =	vor.u32 $0x10, v0  }
0x6: {  	[tilespmem:$0x1FCB0] =	vst v1;
	v1 =	vadd.s32 $0x11, v0  }
0x7: {  	[tilespmem:$0x1FCC0] =	vst v1;
	v1 =	vadd.s32 $0x12, v0  }
0x8: {  	[tilespmem:$0x1FCD0] =	vst v1;
	v1 =	vadd.s32 $0x13, v0  }
0x9: {  	[tilespmem:$0x1FCE0] =	vst v1;
	v1 =	vadd.s32 $0x14, v0  }
0xa: {  	[tilespmem:$0x1FCF0] =	vst v1;
	v1 =	vadd.s32 $0x15, v0  }
0xb: {  	[tilespmem:$0x1FD00] =	vst v1;
	v1 =	vadd.s32 $0x16, v0  }
0xc: {  	[tilespmem:$0x1FD10] =	vst v1;
	v1 =	vadd.s32 $0x17, v0  }
0xd: {  	[tilespmem:$0x1FD20] =	vst v1;
	v1 =	vadd.s32 $0x18, v0  }
0xe: {  	[tilespmem:$0x1FD30] =	vst v1;
	v1 =	vadd.s32 $0x19, v0  }
0xf: {  	[tilespmem:$0x1FD40] =	vst v1;
	v1 =	vadd.s32 $0x1A, v0  }
0x10: {  	[tilespmem:$0x1FD50] =	vst v1;
	v1 =	vadd.s32 $0x1B, v0  }
0x11: {  	[tilespmem:$0x1FD60] =	vst v1;
	v1 =	vadd.s32 $0x1C, v0  }
0x12: {  	[tilespmem:$0x1FD70] =	vst v1;
	v1 =	vadd.s32 $0x1D, v0  }
0x13: {  	[tilespmem:$0x1FD80] =	vst v1;
	v1 =	vadd.s32 $0x1E, v0  }
0x14: {  	[tilespmem:$0x1FD90] =	vst v1;
	v1 =	vadd.s32 $0x1F, v0  }
0x15: {  	[tilespmem:$0x1FDA0] =	vst v1;
	v1 =	vor.u32 $0x20, v0  }
0x16: {  	[tilespmem:$0x1FDB0] =	vst v1;
	v1 =	vadd.s32 $0x21, v0  }
0x17: {  	v2 =	vimm.s32 $0x78777675;
	v4 =	vadd.s32 $0x24, v0;
	[tilespmem:$0x1FDC0] =	vst v1;
	v1 =	vimm.s32 $0x74737271  }
0x18: {  	v3 =	vunpack.c.0.s8.s32 v2;
	v2 =	vadd.s32 $0x23, v0;
	[tilespmem:$0x1FDF0] =	vst v4;
	v1 =	vunpack.c.0.s8.s32 v1  }
0x19: {  	vm0 =	vcmask $0x1F10;
	v4 =	vimm.s32 $0x7A797877;
	[tilespmem:$0x1FDE0] =	vst v2;
	v2 =	vimm.s32 $0x7C7B7A79  }
0x1a: {  	[tilespmem:$0x1FE00] =	vst v3;
	v18 =	vunpack.c.0.s8.s32 v2;
	v1 =	vsel vm0, v3, v1;
	v3 =	vimm.s32 $0x79787776  }
0x1b: {  	v2 =	vimm.s32 $0x75747372;
	[tilespmem:$0x1FE10] =	vst v1;
	v1 =	vimm.s32 $0x7F7E7D;
	v6 =	vunpack.c.0.s8.s32 v3  }
0x1c: {  	v3 =	vimm.s32 $0x76757473;
	v10 =	vunpack.c.0.s8.s32 v1;
	v1 =	vunpack.c.0.s8.s32 v2  }
0x1d: {  	v4 =	vunpack.c.0.s8.s32 v4;
	v2 =	vimm.s32 $0x7D7C7B7A;
	v3 =	vunpack.c.0.s8.s32 v3  }
0x1e: {  	v5 =	vimm.s32 $0x1007F7E;
	v45 =	vunpack.c.0.s8.s32 v2;
	v1 =	vsel vm0, v6, v1  }
0x1f: {  	v2 =	vimm.s32 $0x3020100;
	v21 =	vsel vm0, v4, v3;
	[tilespmem:$0x1FE30] =	vst v1;
	v1 =	vimm.s32 $0x7E7D7C7B  }
0x20: {  	v19 =	vunpack.c.0.s8.s32 v1;
	v1 =	vunpack.c.0.s8.s32 v2;
	v2 =	vimm.s32 $0x7F7E7D7C  }
0x21: {  	[tilespmem:$0x1FE20] =	vst v6;
	v3 =	vimm.s32 $0x7B7A7978;
	v6 =	vunpack.c.0.s8.s32 v2;
	v2 =	vimm.s32 $0x77767574  }
0x22: {  	v7 =	vunpack.c.0.s8.s32 v3;
	v3 =	vimm.s32 $0x4030201;
	v2 =	vunpack.c.0.s8.s32 v2  }
0x23: {  	v11 =	vunpack.c.0.s8.s32 v5;
	v5 =	vimm.s32 $0x32107654;
	v3 =	vunpack.c.0.s8.s32 v3  }
0x24: {  	v5 =	vunpack.c.l.s4.s8 v5;
	v1 =	vsel vm0, v1, v6;
	v2 =	vsel vm0, v7, v2  }
0x25: {  	v25 =	vcombine.low v2, v1;
	v2 =	vsel vm0, v3, v10  }
0x26: {  	vm1 =	vcmask $0x2F10;
	[tilespmem:$0x1FE60] =	vst v2;
	v2 =	vunpack.c.0.s8.s32 v5;
	v5 =	vimm.s32 $0x43218765  }
0x27: {  	v8 =	vimm.s32 $0xC0B0A09;
	v9 =	vimm.s32 $0x6543A987;
	v5 =	vunpack.c.l.s4.s8 v5  }
0x28: {  	vm2 =	vcmask $0x3F30;
	v8 =	vunpack.c.0.s8.s32 v8;
	v2 =	vand.u32 $0xF, v2  }
0x29: {  	[tilespmem:$0x1FE70] =	vst v6;
	v2 =	vsel vm1, v2, v6;
	v6 =	vimm.s32 $0xB0A0908;
	v5 =	vunpack.c.0.s8.s32 v5  }
0x2a: {  	v9 =	vunpack.c.l.s4.s8 v9;
	[tilespmem:$0x1FE50] =	vst v7;
	v7 =	vimm.s32 $0x54329876;
	v6 =	vunpack.c.0.s8.s32 v6  }
0x2b: {  	[tilespmem:$0x1FE40] =	vst v4;
	v4 =	vimm.s32 $0x201007F;
	v7 =	vunpack.c.l.s4.s8 v7;
	v5 =	vand.u32 $0xF, v5  }
0x2c: {  	v22 =	vunpack.c.0.s8.s32 v4;
	v5 =	vsel vm1, v5, v10;
	v2 =	vsel vm2, v6, v2  }
0x2d: {  	v1 =	vimm.s32 $0x5040302;
	v7 =	vunpack.c.0.s8.s32 v7;
	[tilespmem:$0x1FE90] =	vst v2;
	v2 =	vsel vm2, v8, v5  }
0x2e: {  	v3 =	vimm.s32 $0x6050403;
	v1 =	vunpack.c.0.s8.s32 v1;
	[tilespmem:$0x1FEA0] =	vst v2;
	v2 =	vunpack.c.0.s8.s32 v9  }
0x2f: {  	v3 =	vunpack.c.0.s8.s32 v3;
	v5 =	vand.u32 $0xF, v7;
	v7 =	vimm.s32 $0xE0D0C0B  }
0x30: {  	v6 =	vimm.s32 $0xD0C0B0A;
	v7 =	vunpack.c.0.s8.s32 v7;
	v2 =	vand.u32 $0xF, v2  }
0x31: {  	v6 =	vunpack.c.0.s8.s32 v6;
	v8 =	vimm.s32 $0x98765432;
	v2 =	vsel vm1, v2, v22  }
0x32: {  	v5 =	vsel vm1, v5, v11;
	v13 =	vsel vm2, v7, v2;
	v2 =	vimm.s32 $0x76543210  }
0x33: {  	s3 =	rddreg [dreg:$0x0];
	v9 =	vsel vm2, v6, v5;
	v6 =	vunpack.c.l.s4.s8 v8;
	v2 =	vunpack.c.l.s4.s8 v2  }
0x34: {  	s4 =	rddreg [dreg:$0x1];
	v3 =	vsel vm0, v3, v22  }
0x35: {  	s5 =	rddreg [dreg:$0x2];
	[tilespmem:$0x1FE80] =	vst v10;
	v8 =	vsel vm0, v1, v11;
	v1 =	vunpack.c.0.s8.s32 v6;
	v2 =	vunpack.c.0.s8.s32 v2  }
0x36: {  	s6 =	rddreg [dreg:$0x3];
	s2 =	simm.s32 $0x0;
	[tilespmem:$0x1FEB0] =	vst v3  }
0x37: {  	v20 =	vmul.u32 $0x80, v0;
	[smem:$0x7FF] =	sst s2;
	v14 =	vand.u32 $0xF, v1;
	v1 =	vor.u32 $0x30, v0;
	[tilespmem:$0x1FEC0] =	vst v2  }
0x38: {  	s0 =	rddreg [dreg:$0x4];
	_ =	strace $0x80000047;
	[tilespmem:$0x1FED0] =	vst v1  }
0x39: {  	v26 =	vadd.s32 $0x6, v0;
	[tilespmem:$0x1FFB0] =	vst v20  }
0x3a: {  	v48 =	vadd.s32 $0x8, v0;
	[tilespmem:$0x1FFC0] =	vst v26  }
0x3b: {  	v29 =	vadd.s32 $0x1, v0;
	[tilespmem:$0x1FFD0] =	vst v48  }
0x3c: {  	v31 =	vadd.s32 $0x2, v0;
	[tilespmem:$0x1FFE0] =	vst v29  }
0x3d: {  	v61 =	vadd.s32 $0x3, v0;
	v1 =	vadd.s32 $0x31, v0;
	[tilespmem:$0x1FFF0] =	vst v31  }
0x3e: {  	v62 =	vadd.s32 $0x4, v0;
	v63 =	vadd.s32 $0x5, v0;
	[tilespmem:$0x1FEE0] =	vst v1;
	v1 =	vadd.s32 $0x32, v0  }
0x3f: {  	v60 =	vadd.s32 $0x7, v0;
	v58 =	vadd.s32 $0x9, v0;
	[tilespmem:$0x1FEF0] =	vst v1;
	v1 =	vadd.s32 $0x33, v0  }
0x40: {  	v54 =	vadd.s32 $0xA, v0;
	v55 =	vadd.s32 $0xB, v0;
	[tilespmem:$0x1FF00] =	vst v1;
	v1 =	vadd.s32 $0x34, v0  }
0x41: {  	v56 =	vadd.s32 $0xC, v0;
	v57 =	vadd.s32 $0xD, v0;
	[tilespmem:$0x1FF10] =	vst v1;
	v1 =	vadd.s32 $0x35, v0  }
0x42: {  	v23 =	vadd.s32 $0x25, v0;
	v4 =	vimm.s32 $0x87654321;
	[tilespmem:$0x1FF20] =	vst v1;
	v1 =	vadd.s32 $0x36, v0  }
0x43: {  	s7 =	srdreg.scid;
	s1 =	stileid.u32;
	v24 =	vadd.s32 $0x26, v0;
	v4 =	vunpack.c.l.s4.s8 v4;
	[tilespmem:$0x1FF30] =	vst v1;
	v1 =	vadd.s32 $0x37, v0  }
0x44: {  	s7 =	sand.u32 $0x1, s7;
	s8 =	sshll.u32 s1, $0x1;
	v12 =	vadd.s32 $0x29, v0;
	v16 =	vadd.s32 $0x2A, v0;
	[tilespmem:$0x1FF40] =	vst v1;
	v1 =	vadd.s32 $0x38, v0  }
0x45: {  	s11 =	simm.s32 $0x6000;
	s12 =	simm.s32 $0x0;
	s8 =	sor.u32 s7, s8;
	v4 =	vunpack.c.0.s8.s32 v4;
	v5 =	vimm.s32 $0xA9876543;
	[tilespmem:$0x1FF50] =	vst v1;
	v1 =	vadd.s32 $0x39, v0  }
0x46: {  	v17 =	vadd.s32 $0x2B, v0;
	s7 =	ssub.s32 $0x2, s7;
	s9 =	sshll.u32 s8, $0xA;
	s8 =	sshll.u32 s8, $0x4;
	v5 =	vunpack.c.l.s4.s8 v5;
	[tilespmem:$0x1FF60] =	vst v1;
	v1 =	vadd.s32 $0x3A, v0  }
0x47: {  	v40 =	vadd.s32 $0x2C, v0;
	s10 =	sshrl.u32 s7, $0x1;
	s9 =	sor.u32 $0x38000, s9;
	s6 =	sadd.s32 s8, s6;
	v15 =	vand.u32 $0xF, v4;
	[tilespmem:$0x1FF70] =	vst v1;
	v1 =	vadd.s32 $0x3B, v0  }
0x48: {  	s7 =	ssub.s32 s7, s10;
	s8 =	simm.s32 $0x1;
	s10 =	simm.s32 $0x4000;
	v4 =	vadd.s32 $0x2F, v0;
	v5 =	vunpack.c.0.s8.s32 v5;
	[tilespmem:$0x1FF80] =	vst v1;
	v1 =	vadd.s32 $0x3C, v0  }
0x49: {  	s3 =	sadd.s32 s3, s9;
	s4 =	sadd.s32 s4, s9;
	s5 =	sadd.s32 s5, s9;
	v10 =	vadd.s32 $0x27, v0;
	v7 =	vmovc v11;
	v11 =	vadd.s32 $0x28, v0;
	[tilespmem:$0x1FF90] =	vst v1;
	v1 =	vadd.s32 $0x3D, v0  }
0x4a: {  	s6 =	sadd.s32 $0x400, s6;
	s7 =	smax.u32 s7, $0x1;
	s9 =	simm.s32 $0x2000;
	v6 =	vand.u32 $0xF, v5;
	v5 =	vadd.s32 $0x2E, v0;
	v2 =	vadd.s32 $0x2D, v0;
	[tilespmem:$0x1FFA0] =	vst v1  }
.LBB2_1:
0x4b: {  	[tilespmem:s2], [sflag:$0x1] =	stream.linear.gather [hbm4b:s3+s2], $0x2000, $0x38;
	[tilespmem:$0x6080] =	vst v63  }
0x4c: {  	_ =	swait.ge [sflag:s8], $0x2000  }
0x4d: {  	[sflag:s8] =	ssyncset.done $0x0  }
0x4e: {  	[sflag:s8] =	ssyncadd.s32 $0xFFFFE000  }
0x4f: {  	[tilespmem:s9], [sflag:$0x1] =	stream.linear.gather [hbm4b:s4+s2], $0x2000, $0x38;
	[tilespmem:$0x6080] =	vst v63  }
0x50: {  	_ =	swait.ge [sflag:s8], $0x2000  }
0x51: {  	[sflag:s8] =	ssyncset.done $0x0  }
0x52: {  	[sflag:s8] =	ssyncadd.s32 $0xFFFFE000  }
0x53: {  	[tilespmem:s10], [sflag:$0x1] =	stream.linear.gather [hbm4b:s5+s2], $0x2000, $0x38;
	[tilespmem:$0x6080] =	vst v63  }
0x54: {  	_ =	swait.ge [sflag:s8], $0x2000  }
0x55: {  	[sflag:s8] =	ssyncset.done $0x0  }
0x56: {  	v1 =	vimm.f32 $0.0e+00;
	s13 =	simm.s32 $0x0;
	[sflag:s8] =	ssyncadd.s32 $0xFFFFE000  }
.LBB2_2:
0x57: {  	_ = 	snop  }
0x58: {  	v27 =	vmov s13  }
0x59: {  	v3 =	vld [tilespmem:$0x1FFE0];
	v27 =	vshll.u32 v27, $0x7  }
0x5a: {  	v27 =	vor.u32 v20, v27  }
0x5b: {  	v28 =	vor.u32 v0, v27;
	_ =	sdelay $0x2  }
0x5c: {  	v29 =	vor.u32 v3, v27  }
0x5d: {  	v3 =	vld [tilespmem:$0x1FFF0]  }
0x5e: {  	v30 =	vld.idx.msk [tilespmem:v28+s2+$0x0], $0xffff  }
0x5f: {  	v35 =	vor.u32 v61, v27;
	v31 =	vld.idx.msk [tilespmem:v28+s9+$0x0], $0xffff  }
0x60: {  	v28 =	vld.idx.msk [tilespmem:v28+s10+$0x0], $0xffff  }
0x61: {  	v33 =	vld.idx.msk [tilespmem:v29+s2+$0x0], $0xffff  }
0x62: {  	v38 =	vor.u32 v62, v27;
	v34 =	vld.idx.msk [tilespmem:v29+s9+$0x0], $0xffff  }
0x63: {  	v29 =	vld.idx.msk [tilespmem:v29+s10+$0x0], $0xffff  }
0x64: {  	v39 =	vld.idx.msk [tilespmem:v35+s2+$0x0], $0xffff  }
0x65: {  	v42 =	vor.u32 v63, v27;
	v41 =	vld.idx.msk [tilespmem:v35+s9+$0x0], $0xffff  }
0x66: {  	v35 =	vld.idx.msk [tilespmem:v35+s10+$0x0], $0xffff  }
0x67: {  	v44 =	vld.idx.msk [tilespmem:v38+s2+$0x0], $0xffff  }
0x68: {  	v32 =	vor.u32 v3, v27;
	v43 =	vld.idx.msk [tilespmem:v38+s9+$0x0], $0xffff  }
0x69: {  	v38 =	vld.idx.msk [tilespmem:v38+s10+$0x0], $0xffff  }
0x6a: {  	v46 =	vld.idx.msk [tilespmem:v42+s2+$0x0], $0xffff  }
0x6b: {  	v50 =	vor.u32 v60, v27;
	v49 =	vld.idx.msk [tilespmem:v42+s9+$0x0], $0xffff  }
0x6c: {  	v3 =	vld [tilespmem:$0x1FC90]  }
0x6d: {  	v47 =	vor.u32 v26, v27;
	v37 =	vld.idx.msk [tilespmem:v32+s2+$0x0], $0xffff  }
0x6e: {  	v36 =	vld.idx.msk [tilespmem:v32+s9+$0x0], $0xffff;
	v30 =	vadd.f32 $9.999999970e-07, v30  }
0x6f: {  	v32 =	vld.idx.msk [tilespmem:v32+s10+$0x0], $0xffff;
	v33 =	vadd.f32 $9.999999970e-07, v33;
	v44 =	vadd.f32 $9.999999970e-07, v44  }
0x70: {  	v59 =	vadd.f32 $9.999999970e-07, v39;
	v39 =	vld.idx.msk [tilespmem:v50+s2+$0x0], $0xffff;
	v46 =	vadd.f32 $9.999999970e-07, v46  }
0x71: {  	v31 =	vsub.f32 v30, v31;
	v28 =	vsub.f32 v30, v28;
	v30 =	vld.idx.msk [tilespmem:v42+s10+$0x0], $0xffff  }
0x72: {  	v52 =	vor.u32 v48, v27;
	v34 =	vsub.f32 v33, v34;
	v42 =	vld.idx.msk [tilespmem:v47+s2+$0x0], $0xffff;
	v29 =	vsub.f32 v33, v29  }
0x73: {  	v53 =	vor.u32 v58, v27;
	v33 =	vld.idx.msk [tilespmem:v47+s9+$0x0], $0xffff;
	v43 =	vsub.f32 v44, v43;
	v38 =	vsub.f32 v44, v38  }
0x74: {  	v51 =	vor.u32 v54, v27;
	v47 =	vld.idx.msk [tilespmem:v47+s10+$0x0], $0xffff;
	v41 =	vsub.f32 v59, v41;
	v35 =	vsub.f32 v59, v35  }
0x75: {  	v44 =	vld.idx.msk [tilespmem:v50+s9+$0x0], $0xffff;
	v49 =	vsub.f32 v46, v49;
	v31 =	vmul.f32 v31, v31;
	v59 =	vmul.f32 v43, v43  }
0x76: {  	v50 =	vld.idx.msk [tilespmem:v50+s10+$0x0], $0xffff;
	v28 =	vmul.f32 v28, v28;
	v34 =	vmul.f32 v34, v34;
	v37 =	vadd.f32 $9.999999970e-07, v37  }
0x77: {  	v29 =	vmul.f32 v29, v29;
	v43 =	vld.idx.msk [tilespmem:v52+s2+$0x0], $0xffff;
	v48 =	vadd.f32 $9.999999970e-07, v39;
	v31 =	vadd.f32 v59, v31  }
0x78: {  	v38 =	vmul.f32 v38, v38;
	v39 =	vld.idx.msk [tilespmem:v53+s10+$0x0], $0xffff;
	v36 =	vsub.f32 v37, v36;
	v32 =	vsub.f32 v37, v32  }
0x79: {  	v41 =	vmul.f32 v41, v41;
	v30 =	vsub.f32 v46, v30;
	v46 =	vld.idx.msk [tilespmem:v52+s9+$0x0], $0xffff;
	v37 =	vadd.f32 $9.999999970e-07, v42  }
0x7a: {  	v28 =	vadd.f32 v38, v28;
	v42 =	vld.idx.msk [tilespmem:v52+s10+$0x0], $0xffff;
	v52 =	vor.u32 v55, v27;
	v44 =	vsub.f32 v48, v44  }
0x7b: {  	v59 =	vmul.f32 v49, v49;
	v49 =	vld.idx.msk [tilespmem:v53+s2+$0x0], $0xffff;
	v33 =	vsub.f32 v37, v33;
	v37 =	vsub.f32 v37, v47  }
0x7c: {  	v38 =	vsub.f32 v48, v50;
	v50 =	vld.idx.msk [tilespmem:v51+s9+$0x0], $0xffff;
	v36 =	vmul.f32 v36, v36;
	v30 =	vmul.f32 v30, v30  }
0x7d: {  	v34 =	vadd.f32 v59, v34;
	v32 =	vmul.f32 v32, v32;
	v47 =	vld.idx.msk [tilespmem:v53+s9+$0x0], $0xffff;
	v59 =	vmul.f32 v37, v37  }
0x7e: {  	v48 =	vadd.f32 $9.999999970e-07, v43;
	v29 =	vadd.f32 v30, v29;
	v30 =	vmul.f32 v33, v33;
	v37 =	vld.idx.msk [tilespmem:v51+s2+$0x0], $0xffff  }
0x7f: {  	v53 =	vor.u32 v56, v27;
	v32 =	vadd.f32 v59, v32;
	v59 =	vmul.f32 v44, v44;
	v44 =	vld.idx.msk [tilespmem:v52+s2+$0x0], $0xffff  }
0x80: {  	v30 =	vadd.f32 v30, v36;
	v36 =	vsub.f32 v48, v42;
	v42 =	vld.idx.msk [tilespmem:v52+s9+$0x0], $0xffff  }
0x81: {  	v33 =	vadd.f32 v59, v41;
	v59 =	vadd.f32 $9.999999970e-07, v49;
	v49 =	vld.idx.msk [tilespmem:v52+s10+$0x0], $0xffff  }
0x82: {  	v46 =	vsub.f32 v48, v46;
	v52 =	vor.u32 v3, v27;
	v3 =	vld [tilespmem:$0x1FCA0]  }
0x83: {  	v35 =	vmul.f32 v35, v35;
	v43 =	vld.idx.msk [tilespmem:v51+s10+$0x0], $0xffff;
	v38 =	vmul.f32 v38, v38  }
0x84: {  	v51 =	vor.u32 v57, v27;
	v48 =	vmul.f32 v46, v46;
	v46 =	vld.idx.msk [tilespmem:v53+s2+$0x0], $0xffff  }
0x85: {  	v35 =	vadd.f32 v38, v35;
	v38 =	vld.idx.msk [tilespmem:v53+s10+$0x0], $0xffff  }
0x86: {  	v41 =	vld.idx.msk [tilespmem:v53+s9+$0x0], $0xffff  }
0x87: {  	v37 =	vadd.f32 $9.999999970e-07, v37;
	v53 =	vor.u32 v3, v27;
	v3 =	vld [tilespmem:$0x1FCB0]  }
0x88: {  	v36 =	vmul.f32 v36, v36;
	v47 =	vsub.f32 v59, v47  }
0x89: {  	v50 =	vsub.f32 v37, v50;
	v37 =	vsub.f32 v37, v43;
	v43 =	vld.idx.msk [tilespmem:v51+s9+$0x0], $0xffff  }
0x8a: {  	v28 =	vadd.f32 v36, v28;
	v36 =	vadd.f32 $9.999999970e-07, v44;
	v44 =	vld.idx.msk [tilespmem:v51+s10+$0x0], $0xffff  }
0x8b: {  	v39 =	vsub.f32 v59, v39;
	v59 =	vmul.f32 v47, v47;
	v47 =	vld.idx.msk [tilespmem:v51+s2+$0x0], $0xffff  }
0x8c: {  	v51 =	vor.u32 v3, v27;
	v3 =	vld [tilespmem:$0x1FCC0]  }
0x8d: {  	v42 =	vsub.f32 v36, v42  }
0x8e: {  	v36 =	vsub.f32 v36, v49;
	v49 =	vld.idx.msk [tilespmem:v52+s9+$0x0], $0xffff;
	v34 =	vadd.f32 v59, v34;
	v59 =	vmul.f32 v50, v50  }
0x8f: {  	v50 =	vld.idx.msk [tilespmem:v52+s2+$0x0], $0xffff  }
0x90: {  	v30 =	vadd.f32 v59, v30;
	v59 =	vadd.f32 $9.999999970e-07, v46;
	v46 =	vld.idx.msk [tilespmem:v52+s10+$0x0], $0xffff  }
0x91: {  	v52 =	vor.u32 v3, v27;
	v3 =	vld [tilespmem:$0x1FCD0]  }
0x92: {  	v39 =	vmul.f32 v39, v39  }
0x93: {  	v31 =	vadd.f32 v48, v31;
	v48 =	vmul.f32 v42, v42;
	v42 =	vld.idx.msk [tilespmem:v53+s2+$0x0], $0xffff  }
0x94: {  	v29 =	vadd.f32 v39, v29;
	v41 =	vsub.f32 v59, v41;
	v39 =	vld.idx.msk [tilespmem:v53+s9+$0x0], $0xffff  }
0x95: {  	v38 =	vsub.f32 v59, v38;
	v59 =	vadd.f32 $9.999999970e-07, v47;
	v47 =	vld.idx.msk [tilespmem:v53+s10+$0x0], $0xffff  }
0x96: {  	v53 =	vor.u32 v3, v27;
	v3 =	vld [tilespmem:$0x1FCE0]  }
0x97: {  	v37 =	vmul.f32 v37, v37  }
0x98: {  	v36 =	vmul.f32 v36, v36;
	v33 =	vadd.f32 v48, v33;
	v48 =	vmul.f32 v41, v41;
	v41 =	vld.idx.msk [tilespmem:v51+s2+$0x0], $0xffff  }
0x99: {  	v32 =	vadd.f32 v37, v32;
	v37 =	vsub.f32 v59, v44;
	v44 =	vld.idx.msk [tilespmem:v51+s9+$0x0], $0xffff  }
0x9a: {  	v35 =	vadd.f32 v36, v35;
	v36 =	vadd.f32 $9.999999970e-07, v50;
	v50 =	vld.idx.msk [tilespmem:v51+s10+$0x0], $0xffff  }
0x9b: {  	v43 =	vsub.f32 v59, v43;
	v51 =	vor.u32 v3, v27;
	v3 =	vld [tilespmem:$0x1FCF0];
	_ =	sdelay $0x1  }
0x9c: {  	v38 =	vmul.f32 v38, v38;
	v59 =	vmul.f32 v43, v43;
	v43 =	vld.idx.msk [tilespmem:v52+s2+$0x0], $0xffff  }
0x9d: {  	v49 =	vsub.f32 v36, v49;
	v36 =	vsub.f32 v36, v46;
	v46 =	vld.idx.msk [tilespmem:v52+s9+$0x0], $0xffff  }
0x9e: {  	v28 =	vadd.f32 v38, v28;
	v38 =	vadd.f32 $9.999999970e-07, v42;
	v42 =	vld.idx.msk [tilespmem:v52+s10+$0x0], $0xffff  }
0x9f: {  	v52 =	vor.u32 v3, v27;
	v3 =	vld [tilespmem:$0x1FD00];
	_ =	sdelay $0x1  }
0xa0: {  	v34 =	vadd.f32 v59, v34;
	v59 =	vmul.f32 v49, v49;
	v49 =	vld.idx.msk [tilespmem:v53+s2+$0x0], $0xffff  }
0xa1: {  	v39 =	vsub.f32 v38, v39;
	v38 =	vsub.f32 v38, v47;
	v47 =	vld.idx.msk [tilespmem:v53+s9+$0x0], $0xffff  }
0xa2: {  	v31 =	vadd.f32 v48, v31;
	v48 =	vadd.f32 $9.999999970e-07, v41;
	v41 =	vld.idx.msk [tilespmem:v53+s10+$0x0], $0xffff  }
0xa3: {  	v53 =	vor.u32 v3, v27;
	v3 =	vld [tilespmem:$0x1FD10]  }
0xa4: {  	v37 =	vmul.f32 v37, v37  }
0xa5: {  	v30 =	vadd.f32 v59, v30;
	v59 =	vmul.f32 v39, v39;
	v39 =	vld.idx.msk [tilespmem:v51+s2+$0x0], $0xffff  }
0xa6: {  	v29 =	vadd.f32 v37, v29;
	v37 =	vsub.f32 v48, v50;
	v50 =	vld.idx.msk [tilespmem:v51+s9+$0x0], $0xffff  }
0xa7: {  	v44 =	vsub.f32 v48, v44;
	v48 =	vadd.f32 $9.999999970e-07, v43;
	v43 =	vld.idx.msk [tilespmem:v51+s10+$0x0], $0xffff  }
0xa8: {  	v51 =	vor.u32 v3, v27;
	v3 =	vld [tilespmem:$0x1FD20]  }
0xa9: {  	v36 =	vmul.f32 v36, v36  }
0xaa: {  	v33 =	vadd.f32 v59, v33;
	v59 =	vmul.f32 v44, v44;
	v44 =	vld.idx.msk [tilespmem:v52+s2+$0x0], $0xffff  }
0xab: {  	v32 =	vadd.f32 v36, v32;
	v36 =	vsub.f32 v48, v42;
	v42 =	vld.idx.msk [tilespmem:v52+s9+$0x0], $0xffff  }
0xac: {  	v31 =	vadd.f32 v59, v31;
	v59 =	vadd.f32 $9.999999970e-07, v49;
	v49 =	vld.idx.msk [tilespmem:v52+s10+$0x0], $0xffff  }
0xad: {  	v46 =	vsub.f32 v48, v46;
	v52 =	vor.u32 v3, v27;
	v3 =	vld [tilespmem:$0x1FD30]  }
0xae: {  	v38 =	vmul.f32 v38, v38  }
0xaf: {  	v37 =	vmul.f32 v37, v37;
	v48 =	vmul.f32 v46, v46;
	v46 =	vld.idx.msk [tilespmem:v53+s2+$0x0], $0xffff  }
0xb0: {  	v35 =	vadd.f32 v38, v35;
	v38 =	vsub.f32 v59, v41;
	v41 =	vld.idx.msk [tilespmem:v53+s9+$0x0], $0xffff  }
0xb1: {  	v28 =	vadd.f32 v37, v28;
	v37 =	vadd.f32 $9.999999970e-07, v39;
	v39 =	vld.idx.msk [tilespmem:v53+s10+$0x0], $0xffff  }
0xb2: {  	v47 =	vsub.f32 v59, v47;
	v53 =	vor.u32 v3, v27;
	v3 =	vld [tilespmem:$0x1FD40];
	_ =	sdelay $0x1  }
0xb3: {  	v36 =	vmul.f32 v36, v36;
	v59 =	vmul.f32 v47, v47;
	v47 =	vld.idx.msk [tilespmem:v51+s2+$0x0], $0xffff  }
0xb4: {  	v50 =	vsub.f32 v37, v50;
	v37 =	vsub.f32 v37, v43;
	v43 =	vld.idx.msk [tilespmem:v51+s9+$0x0], $0xffff  }
0xb5: {  	v29 =	vadd.f32 v36, v29;
	v36 =	vadd.f32 $9.999999970e-07, v44;
	v44 =	vld.idx.msk [tilespmem:v51+s10+$0x0], $0xffff  }
0xb6: {  	v51 =	vor.u32 v3, v27;
	v3 =	vld [tilespmem:$0x1FD50];
	_ =	sdelay $0x1  }
0xb7: {  	v30 =	vadd.f32 v59, v30;
	v59 =	vmul.f32 v50, v50;
	v50 =	vld.idx.msk [tilespmem:v52+s2+$0x0], $0xffff  }
0xb8: {  	v42 =	vsub.f32 v36, v42;
	v36 =	vsub.f32 v36, v49;
	v49 =	vld.idx.msk [tilespmem:v52+s9+$0x0], $0xffff  }
0xb9: {  	v33 =	vadd.f32 v59, v33;
	v59 =	vadd.f32 $9.999999970e-07, v46;
	v46 =	vld.idx.msk [tilespmem:v52+s10+$0x0], $0xffff  }
0xba: {  	v52 =	vor.u32 v3, v27;
	v3 =	vld [tilespmem:$0x1FD60]  }
0xbb: {  	v38 =	vmul.f32 v38, v38  }
0xbc: {  	v34 =	vadd.f32 v48, v34;
	v48 =	vmul.f32 v42, v42;
	v42 =	vld.idx.msk [tilespmem:v53+s2+$0x0], $0xffff  }
0xbd: {  	v32 =	vadd.f32 v38, v32;
	v38 =	vsub.f32 v59, v39;
	v39 =	vld.idx.msk [tilespmem:v53+s9+$0x0], $0xffff  }
0xbe: {  	v41 =	vsub.f32 v59, v41;
	v59 =	vadd.f32 $9.999999970e-07, v47;
	v47 =	vld.idx.msk [tilespmem:v53+s10+$0x0], $0xffff  }
0xbf: {  	v53 =	vor.u32 v3, v27;
	v3 =	vld [tilespmem:$0x1FD70]  }
0xc0: {  	v37 =	vmul.f32 v37, v37  }
0xc1: {  	v36 =	vmul.f32 v36, v36;
	v31 =	vadd.f32 v48, v31;
	v48 =	vmul.f32 v41, v41;
	v41 =	vld.idx.msk [tilespmem:v51+s2+$0x0], $0xffff  }
0xc2: {  	v35 =	vadd.f32 v37, v35;
	v37 =	vsub.f32 v59, v44;
	v44 =	vld.idx.msk [tilespmem:v51+s9+$0x0], $0xffff  }
0xc3: {  	v28 =	vadd.f32 v36, v28;
	v36 =	vadd.f32 $9.999999970e-07, v50;
	v50 =	vld.idx.msk [tilespmem:v51+s10+$0x0], $0xffff  }
0xc4: {  	v43 =	vsub.f32 v59, v43;
	v51 =	vor.u32 v3, v27;
	v3 =	vld [tilespmem:$0x1FD80];
	_ =	sdelay $0x1  }
0xc5: {  	v38 =	vmul.f32 v38, v38;
	v59 =	vmul.f32 v43, v43;
	v43 =	vld.idx.msk [tilespmem:v52+s2+$0x0], $0xffff  }
0xc6: {  	v49 =	vsub.f32 v36, v49;
	v36 =	vsub.f32 v36, v46;
	v46 =	vld.idx.msk [tilespmem:v52+s9+$0x0], $0xffff  }
0xc7: {  	v29 =	vadd.f32 v38, v29;
	v38 =	vadd.f32 $9.999999970e-07, v42;
	v42 =	vld.idx.msk [tilespmem:v52+s10+$0x0], $0xffff  }
0xc8: {  	v52 =	vor.u32 v3, v27;
	v3 =	vld [tilespmem:$0x1FD90];
	_ =	sdelay $0x1  }
0xc9: {  	v30 =	vadd.f32 v59, v30;
	v59 =	vmul.f32 v49, v49;
	v49 =	vld.idx.msk [tilespmem:v53+s2+$0x0], $0xffff  }
0xca: {  	v39 =	vsub.f32 v38, v39;
	v38 =	vsub.f32 v38, v47;
	v47 =	vld.idx.msk [tilespmem:v53+s9+$0x0], $0xffff  }
0xcb: {  	v34 =	vadd.f32 v48, v34;
	v48 =	vadd.f32 $9.999999970e-07, v41;
	v41 =	vld.idx.msk [tilespmem:v53+s10+$0x0], $0xffff  }
0xcc: {  	v53 =	vor.u32 v3, v27;
	v3 =	vld [tilespmem:$0x1FDA0]  }
0xcd: {  	v37 =	vmul.f32 v37, v37  }
0xce: {  	v33 =	vadd.f32 v59, v33;
	v59 =	vmul.f32 v39, v39;
	v39 =	vld.idx.msk [tilespmem:v51+s2+$0x0], $0xffff  }
0xcf: {  	v32 =	vadd.f32 v37, v32;
	v37 =	vsub.f32 v48, v50;
	v50 =	vld.idx.msk [tilespmem:v51+s9+$0x0], $0xffff  }
0xd0: {  	v44 =	vsub.f32 v48, v44;
	v48 =	vadd.f32 $9.999999970e-07, v43;
	v43 =	vld.idx.msk [tilespmem:v51+s10+$0x0], $0xffff  }
0xd1: {  	v51 =	vor.u32 v3, v27;
	v3 =	vld [tilespmem:$0x1FDB0]  }
0xd2: {  	v36 =	vmul.f32 v36, v36  }
0xd3: {  	v31 =	vadd.f32 v59, v31;
	v59 =	vmul.f32 v44, v44;
	v44 =	vld.idx.msk [tilespmem:v52+s2+$0x0], $0xffff  }
0xd4: {  	v35 =	vadd.f32 v36, v35;
	v36 =	vsub.f32 v48, v42;
	v42 =	vld.idx.msk [tilespmem:v52+s9+$0x0], $0xffff  }
0xd5: {  	v34 =	vadd.f32 v59, v34;
	v59 =	vadd.f32 $9.999999970e-07, v49;
	v49 =	vld.idx.msk [tilespmem:v52+s10+$0x0], $0xffff  }
0xd6: {  	v38 =	vmul.f32 v38, v38;
	v46 =	vsub.f32 v48, v46;
	v52 =	vor.u32 v3, v27;
	v3 =	vld [tilespmem:$0x1FDC0]  }
0xd7: {  	v37 =	vmul.f32 v37, v37  }
0xd8: {  	v28 =	vadd.f32 v38, v28;
	v48 =	vmul.f32 v46, v46;
	v46 =	vld.idx.msk [tilespmem:v53+s2+$0x0], $0xffff  }
0xd9: {  	v29 =	vadd.f32 v37, v29;
	v38 =	vsub.f32 v59, v41;
	v41 =	vld.idx.msk [tilespmem:v53+s9+$0x0], $0xffff  }
0xda: {  	v47 =	vsub.f32 v59, v47;
	v37 =	vadd.f32 $9.999999970e-07, v39;
	v39 =	vld.idx.msk [tilespmem:v53+s10+$0x0], $0xffff  }
0xdb: {  	v36 =	vmul.f32 v36, v36;
	v53 =	vor.u32 v3, v27;
	v3 =	vld [tilespmem:$0x1FDD0]  }
0xdc: {  	v59 =	vmul.f32 v47, v47;
	v50 =	vsub.f32 v37, v50;
	v47 =	vld.idx.msk [tilespmem:v51+s2+$0x0], $0xffff  }
0xdd: {  	v32 =	vadd.f32 v36, v32;
	v37 =	vsub.f32 v37, v43;
	v43 =	vld.idx.msk [tilespmem:v51+s9+$0x0], $0xffff  }
0xde: {  	v33 =	vadd.f32 v59, v33;
	v59 =	vmul.f32 v50, v50;
	v36 =	vadd.f32 $9.999999970e-07, v44;
	v44 =	vld.idx.msk [tilespmem:v51+s10+$0x0], $0xffff  }
0xdf: {  	v38 =	vmul.f32 v38, v38;
	v50 =	vld.idx.msk [tilespmem:v52+s2+$0x0], $0xffff  }
0xe0: {  	v31 =	vadd.f32 v59, v31;
	v42 =	vsub.f32 v36, v42;
	v51 =	vor.u32 v3, v27;
	v3 =	vld [tilespmem:$0x1FDE0]  }
0xe1: {  	v37 =	vmul.f32 v37, v37;
	v36 =	vsub.f32 v36, v49;
	v59 =	vadd.f32 $9.999999970e-07, v46;
	v49 =	vld.idx.msk [tilespmem:v52+s9+$0x0], $0xffff  }
0xe2: {  	v30 =	vadd.f32 v48, v30;
	v35 =	vadd.f32 v38, v35;
	v46 =	vld.idx.msk [tilespmem:v52+s10+$0x0], $0xffff  }
0xe3: {  	v28 =	vadd.f32 v37, v28;
	v48 =	vmul.f32 v42, v42;
	v41 =	vsub.f32 v59, v41;
	v42 =	vld.idx.msk [tilespmem:v53+s2+$0x0], $0xffff  }
0xe4: {  	v36 =	vmul.f32 v36, v36;
	v38 =	vsub.f32 v59, v39;
	v59 =	vadd.f32 $9.999999970e-07, v47;
	v39 =	vld.idx.msk [tilespmem:v53+s9+$0x0], $0xffff  }
0xe5: {  	v34 =	vadd.f32 v48, v34;
	v48 =	vmul.f32 v41, v41;
	v52 =	vor.u32 v3, v27;
	v41 =	vld.idx.msk [tilespmem:v51+s2+$0x0], $0xffff  }
0xe6: {  	v29 =	vadd.f32 v36, v29;
	v38 =	vmul.f32 v38, v38;
	v43 =	vsub.f32 v59, v43;
	v3 =	vld [tilespmem:$0x1FDF0]  }
0xe7: {  	v37 =	vsub.f32 v59, v44;
	v36 =	vadd.f32 $9.999999970e-07, v50;
	v44 =	vld.idx.msk [tilespmem:v51+s9+$0x0], $0xffff  }
0xe8: {  	v32 =	vadd.f32 v38, v32;
	v59 =	vmul.f32 v43, v43;
	v50 =	vld.idx.msk [tilespmem:v51+s10+$0x0], $0xffff;
	v51 =	vor.u32 v23, v27  }
0xe9: {  	v47 =	vld.idx.msk [tilespmem:v53+s10+$0x0], $0xffff;
	v49 =	vsub.f32 v36, v49;
	v38 =	vadd.f32 $9.999999970e-07, v42  }
0xea: {  	v33 =	vadd.f32 v59, v33;
	v36 =	vsub.f32 v36, v46;
	v43 =	vld.idx.msk [tilespmem:v52+s2+$0x0], $0xffff  }
0xeb: {  	v59 =	vmul.f32 v49, v49;
	v39 =	vsub.f32 v38, v39;
	v53 =	vor.u32 v3, v27;
	v46 =	vld.idx.msk [tilespmem:v52+s9+$0x0], $0xffff  }
0xec: {  	v30 =	vadd.f32 v48, v30;
	v37 =	vmul.f32 v37, v37;
	v42 =	vld.idx.msk [tilespmem:v52+s10+$0x0], $0xffff  }
0xed: {  	v31 =	vadd.f32 v59, v31;
	v59 =	vmul.f32 v39, v39;
	v48 =	vadd.f32 $9.999999970e-07, v41;
	v39 =	vld.idx.msk [tilespmem:v51+s2+$0x0], $0xffff  }
0xee: {  	v3 =	vld [tilespmem:$0x1FED0]  }
0xef: {  	v35 =	vadd.f32 v37, v35;
	v52 =	vor.u32 v24, v27;
	v37 =	vsub.f32 v48, v50;
	v50 =	vld.idx.msk [tilespmem:v51+s9+$0x0], $0xffff  }
0xf0: {  	v44 =	vsub.f32 v48, v44;
	v49 =	vld.idx.msk [tilespmem:v53+s2+$0x0], $0xffff  }
0xf1: {  	v36 =	vmul.f32 v36, v36;
	v38 =	vsub.f32 v38, v47;
	v34 =	vadd.f32 v59, v34;
	v47 =	vld.idx.msk [tilespmem:v53+s9+$0x0], $0xffff  }
0xf2: {  	v59 =	vmul.f32 v44, v44;
	v37 =	vmul.f32 v37, v37;
	v41 =	vld.idx.msk [tilespmem:v53+s10+$0x0], $0xffff;
	v53 =	vor.u32 v10, v27  }
0xf3: {  	v28 =	vadd.f32 v36, v28;
	v48 =	vadd.f32 $9.999999970e-07, v43;
	v43 =	vld.idx.msk [tilespmem:v51+s10+$0x0], $0xffff  }
0xf4: {  	v44 =	vld.idx.msk [tilespmem:v52+s2+$0x0], $0xffff;
	v51 =	vor.u32 v11, v27;
	v30 =	vadd.f32 v59, v30;
	v32 =	vadd.f32 v37, v32  }
0xf5: {  	v38 =	vmul.f32 v38, v38;
	v46 =	vsub.f32 v48, v46;
	v36 =	vsub.f32 v48, v42;
	v42 =	vld.idx.msk [tilespmem:v52+s9+$0x0], $0xffff  }
0xf6: {  	v37 =	vadd.f32 $9.999999970e-07, v39;
	v59 =	vadd.f32 $9.999999970e-07, v49;
	v49 =	vld.idx.msk [tilespmem:v52+s10+$0x0], $0xffff  }
0xf7: {  	v29 =	vadd.f32 v38, v29;
	v48 =	vmul.f32 v46, v46;
	v36 =	vmul.f32 v36, v36;
	v46 =	vld.idx.msk [tilespmem:v53+s2+$0x0], $0xffff  }
0xf8: {  	v50 =	vsub.f32 v37, v50;
	v52 =	vor.u32 v12, v27;
	v39 =	vld.idx.msk [tilespmem:v53+s10+$0x0], $0xffff;
	v37 =	vsub.f32 v37, v43  }
0xf9: {  	v43 =	vld.idx.msk [tilespmem:v51+s9+$0x0], $0xffff;
	v35 =	vadd.f32 v36, v35;
	v47 =	vsub.f32 v59, v47  }
0xfa: {  	v36 =	vadd.f32 $9.999999970e-07, v44;
	v38 =	vsub.f32 v59, v41;
	v41 =	vld.idx.msk [tilespmem:v53+s9+$0x0], $0xffff;
	v53 =	vor.u32 v16, v27  }
0xfb: {  	v44 =	vld.idx.msk [tilespmem:v51+s10+$0x0], $0xffff;
	v59 =	vmul.f32 v47, v47  }
0xfc: {  	v42 =	vsub.f32 v36, v42;
	v47 =	vld.idx.msk [tilespmem:v51+s2+$0x0], $0xffff  }
0xfd: {  	v36 =	vsub.f32 v36, v49;
	v49 =	vld.idx.msk [tilespmem:v52+s9+$0x0], $0xffff;
	v31 =	vadd.f32 v59, v31;
	v59 =	vmul.f32 v50, v50  }
0xfe: {  	v33 =	vadd.f32 v48, v33;
	v38 =	vmul.f32 v38, v38;
	v51 =	vor.u32 v17, v27;
	v50 =	vld.idx.msk [tilespmem:v52+s2+$0x0], $0xffff  }
0xff: {  	v48 =	vmul.f32 v42, v42;
	v42 =	vld.idx.msk [tilespmem:v53+s2+$0x0], $0xffff;
	v34 =	vadd.f32 v59, v34;
	v59 =	vadd.f32 $9.999999970e-07, v46  }
0x100: {  	v28 =	vadd.f32 v38, v28;
	v46 =	vld.idx.msk [tilespmem:v52+s10+$0x0], $0xffff  }
0x101: {  	v36 =	vmul.f32 v36, v36;
	v52 =	vor.u32 v40, v27;
	v38 =	vsub.f32 v59, v39;
	v39 =	vld.idx.msk [tilespmem:v53+s9+$0x0], $0xffff  }
0x102: {  	v37 =	vmul.f32 v37, v37;
	v41 =	vsub.f32 v59, v41;
	v59 =	vadd.f32 $9.999999970e-07, v47;
	v47 =	vld.idx.msk [tilespmem:v53+s10+$0x0], $0xffff  }
0x103: {  	v32 =	vadd.f32 v36, v32;
	v53 =	vor.u32 v2, v27;
	v36 =	vadd.f32 $9.999999970e-07, v50;
	v50 =	vld.idx.msk [tilespmem:v51+s10+$0x0], $0xffff  }
0x104: {  	v30 =	vadd.f32 v48, v30;
	v48 =	vmul.f32 v41, v41;
	v41 =	vld.idx.msk [tilespmem:v51+s2+$0x0], $0xffff;
	v43 =	vsub.f32 v59, v43  }
0x105: {  	v29 =	vadd.f32 v37, v29;
	v38 =	vmul.f32 v38, v38;
	v37 =	vsub.f32 v59, v44;
	v44 =	vld.idx.msk [tilespmem:v51+s9+$0x0], $0xffff  }
0x106: {  	v49 =	vsub.f32 v36, v49;
	v36 =	vsub.f32 v36, v46;
	v46 =	vld.idx.msk [tilespmem:v52+s9+$0x0], $0xffff;
	v59 =	vmul.f32 v43, v43  }
0x107: {  	v35 =	vadd.f32 v38, v35;
	v43 =	vld.idx.msk [tilespmem:v52+s2+$0x0], $0xffff;
	v38 =	vadd.f32 $9.999999970e-07, v42  }
0x108: {  	v51 =	vor.u32 v5, v27;
	v31 =	vadd.f32 v59, v31;
	v59 =	vmul.f32 v49, v49;
	v49 =	vld.idx.msk [tilespmem:v53+s2+$0x0], $0xffff  }
0x109: {  	v39 =	vsub.f32 v38, v39;
	v38 =	vsub.f32 v38, v47;
	v47 =	vld.idx.msk [tilespmem:v53+s9+$0x0], $0xffff  }
0x10a: {  	v33 =	vadd.f32 v48, v33;
	v48 =	vadd.f32 $9.999999970e-07, v41;
	v41 =	vld.idx.msk [tilespmem:v53+s10+$0x0], $0xffff  }
0x10b: {  	v53 =	vor.u32 v3, v27;
	v3 =	vld [tilespmem:$0x1FEE0]  }
0x10c: {  	v37 =	vmul.f32 v37, v37;
	v42 =	vld.idx.msk [tilespmem:v52+s10+$0x0], $0xffff  }
0x10d: {  	v52 =	vor.u32 v4, v27;
	v34 =	vadd.f32 v59, v34;
	v59 =	vmul.f32 v39, v39;
	v39 =	vld.idx.msk [tilespmem:v51+s2+$0x0], $0xffff  }
0x10e: {  	v28 =	vadd.f32 v37, v28;
	v37 =	vsub.f32 v48, v50;
	v50 =	vld.idx.msk [tilespmem:v51+s9+$0x0], $0xffff  }
0x10f: {  	v44 =	vsub.f32 v48, v44;
	v48 =	vadd.f32 $9.999999970e-07, v43;
	v43 =	vld.idx.msk [tilespmem:v51+s10+$0x0], $0xffff  }
0x110: {  	v36 =	vmul.f32 v36, v36;
	v51 =	vor.u32 v3, v27;
	v3 =	vld [tilespmem:$0x1FEF0]  }
0x111: {  	v20 =	vld [tilespmem:$0x1FF20]  }
0x112: {  	v29 =	vadd.f32 v36, v29;
	v30 =	vadd.f32 v59, v30;
	v59 =	vmul.f32 v44, v44;
	v44 =	vld.idx.msk [tilespmem:v52+s2+$0x0], $0xffff  }
0x113: {  	v46 =	vsub.f32 v48, v46;
	v36 =	vsub.f32 v48, v42;
	v42 =	vld.idx.msk [tilespmem:v52+s9+$0x0], $0xffff  }
0x114: {  	v37 =	vmul.f32 v37, v37;
	v33 =	vadd.f32 v59, v33;
	v59 =	vadd.f32 $9.999999970e-07, v49;
	v49 =	vld.idx.msk [tilespmem:v52+s10+$0x0], $0xffff  }
0x115: {  	v52 =	vor.u32 v3, v27;
	v3 =	vld [tilespmem:$0x1FF00]  }
0x116: {  	v38 =	vmul.f32 v38, v38;
	v35 =	vadd.f32 v37, v35;
	v48 =	vmul.f32 v46, v46;
	v46 =	vld.idx.msk [tilespmem:v53+s2+$0x0], $0xffff  }
0x117: {  	v37 =	vadd.f32 $9.999999970e-07, v39;
	v39 =	vld.idx.msk [tilespmem:v53+s10+$0x0], $0xffff;
	v47 =	vsub.f32 v59, v47  }
0x118: {  	v32 =	vadd.f32 v38, v32;
	v38 =	vsub.f32 v59, v41;
	v41 =	vld.idx.msk [tilespmem:v53+s9+$0x0], $0xffff  }
0x119: {  	v59 =	vmul.f32 v47, v47;
	v47 =	vld.idx.msk [tilespmem:v51+s2+$0x0], $0xffff  }
0x11a: {  	v36 =	vmul.f32 v36, v36;
	v53 =	vor.u32 v3, v27;
	v3 =	vld [tilespmem:$0x1FF10]  }
0x11b: {  	v50 =	vsub.f32 v37, v50;
	v37 =	vsub.f32 v37, v43;
	v43 =	vld.idx.msk [tilespmem:v51+s9+$0x0], $0xffff  }
0x11c: {  	v28 =	vadd.f32 v36, v28;
	v36 =	vadd.f32 $9.999999970e-07, v44;
	v44 =	vld.idx.msk [tilespmem:v51+s10+$0x0], $0xffff  }
0x11d: {  	v34 =	vadd.f32 v59, v34;
	v59 =	vmul.f32 v50, v50;
	v50 =	vld.idx.msk [tilespmem:v52+s2+$0x0], $0xffff  }
0x11e: {  	v38 =	vmul.f32 v38, v38;
	v42 =	vsub.f32 v36, v42;
	v36 =	vsub.f32 v36, v49;
	v49 =	vld.idx.msk [tilespmem:v52+s9+$0x0], $0xffff  }
0x11f: {  	v51 =	vor.u32 v3, v27;
	v3 =	vmovc v2;
	v2 =	vmovc v5;
	v5 =	vmov v54;
	v54 =	vor.u32 v20, v27;
	v20 =	vld [tilespmem:$0x1FF30]  }
0x120: {  	v29 =	vadd.f32 v38, v29;
	v38 =	vadd.f32 $9.999999970e-07, v46;
	v46 =	vld.idx.msk [tilespmem:v52+s10+$0x0], $0xffff  }
0x121: {  	v31 =	vadd.f32 v48, v31;
	v48 =	vmul.f32 v42, v42;
	v36 =	vmul.f32 v36, v36;
	v42 =	vld.idx.msk [tilespmem:v53+s2+$0x0], $0xffff  }
0x122: {  	v47 =	vadd.f32 $9.999999970e-07, v47;
	v52 =	vld.idx.msk [tilespmem:v53+s9+$0x0], $0xffff  }
0x123: {  	v35 =	vadd.f32 v36, v35;
	v36 =	vld.idx.msk [tilespmem:v53+s10+$0x0], $0xffff  }
0x124: {  	v53 =	vsub.f32 v47, v44;
	v44 =	vadd.f32 $9.999999970e-07, v50;
	v50 =	vor.u32 v20, v27;
	v20 =	vld [tilespmem:$0x1FF40];
	_ =	sdelay $0x1  }
0x125: {  	v41 =	vsub.f32 v38, v41;
	_ =	sdelay $0x1  }
0x126: {  	v30 =	vadd.f32 v59, v30;
	v38 =	vsub.f32 v38, v39;
	v59 =	vmul.f32 v41, v41;
	v41 =	vld.idx.msk [tilespmem:v51+s2+$0x0], $0xffff  }
0x127: {  	v39 =	vsub.f32 v47, v43;
	v43 =	vmul.f32 v53, v53;
	v53 =	vor.u32 v20, v27;
	v20 =	vld [tilespmem:$0x1FF50]  }
0x128: {  	v37 =	vmul.f32 v37, v37;
	v47 =	vld.idx.msk [tilespmem:v51+s9+$0x0], $0xffff  }
0x129: {  	v31 =	vadd.f32 v59, v31;
	v39 =	vmul.f32 v39, v39;
	v59 =	vadd.f32 $9.999999970e-07, v42;
	v42 =	vld.idx.msk [tilespmem:v51+s10+$0x0], $0xffff  }
0x12a: {  	v32 =	vadd.f32 v37, v32;
	v37 =	vmul.f32 v38, v38;
	v49 =	vsub.f32 v44, v49;
	v51 =	vld.idx.msk [tilespmem:v54+s2+$0x0], $0xffff  }
0x12b: {  	v34 =	vadd.f32 v39, v34;
	v39 =	vld.idx.msk [tilespmem:v54+s10+$0x0], $0xffff  }
0x12c: {  	v28 =	vadd.f32 v37, v28;
	v37 =	vmul.f32 v49, v49;
	v49 =	vor.u32 v20, v27;
	v20 =	vld [tilespmem:$0x1FF60]  }
0x12d: {  	v33 =	vadd.f32 v48, v33;
	v48 =	vsub.f32 v59, v52;
	v52 =	vld.idx.msk [tilespmem:v54+s9+$0x0], $0xffff  }
0x12e: {  	v44 =	vsub.f32 v44, v46;
	v46 =	vld.idx.msk [tilespmem:v50+s2+$0x0], $0xffff  }
0x12f: {  	v36 =	vsub.f32 v59, v36;
	v59 =	vadd.f32 $9.999999970e-07, v41;
	v41 =	vld.idx.msk [tilespmem:v50+s9+$0x0], $0xffff  }
0x130: {  	v30 =	vadd.f32 v37, v30;
	v37 =	vld.idx.msk [tilespmem:v50+s10+$0x0], $0xffff  }
0x131: {  	v54 =	vmul.f32 v48, v48;
	v50 =	vor.u32 v20, v27;
	v20 =	vld [tilespmem:$0x1FF70]  }
0x132: {  	v29 =	vadd.f32 v43, v29  }
0x133: {  	v43 =	vmul.f32 v44, v44;
	v33 =	vadd.f32 v54, v33;
	v54 =	vsub.f32 v59, v47  }
0x134: {  	v38 =	vsub.f32 v59, v42;
	v59 =	vadd.f32 $9.999999970e-07, v51;
	v44 =	vld.idx.msk [tilespmem:v53+s2+$0x0], $0xffff  }
0x135: {  	v32 =	vadd.f32 v43, v32;
	v47 =	vld.idx.msk [tilespmem:v53+s9+$0x0], $0xffff  }
0x136: {  	v36 =	vmul.f32 v36, v36;
	v51 =	vsub.f32 v59, v52;
	v52 =	vor.u32 v20, v27;
	v20 =	vld [tilespmem:$0x1FF80]  }
0x137: {  	v39 =	vsub.f32 v59, v39;
	v43 =	vadd.f32 $9.999999970e-07, v46;
	v46 =	vld.idx.msk [tilespmem:v53+s10+$0x0], $0xffff  }
0x138: {  	v35 =	vadd.f32 v36, v35;
	v42 =	vld.idx.msk [tilespmem:v49+s2+$0x0], $0xffff  }
0x139: {  	v54 =	vmul.f32 v54, v54;
	v39 =	vmul.f32 v39, v39;
	v36 =	vsub.f32 v43, v41;
	v41 =	vld.idx.msk [tilespmem:v49+s9+$0x0], $0xffff  }
0x13a: {  	v38 =	vmul.f32 v38, v38;
	v59 =	vmul.f32 v51, v51;
	v51 =	vld.idx.msk [tilespmem:v50+s2+$0x0], $0xffff  }
0x13b: {  	v29 =	vadd.f32 v39, v29;
	v48 =	vadd.f32 $9.999999970e-07, v44;
	v39 =	vor.u32 v20, v27;
	v20 =	vld [tilespmem:$0x1FF90]  }
0x13c: {  	v31 =	vadd.f32 v54, v31;
	v37 =	vsub.f32 v43, v37;
	v49 =	vld.idx.msk [tilespmem:v49+s10+$0x0], $0xffff  }
0x13d: {  	v28 =	vadd.f32 v38, v28;
	v54 =	vsub.f32 v48, v47;
	v38 =	vld.idx.msk [tilespmem:v50+s9+$0x0], $0xffff  }
0x13e: {  	v34 =	vadd.f32 v59, v34;
	v36 =	vmul.f32 v36, v36;
	v53 =	vmul.f32 v37, v37;
	v47 =	vld.idx.msk [tilespmem:v50+s10+$0x0], $0xffff  }
0x13f: {  	v43 =	vsub.f32 v48, v46;
	v59 =	vmul.f32 v54, v54;
	v42 =	vadd.f32 $9.999999970e-07, v42;
	v46 =	vld.idx.msk [tilespmem:v52+s2+$0x0], $0xffff  }
0x140: {  	v32 =	vadd.f32 v53, v32;
	v44 =	vadd.f32 $9.999999970e-07, v51;
	v37 =	vor.u32 v20, v27;
	v20 =	vld [tilespmem:$0x1FFA0]  }
0x141: {  	v43 =	vmul.f32 v43, v43;
	v33 =	vadd.f32 v59, v33;
	v41 =	vsub.f32 v42, v41;
	v59 =	vld.idx.msk [tilespmem:v39+s2+$0x0], $0xffff  }
0x142: {  	v54 =	vsub.f32 v42, v49;
	v53 =	vld.idx.msk [tilespmem:v52+s9+$0x0], $0xffff;
	v38 =	vsub.f32 v44, v38  }
0x143: {  	v30 =	vadd.f32 v36, v30;
	v35 =	vadd.f32 v43, v35;
	v41 =	vmul.f32 v41, v41;
	v43 =	vld.idx.msk [tilespmem:v52+s10+$0x0], $0xffff  }
0x144: {  	v36 =	vmul.f32 v54, v54;
	v44 =	vsub.f32 v44, v47;
	v38 =	vmul.f32 v38, v38;
	v47 =	vld.idx.msk [tilespmem:v39+s9+$0x0], $0xffff  }
0x145: {  	v31 =	vadd.f32 v41, v31;
	v46 =	vadd.f32 $9.999999970e-07, v46;
	v39 =	vld.idx.msk [tilespmem:v39+s10+$0x0], $0xffff;
	v49 =	vor.u32 v20, v27  }
0x146: {  	v34 =	vadd.f32 v38, v34;
	v41 =	vld.idx.msk [tilespmem:v37+s2+$0x0], $0xffff;
	v38 =	vadd.f32 $9.999999970e-07, v59;
	v59 =	vadd.s32 $0x3E, v0  }
0x147: {  	v52 =	vmul.f32 v44, v44;
	v53 =	vsub.f32 v46, v53;
	v44 =	vor.u32 v59, v27  }
0x148: {  	v43 =	vsub.f32 v46, v43;
	v54 =	vld.idx.msk [tilespmem:v37+s9+$0x0], $0xffff  }
0x149: {  	v28 =	vadd.f32 v36, v28;
	v29 =	vadd.f32 v52, v29;
	v48 =	vmul.f32 v53, v53;
	v37 =	vld.idx.msk [tilespmem:v37+s10+$0x0], $0xffff  }
0x14a: {  	v53 =	vadd.s32 $0x3F, v0;
	v43 =	vmul.f32 v43, v43;
	v51 =	vsub.f32 v38, v47;
	v52 =	vld.idx.msk [tilespmem:v49+s2+$0x0], $0xffff  }
0x14b: {  	v47 =	vor.u32 v53, v27;
	v38 =	vsub.f32 v38, v39;
	v36 =	vadd.f32 $9.999999970e-07, v41;
	v50 =	vld.idx.msk [tilespmem:v49+s9+$0x0], $0xffff  }
0x14c: {  	v32 =	vadd.f32 v43, v32;
	v46 =	vmul.f32 v51, v51;
	v43 =	vld.idx.msk [tilespmem:v44+s2+$0x0], $0xffff  }
0x14d: {  	v59 =	vor.u32 $0x40, v0;
	v38 =	vmul.f32 v38, v38;
	v42 =	vld.idx.msk [tilespmem:v49+s10+$0x0], $0xffff;
	v54 =	vsub.f32 v36, v54  }
0x14e: {  	v33 =	vadd.f32 v46, v33;
	v46 =	vor.u32 v59, v27;
	v41 =	vld.idx.msk [tilespmem:v44+s10+$0x0], $0xffff  }
0x14f: {  	v49 =	vld.idx.msk [tilespmem:v44+s9+$0x0], $0xffff;
	v35 =	vadd.f32 v38, v35;
	v39 =	vmul.f32 v54, v54  }
0x150: {  	v53 =	vadd.s32 $0x41, v0;
	v36 =	vsub.f32 v36, v37;
	v38 =	vld.idx.msk [tilespmem:v47+s2+$0x0], $0xffff;
	v52 =	vadd.f32 $9.999999970e-07, v52  }
0x151: {  	v31 =	vadd.f32 v39, v31;
	v39 =	vor.u32 v53, v27;
	v59 =	vadd.f32 $9.999999970e-07, v43;
	v43 =	vld.idx.msk [tilespmem:v47+s10+$0x0], $0xffff  }
0x152: {  	v30 =	vadd.f32 v48, v30;
	v51 =	vadd.s32 $0x44, v0;
	v54 =	vsub.f32 v52, v50;
	v50 =	vld.idx.msk [tilespmem:v47+s9+$0x0], $0xffff  }
0x153: {  	v36 =	vmul.f32 v36, v36;
	v53 =	vld.idx.msk [tilespmem:v46+s2+$0x0], $0xffff;
	v37 =	vsub.f32 v52, v42;
	v41 =	vsub.f32 v59, v41  }
0x154: {  	v42 =	vld.idx.msk [tilespmem:v46+s9+$0x0], $0xffff;
	v49 =	vsub.f32 v59, v49;
	v52 =	vmul.f32 v54, v54;
	v54 =	vadd.s32 $0x42, v0  }
0x155: {  	v38 =	vadd.f32 $9.999999970e-07, v38;
	v46 =	vld.idx.msk [tilespmem:v46+s10+$0x0], $0xffff;
	v47 =	vor.u32 v54, v27;
	v41 =	vmul.f32 v41, v41  }
0x156: {  	v28 =	vadd.f32 v36, v28;
	v59 =	vmul.f32 v49, v49;
	v34 =	vadd.f32 v52, v34;
	v36 =	vld.idx.msk [tilespmem:v39+s2+$0x0], $0xffff  }
0x157: {  	v52 =	vsub.f32 v38, v50;
	v32 =	vadd.f32 v41, v32;
	v41 =	vor.u32 v51, v27  }
0x158: {  	v44 =	vld.idx.msk [tilespmem:v39+s9+$0x0], $0xffff;
	v38 =	vsub.f32 v38, v43;
	v43 =	vadd.f32 $9.999999970e-07, v53;
	v53 =	vadd.s32 $0x43, v0  }
0x159: {  	v37 =	vmul.f32 v37, v37;
	v39 =	vld.idx.msk [tilespmem:v39+s10+$0x0], $0xffff;
	v50 =	vor.u32 v53, v27  }
0x15a: {  	v30 =	vadd.f32 v59, v30;
	v53 =	vsub.f32 v43, v46;
	v59 =	vld.idx.msk [tilespmem:v47+s2+$0x0], $0xffff  }
0x15b: {  	v29 =	vadd.f32 v37, v29;
	v54 =	vmul.f32 v52, v52;
	v37 =	vld.idx.msk [tilespmem:v47+s9+$0x0], $0xffff;
	v36 =	vadd.f32 $9.999999970e-07, v36  }
0x15c: {  	v48 =	vsub.f32 v43, v42;
	v42 =	vmul.f32 v53, v53;
	v53 =	vld.idx.msk [tilespmem:v41+s2+$0x0], $0xffff  }
0x15d: {  	v38 =	vmul.f32 v38, v38;
	v33 =	vadd.f32 v54, v33;
	v54 =	vsub.f32 v36, v44;
	v44 =	vld.idx.msk [tilespmem:v47+s10+$0x0], $0xffff  }
0x15e: {  	v52 =	vmul.f32 v48, v48;
	v49 =	vld.idx.msk [tilespmem:v50+s9+$0x0], $0xffff  }
0x15f: {  	v35 =	vadd.f32 v38, v35;
	v36 =	vsub.f32 v36, v39;
	v39 =	vld.idx.msk [tilespmem:v50+s10+$0x0], $0xffff  }
0x160: {  	v31 =	vadd.f32 v52, v31;
	v52 =	vadd.s32 $0x45, v0;
	v38 =	vadd.f32 $9.999999970e-07, v59;
	v59 =	vld.idx.msk [tilespmem:v50+s2+$0x0], $0xffff  }
0x161: {  	v47 =	vor.u32 v52, v27;
	v50 =	vld.idx.msk [tilespmem:v41+s9+$0x0], $0xffff  }
0x162: {  	v43 =	vmul.f32 v54, v54;
	v41 =	vld.idx.msk [tilespmem:v41+s10+$0x0], $0xffff  }
0x163: {  	v54 =	vadd.s32 $0x46, v0;
	v36 =	vmul.f32 v36, v36;
	v37 =	vsub.f32 v38, v37  }
0x164: {  	v28 =	vadd.f32 v42, v28;
	v34 =	vadd.f32 v43, v34;
	v43 =	vor.u32 v54, v27  }
0x165: {  	v29 =	vadd.f32 v36, v29;
	v42 =	vadd.f32 $9.999999970e-07, v53;
	v37 =	vmul.f32 v37, v37  }
0x166: {  	v52 =	vadd.s32 $0x47, v0;
	v38 =	vsub.f32 v38, v44;
	v36 =	vld.idx.msk [tilespmem:v47+s2+$0x0], $0xffff;
	v59 =	vadd.f32 $9.999999970e-07, v59  }
0x167: {  	v44 =	vld.idx.msk [tilespmem:v47+s10+$0x0], $0xffff;
	v41 =	vsub.f32 v42, v41;
	v30 =	vadd.f32 v37, v30;
	v37 =	vor.u32 v52, v27  }
0x168: {  	v46 =	vsub.f32 v59, v49;
	v49 =	vld.idx.msk [tilespmem:v47+s9+$0x0], $0xffff;
	v39 =	vsub.f32 v59, v39;
	v59 =	vadd.s32 $0x48, v0  }
0x169: {  	v54 =	vld.idx.msk [tilespmem:v43+s2+$0x0], $0xffff;
	v47 =	vor.u32 v59, v27  }
0x16a: {  	v38 =	vmul.f32 v38, v38;
	v50 =	vsub.f32 v42, v50;
	v42 =	vld.idx.msk [tilespmem:v43+s9+$0x0], $0xffff;
	v41 =	vmul.f32 v41, v41  }
0x16b: {  	v51 =	vadd.s32 $0x4A, v0;
	v43 =	vld.idx.msk [tilespmem:v43+s10+$0x0], $0xffff;
	v53 =	vmul.f32 v46, v46;
	v36 =	vadd.f32 $9.999999970e-07, v36  }
0x16c: {  	v32 =	vadd.f32 v38, v32;
	v39 =	vmul.f32 v39, v39;
	v28 =	vadd.f32 v41, v28;
	v38 =	vld.idx.msk [tilespmem:v37+s2+$0x0], $0xffff  }
0x16d: {  	v41 =	vor.u32 v51, v27;
	v33 =	vadd.f32 v53, v33;
	v46 =	vld.idx.msk [tilespmem:v37+s9+$0x0], $0xffff;
	v49 =	vsub.f32 v36, v49  }
0x16e: {  	v53 =	vadd.s32 $0x49, v0;
	v36 =	vsub.f32 v36, v44;
	v44 =	vadd.f32 $9.999999970e-07, v54;
	v59 =	vld.idx.msk [tilespmem:v47+s2+$0x0], $0xffff  }
0x16f: {  	v52 =	vmul.f32 v50, v50;
	v35 =	vadd.f32 v39, v35;
	v50 =	vor.u32 v53, v27  }
0x170: {  	v37 =	vld.idx.msk [tilespmem:v37+s10+$0x0], $0xffff;
	v54 =	vmul.f32 v49, v49;
	v36 =	vmul.f32 v36, v36;
	v53 =	vsub.f32 v44, v43  }
0x171: {  	v39 =	vld.idx.msk [tilespmem:v47+s9+$0x0], $0xffff;
	v48 =	vsub.f32 v44, v42;
	v38 =	vadd.f32 $9.999999970e-07, v38  }
0x172: {  	v44 =	vld.idx.msk [tilespmem:v47+s10+$0x0], $0xffff;
	v34 =	vadd.f32 v54, v34;
	v29 =	vadd.f32 v36, v29;
	v42 =	vmul.f32 v53, v53  }
0x173: {  	v53 =	vld.idx.msk [tilespmem:v41+s2+$0x0], $0xffff;
	v54 =	vsub.f32 v38, v46;
	v36 =	vadd.f32 $9.999999970e-07, v59;
	v59 =	vadd.s32 $0x4B, v0  }
0x174: {  	v31 =	vadd.f32 v52, v31;
	v52 =	vmul.f32 v48, v48;
	v46 =	vld.idx.msk [tilespmem:v50+s2+$0x0], $0xffff;
	v47 =	vor.u32 v59, v27  }
0x175: {  	v49 =	vld.idx.msk [tilespmem:v50+s9+$0x0], $0xffff;
	v37 =	vsub.f32 v38, v37;
	v43 =	vmul.f32 v54, v54  }
0x176: {  	v30 =	vadd.f32 v52, v30;
	v52 =	vsub.f32 v36, v39;
	v39 =	vld.idx.msk [tilespmem:v50+s10+$0x0], $0xffff;
	v54 =	vadd.s32 $0x4C, v0  }
0x177: {  	v37 =	vmul.f32 v37, v37;
	v50 =	vld.idx.msk [tilespmem:v41+s9+$0x0], $0xffff;
	v33 =	vadd.f32 v43, v33;
	v43 =	vor.u32 v54, v27  }
0x178: {  	v32 =	vadd.f32 v42, v32;
	v36 =	vsub.f32 v36, v44;
	v41 =	vld.idx.msk [tilespmem:v41+s10+$0x0], $0xffff;
	v38 =	vmul.f32 v52, v52  }
0x179: {  	v35 =	vadd.f32 v37, v35;
	v52 =	vadd.s32 $0x4D, v0;
	v59 =	vadd.f32 $9.999999970e-07, v46;
	v37 =	vld.idx.msk [tilespmem:v47+s2+$0x0], $0xffff  }
0x17a: {  	v42 =	vadd.f32 $9.999999970e-07, v53;
	v31 =	vadd.f32 v38, v31;
	v38 =	vor.u32 v52, v27;
	v44 =	vld.idx.msk [tilespmem:v47+s10+$0x0], $0xffff  }
0x17b: {  	v46 =	vsub.f32 v59, v49;
	v49 =	vld.idx.msk [tilespmem:v47+s9+$0x0], $0xffff;
	v39 =	vsub.f32 v59, v39;
	v59 =	vadd.s32 $0x4E, v0  }
0x17c: {  	v51 =	vor.u32 $0x50, v0;
	v47 =	vor.u32 v59, v27;
	v54 =	vld.idx.msk [tilespmem:v43+s2+$0x0], $0xffff  }
0x17d: {  	v36 =	vmul.f32 v36, v36;
	v50 =	vsub.f32 v42, v50;
	v41 =	vsub.f32 v42, v41;
	v42 =	vld.idx.msk [tilespmem:v43+s9+$0x0], $0xffff  }
0x17e: {  	v53 =	vmul.f32 v46, v46;
	v39 =	vmul.f32 v39, v39;
	v43 =	vld.idx.msk [tilespmem:v43+s10+$0x0], $0xffff;
	v37 =	vadd.f32 $9.999999970e-07, v37  }
0x17f: {  	v28 =	vadd.f32 v36, v28;
	v52 =	vmul.f32 v50, v50;
	v41 =	vmul.f32 v41, v41;
	v36 =	vld.idx.msk [tilespmem:v38+s2+$0x0], $0xffff  }
0x180: {  	v34 =	vadd.f32 v53, v34;
	v46 =	vld.idx.msk [tilespmem:v38+s9+$0x0], $0xffff;
	v53 =	vadd.s32 $0x4F, v0;
	v49 =	vsub.f32 v37, v49  }
0x181: {  	v50 =	vor.u32 v53, v27;
	v37 =	vsub.f32 v37, v44;
	v59 =	vld.idx.msk [tilespmem:v47+s2+$0x0], $0xffff;
	v44 =	vadd.f32 $9.999999970e-07, v54  }
0x182: {  	v29 =	vadd.f32 v39, v29;
	v32 =	vadd.f32 v41, v32;
	v41 =	vor.u32 v51, v27  }
0x183: {  	v38 =	vld.idx.msk [tilespmem:v38+s10+$0x0], $0xffff;
	v54 =	vmul.f32 v49, v49;
	v37 =	vmul.f32 v37, v37;
	v48 =	vsub.f32 v44, v42  }
0x184: {  	v39 =	vld.idx.msk [tilespmem:v47+s9+$0x0], $0xffff;
	v36 =	vadd.f32 $9.999999970e-07, v36;
	v53 =	vsub.f32 v44, v43  }
0x185: {  	v44 =	vld.idx.msk [tilespmem:v47+s10+$0x0], $0xffff;
	v33 =	vadd.f32 v54, v33;
	v35 =	vadd.f32 v37, v35  }
0x186: {  	v49 =	vld.idx.msk [tilespmem:v50+s9+$0x0], $0xffff;
	v54 =	vsub.f32 v36, v46;
	v37 =	vadd.f32 $9.999999970e-07, v59;
	v59 =	vadd.s32 $0x51, v0  }
0x187: {  	v30 =	vadd.f32 v52, v30;
	v52 =	vmul.f32 v48, v48;
	v46 =	vld.idx.msk [tilespmem:v50+s2+$0x0], $0xffff;
	v47 =	vor.u32 v59, v27  }
0x188: {  	v42 =	vmul.f32 v53, v53;
	v36 =	vsub.f32 v36, v38;
	v53 =	vld.idx.msk [tilespmem:v41+s2+$0x0], $0xffff;
	v43 =	vmul.f32 v54, v54  }
0x189: {  	v31 =	vadd.f32 v52, v31;
	v52 =	vsub.f32 v37, v39;
	v39 =	vld.idx.msk [tilespmem:v50+s10+$0x0], $0xffff;
	v54 =	vadd.s32 $0x52, v0  }
0x18a: {  	v36 =	vmul.f32 v36, v36;
	v50 =	vld.idx.msk [tilespmem:v41+s9+$0x0], $0xffff;
	v34 =	vadd.f32 v43, v34;
	v43 =	vor.u32 v54, v27  }
0x18b: {  	v28 =	vadd.f32 v42, v28;
	v41 =	vld.idx.msk [tilespmem:v41+s10+$0x0], $0xffff;
	v37 =	vsub.f32 v37, v44;
	v38 =	vmul.f32 v52, v52  }
0x18c: {  	v29 =	vadd.f32 v36, v29;
	v52 =	vadd.s32 $0x53, v0;
	v59 =	vadd.f32 $9.999999970e-07, v46;
	v36 =	vld.idx.msk [tilespmem:v47+s2+$0x0], $0xffff  }
0x18d: {  	v42 =	vadd.f32 $9.999999970e-07, v53;
	v30 =	vadd.f32 v38, v30;
	v38 =	vor.u32 v52, v27;
	v44 =	vld.idx.msk [tilespmem:v47+s10+$0x0], $0xffff  }
0x18e: {  	v46 =	vsub.f32 v59, v49;
	v49 =	vld.idx.msk [tilespmem:v47+s9+$0x0], $0xffff;
	v39 =	vsub.f32 v59, v39;
	v59 =	vadd.s32 $0x54, v0  }
0x18f: {  	v51 =	vadd.s32 $0x56, v0;
	v47 =	vor.u32 v59, v27;
	v54 =	vld.idx.msk [tilespmem:v43+s2+$0x0], $0xffff  }
0x190: {  	v37 =	vmul.f32 v37, v37;
	v50 =	vsub.f32 v42, v50;
	v41 =	vsub.f32 v42, v41;
	v42 =	vld.idx.msk [tilespmem:v43+s9+$0x0], $0xffff  }
0x191: {  	v53 =	vmul.f32 v46, v46;
	v39 =	vmul.f32 v39, v39;
	v43 =	vld.idx.msk [tilespmem:v43+s10+$0x0], $0xffff;
	v36 =	vadd.f32 $9.999999970e-07, v36  }
0x192: {  	v32 =	vadd.f32 v37, v32;
	v52 =	vmul.f32 v50, v50;
	v41 =	vmul.f32 v41, v41;
	v37 =	vld.idx.msk [tilespmem:v38+s2+$0x0], $0xffff  }
0x193: {  	v33 =	vadd.f32 v53, v33;
	v46 =	vld.idx.msk [tilespmem:v38+s9+$0x0], $0xffff;
	v53 =	vadd.s32 $0x55, v0;
	v49 =	vsub.f32 v36, v49  }
0x194: {  	v50 =	vor.u32 v53, v27;
	v36 =	vsub.f32 v36, v44;
	v59 =	vld.idx.msk [tilespmem:v47+s2+$0x0], $0xffff;
	v44 =	vadd.f32 $9.999999970e-07, v54  }
0x195: {  	v35 =	vadd.f32 v39, v35;
	v28 =	vadd.f32 v41, v28;
	v41 =	vor.u32 v51, v27  }
0x196: {  	v38 =	vld.idx.msk [tilespmem:v38+s10+$0x0], $0xffff;
	v54 =	vmul.f32 v49, v49;
	v36 =	vmul.f32 v36, v36;
	v48 =	vsub.f32 v44, v42  }
0x197: {  	v39 =	vld.idx.msk [tilespmem:v47+s9+$0x0], $0xffff;
	v37 =	vadd.f32 $9.999999970e-07, v37;
	v53 =	vsub.f32 v44, v43  }
0x198: {  	v44 =	vld.idx.msk [tilespmem:v47+s10+$0x0], $0xffff;
	v34 =	vadd.f32 v54, v34;
	v29 =	vadd.f32 v36, v29  }
0x199: {  	v49 =	vld.idx.msk [tilespmem:v50+s9+$0x0], $0xffff;
	v54 =	vsub.f32 v37, v46;
	v36 =	vadd.f32 $9.999999970e-07, v59;
	v59 =	vadd.s32 $0x57, v0  }
0x19a: {  	v31 =	vadd.f32 v52, v31;
	v52 =	vmul.f32 v48, v48;
	v46 =	vld.idx.msk [tilespmem:v50+s2+$0x0], $0xffff;
	v47 =	vor.u32 v59, v27  }
0x19b: {  	v42 =	vmul.f32 v53, v53;
	v37 =	vsub.f32 v37, v38;
	v53 =	vld.idx.msk [tilespmem:v41+s2+$0x0], $0xffff;
	v43 =	vmul.f32 v54, v54  }
0x19c: {  	v30 =	vadd.f32 v52, v30;
	v52 =	vsub.f32 v36, v39;
	v39 =	vld.idx.msk [tilespmem:v50+s10+$0x0], $0xffff;
	v54 =	vadd.s32 $0x58, v0  }
0x19d: {  	v37 =	vmul.f32 v37, v37;
	v50 =	vld.idx.msk [tilespmem:v41+s9+$0x0], $0xffff;
	v33 =	vadd.f32 v43, v33;
	v43 =	vor.u32 v54, v27  }
0x19e: {  	v32 =	vadd.f32 v42, v32;
	v41 =	vld.idx.msk [tilespmem:v41+s10+$0x0], $0xffff;
	v36 =	vsub.f32 v36, v44;
	v38 =	vmul.f32 v52, v52  }
0x19f: {  	v35 =	vadd.f32 v37, v35;
	v52 =	vadd.s32 $0x59, v0;
	v59 =	vadd.f32 $9.999999970e-07, v46;
	v37 =	vld.idx.msk [tilespmem:v47+s2+$0x0], $0xffff  }
0x1a0: {  	v42 =	vadd.f32 $9.999999970e-07, v53;
	v31 =	vadd.f32 v38, v31;
	v38 =	vor.u32 v52, v27;
	v44 =	vld.idx.msk [tilespmem:v47+s10+$0x0], $0xffff  }
0x1a1: {  	v46 =	vsub.f32 v59, v49;
	v49 =	vld.idx.msk [tilespmem:v47+s9+$0x0], $0xffff;
	v39 =	vsub.f32 v59, v39;
	v59 =	vadd.s32 $0x5A, v0  }
0x1a2: {  	v51 =	vadd.s32 $0x5C, v0;
	v47 =	vor.u32 v59, v27;
	v54 =	vld.idx.msk [tilespmem:v43+s2+$0x0], $0xffff  }
0x1a3: {  	v36 =	vmul.f32 v36, v36;
	v50 =	vsub.f32 v42, v50;
	v41 =	vsub.f32 v42, v41;
	v42 =	vld.idx.msk [tilespmem:v43+s9+$0x0], $0xffff  }
0x1a4: {  	v53 =	vmul.f32 v46, v46;
	v39 =	vmul.f32 v39, v39;
	v43 =	vld.idx.msk [tilespmem:v43+s10+$0x0], $0xffff;
	v37 =	vadd.f32 $9.999999970e-07, v37  }
0x1a5: {  	v28 =	vadd.f32 v36, v28;
	v52 =	vmul.f32 v50, v50;
	v41 =	vmul.f32 v41, v41;
	v36 =	vld.idx.msk [tilespmem:v38+s2+$0x0], $0xffff  }
0x1a6: {  	v34 =	vadd.f32 v53, v34;
	v46 =	vld.idx.msk [tilespmem:v38+s9+$0x0], $0xffff;
	v53 =	vadd.s32 $0x5B, v0;
	v49 =	vsub.f32 v37, v49  }
0x1a7: {  	v50 =	vor.u32 v53, v27;
	v37 =	vsub.f32 v37, v44;
	v59 =	vld.idx.msk [tilespmem:v47+s2+$0x0], $0xffff;
	v44 =	vadd.f32 $9.999999970e-07, v54  }
0x1a8: {  	v29 =	vadd.f32 v39, v29;
	v32 =	vadd.f32 v41, v32;
	v41 =	vor.u32 v51, v27  }
0x1a9: {  	v38 =	vld.idx.msk [tilespmem:v38+s10+$0x0], $0xffff;
	v54 =	vmul.f32 v49, v49;
	v37 =	vmul.f32 v37, v37;
	v48 =	vsub.f32 v44, v42  }
0x1aa: {  	v39 =	vld.idx.msk [tilespmem:v47+s9+$0x0], $0xffff;
	v36 =	vadd.f32 $9.999999970e-07, v36;
	v53 =	vsub.f32 v44, v43  }
0x1ab: {  	v44 =	vld.idx.msk [tilespmem:v47+s10+$0x0], $0xffff;
	v33 =	vadd.f32 v54, v33;
	v35 =	vadd.f32 v37, v35  }
0x1ac: {  	v49 =	vld.idx.msk [tilespmem:v50+s9+$0x0], $0xffff;
	v54 =	vsub.f32 v36, v46;
	v37 =	vadd.f32 $9.999999970e-07, v59;
	v59 =	vadd.s32 $0x5D, v0  }
0x1ad: {  	v30 =	vadd.f32 v52, v30;
	v52 =	vmul.f32 v48, v48;
	v46 =	vld.idx.msk [tilespmem:v50+s2+$0x0], $0xffff;
	v47 =	vor.u32 v59, v27  }
0x1ae: {  	v42 =	vmul.f32 v53, v53;
	v36 =	vsub.f32 v36, v38;
	v53 =	vld.idx.msk [tilespmem:v41+s2+$0x0], $0xffff;
	v43 =	vmul.f32 v54, v54  }
0x1af: {  	v31 =	vadd.f32 v52, v31;
	v52 =	vsub.f32 v37, v39;
	v39 =	vld.idx.msk [tilespmem:v50+s10+$0x0], $0xffff;
	v54 =	vadd.s32 $0x5E, v0  }
0x1b0: {  	v36 =	vmul.f32 v36, v36;
	v50 =	vld.idx.msk [tilespmem:v41+s9+$0x0], $0xffff;
	v34 =	vadd.f32 v43, v34;
	v43 =	vor.u32 v54, v27  }
0x1b1: {  	v41 =	vld.idx.msk [tilespmem:v41+s10+$0x0], $0xffff  }
0x1b2: {  	v38 =	vmul.f32 v52, v52;
	v29 =	vadd.f32 v36, v29;
	v59 =	vadd.f32 $9.999999970e-07, v46;
	v36 =	vld.idx.msk [tilespmem:v47+s2+$0x0], $0xffff  }
0x1b3: {  	v37 =	vsub.f32 v37, v44;
	v52 =	vadd.s32 $0x5F, v0;
	v44 =	vld.idx.msk [tilespmem:v47+s10+$0x0], $0xffff  }
0x1b4: {  	v30 =	vadd.f32 v38, v30;
	v38 =	vor.u32 v52, v27;
	v46 =	vsub.f32 v59, v49;
	v49 =	vld.idx.msk [tilespmem:v47+s9+$0x0], $0xffff  }
0x1b5: {  	v28 =	vadd.f32 v42, v28;
	v42 =	vadd.f32 $9.999999970e-07, v53;
	v54 =	vld.idx.msk [tilespmem:v43+s2+$0x0], $0xffff  }
0x1b6: {  	v37 =	vmul.f32 v37, v37;
	v39 =	vsub.f32 v59, v39;
	v59 =	vor.u32 $0x60, v0  }
0x1b7: {  	v41 =	vsub.f32 v42, v41;
	v47 =	vor.u32 v59, v27;
	v36 =	vadd.f32 $9.999999970e-07, v36  }
0x1b8: {  	v32 =	vadd.f32 v37, v32;
	v50 =	vsub.f32 v42, v50;
	v53 =	vmul.f32 v46, v46;
	v52 =	vld.idx.msk [tilespmem:v43+s9+$0x0], $0xffff  }
0x1b9: {  	v39 =	vmul.f32 v39, v39;
	v41 =	vmul.f32 v41, v41;
	v37 =	vld.idx.msk [tilespmem:v38+s2+$0x0], $0xffff;
	v49 =	vsub.f32 v36, v49  }
0x1ba: {  	v43 =	vld.idx.msk [tilespmem:v43+s10+$0x0], $0xffff;
	v36 =	vsub.f32 v36, v44;
	v44 =	vadd.f32 $9.999999970e-07, v54;
	v54 =	vadd.s32 $0x61, v0  }
0x1bb: {  	v33 =	vadd.f32 v53, v33;
	v53 =	vmul.f32 v50, v50;
	v46 =	vld.idx.msk [tilespmem:v38+s9+$0x0], $0xffff;
	v50 =	vor.u32 v54, v27  }
0x1bc: {  	v35 =	vadd.f32 v39, v35;
	v59 =	vmul.f32 v49, v49;
	v49 =	vld.idx.msk [tilespmem:v47+s2+$0x0], $0xffff  }
0x1bd: {  	v28 =	vadd.f32 v41, v28;
	v38 =	vld.idx.msk [tilespmem:v38+s10+$0x0], $0xffff;
	v31 =	vadd.f32 v53, v31;
	v54 =	vadd.s32 $0x62, v0  }
0x1be: {  	v53 =	vld.idx.msk [tilespmem:v47+s9+$0x0], $0xffff;
	v52 =	vsub.f32 v44, v52;
	v37 =	vadd.f32 $9.999999970e-07, v37;
	v41 =	vor.u32 v54, v27  }
0x1bf: {  	v36 =	vmul.f32 v36, v36;
	v48 =	vsub.f32 v44, v43;
	v44 =	vld.idx.msk [tilespmem:v47+s10+$0x0], $0xffff;
	v34 =	vadd.f32 v59, v34  }
0x1c0: {  	v59 =	vmul.f32 v52, v52;
	v51 =	vsub.f32 v37, v46;
	v52 =	vadd.s32 $0x63, v0;
	v46 =	vld.idx.msk [tilespmem:v50+s2+$0x0], $0xffff  }
0x1c1: {  	v29 =	vadd.f32 v36, v29;
	v47 =	vor.u32 v52, v27;
	v36 =	vadd.f32 $9.999999970e-07, v49;
	v49 =	vld.idx.msk [tilespmem:v50+s9+$0x0], $0xffff  }
0x1c2: {  	v42 =	vmul.f32 v48, v48;
	v37 =	vsub.f32 v37, v38;
	v43 =	vmul.f32 v51, v51;
	v39 =	vld.idx.msk [tilespmem:v50+s10+$0x0], $0xffff  }
0x1c3: {  	v30 =	vadd.f32 v59, v30;
	v59 =	vadd.s32 $0x64, v0;
	v54 =	vld.idx.msk [tilespmem:v41+s2+$0x0], $0xffff;
	v53 =	vsub.f32 v36, v53  }
0x1c4: {  	v37 =	vmul.f32 v37, v37;
	v50 =	vld.idx.msk [tilespmem:v41+s9+$0x0], $0xffff;
	v33 =	vadd.f32 v43, v33;
	v43 =	vor.u32 v59, v27  }
0x1c5: {  	v32 =	vadd.f32 v42, v32;
	v41 =	vld.idx.msk [tilespmem:v41+s10+$0x0], $0xffff;
	v38 =	vmul.f32 v53, v53  }
0x1c6: {  	v35 =	vadd.f32 v37, v35;
	v37 =	vld.idx.msk [tilespmem:v47+s2+$0x0], $0xffff;
	v52 =	vadd.f32 $9.999999970e-07, v46  }
0x1c7: {  	v36 =	vsub.f32 v36, v44;
	v53 =	vadd.s32 $0x65, v0;
	v44 =	vld.idx.msk [tilespmem:v47+s10+$0x0], $0xffff;
	v31 =	vadd.f32 v38, v31  }
0x1c8: {  	v38 =	vor.u32 v53, v27;
	v42 =	vadd.f32 $9.999999970e-07, v54;
	v46 =	vsub.f32 v52, v49;
	v49 =	vld.idx.msk [tilespmem:v47+s9+$0x0], $0xffff  }
0x1c9: {  	v36 =	vmul.f32 v36, v36;
	v39 =	vsub.f32 v52, v39;
	v59 =	vld.idx.msk [tilespmem:v43+s2+$0x0], $0xffff  }
0x1ca: {  	v52 =	vadd.s32 $0x66, v0;
	v50 =	vsub.f32 v42, v50;
	v41 =	vsub.f32 v42, v41  }
0x1cb: {  	v53 =	vld.idx.msk [tilespmem:v43+s9+$0x0], $0xffff;
	v47 =	vor.u32 v52, v27;
	v54 =	vmul.f32 v46, v46;
	v37 =	vadd.f32 $9.999999970e-07, v37  }
0x1cc: {  	v28 =	vadd.f32 v36, v28;
	v43 =	vld.idx.msk [tilespmem:v43+s10+$0x0], $0xffff;
	v39 =	vmul.f32 v39, v39;
	v41 =	vmul.f32 v41, v41  }
0x1cd: {  	v34 =	vadd.f32 v54, v34;
	v36 =	vld.idx.msk [tilespmem:v38+s2+$0x0], $0xffff;
	v54 =	vmul.f32 v50, v50;
	v49 =	vsub.f32 v37, v49  }
0x1ce: {  	v20 =	vld [tilespmem:$0x1FE80];
	v37 =	vsub.f32 v37, v44;
	v44 =	vadd.f32 $9.999999970e-07, v59;
	v59 =	vadd.s32 $0x67, v0  }
0x1cf: {  	v29 =	vadd.f32 v39, v29;
	v46 =	vld.idx.msk [tilespmem:v38+s9+$0x0], $0xffff;
	v50 =	vor.u32 v59, v27  }
0x1d0: {  	v32 =	vadd.f32 v41, v32;
	v30 =	vadd.f32 v54, v30;
	v52 =	vmul.f32 v49, v49;
	v49 =	vld.idx.msk [tilespmem:v47+s2+$0x0], $0xffff  }
0x1d1: {  	v38 =	vld.idx.msk [tilespmem:v38+s10+$0x0], $0xffff;
	v59 =	vadd.s32 $0x68, v0;
	v37 =	vmul.f32 v37, v37;
	v53 =	vsub.f32 v44, v53  }
0x1d2: {  	v54 =	vld.idx.msk [tilespmem:v47+s9+$0x0], $0xffff;
	v41 =	vor.u32 v59, v27;
	v51 =	vsub.f32 v44, v43;
	v36 =	vadd.f32 $9.999999970e-07, v36  }
0x1d3: {  	v44 =	vld.idx.msk [tilespmem:v47+s10+$0x0], $0xffff;
	v33 =	vadd.f32 v52, v33;
	v35 =	vadd.f32 v37, v35  }
0x1d4: {  	v48 =	vmul.f32 v53, v53;
	v53 =	vadd.s32 $0x69, v0;
	v52 =	vsub.f32 v36, v46;
	v46 =	vld.idx.msk [tilespmem:v50+s2+$0x0], $0xffff  }
0x1d5: {  	v42 =	vmul.f32 v51, v51;
	v47 =	vor.u32 v53, v27;
	v39 =	vld.idx.msk [tilespmem:v50+s10+$0x0], $0xffff;
	v37 =	vadd.f32 $9.999999970e-07, v49  }
0x1d6: {  	v36 =	vsub.f32 v36, v38;
	v49 =	vld.idx.msk [tilespmem:v50+s9+$0x0], $0xffff;
	v43 =	vmul.f32 v52, v52  }
0x1d7: {  	v59 =	vadd.s32 $0x6A, v0;
	v28 =	vadd.f32 v42, v28;
	v42 =	vld.idx.msk [tilespmem:v41+s2+$0x0], $0xffff;
	v54 =	vsub.f32 v37, v54  }
0x1d8: {  	v36 =	vmul.f32 v36, v36;
	v52 =	vld.idx.msk [tilespmem:v41+s9+$0x0], $0xffff;
	v34 =	vadd.f32 v43, v34;
	v43 =	vor.u32 v59, v27  }
0x1d9: {  	v31 =	vadd.f32 v48, v31;
	v41 =	vld.idx.msk [tilespmem:v41+s10+$0x0], $0xffff;
	v38 =	vmul.f32 v54, v54;
	v53 =	vadd.f32 $9.999999970e-07, v46  }
0x1da: {  	v37 =	vsub.f32 v37, v44;
	v29 =	vadd.f32 v36, v29;
	v36 =	vld.idx.msk [tilespmem:v47+s2+$0x0], $0xffff;
	v54 =	vadd.s32 $0x6B, v0  }
0x1db: {  	v44 =	vld.idx.msk [tilespmem:v47+s10+$0x0], $0xffff;
	v30 =	vadd.f32 v38, v30;
	v46 =	vsub.f32 v53, v49;
	v38 =	vor.u32 v54, v27  }
0x1dc: {  	v42 =	vadd.f32 $9.999999970e-07, v42;
	v49 =	vld.idx.msk [tilespmem:v47+s9+$0x0], $0xffff;
	v39 =	vsub.f32 v53, v39  }
0x1dd: {  	v37 =	vmul.f32 v37, v37;
	v54 =	vadd.s32 $0x6C, v0;
	v59 =	vmul.f32 v46, v46;
	v46 =	vld.idx.msk [tilespmem:v43+s2+$0x0], $0xffff  }
0x1de: {  	v50 =	vsub.f32 v42, v52;
	v47 =	vor.u32 v54, v27;
	v39 =	vmul.f32 v39, v39;
	v51 =	vld.idx.msk [tilespmem:v43+s9+$0x0], $0xffff  }
0x1df: {  	v41 =	vsub.f32 v42, v41;
	v36 =	vadd.f32 $9.999999970e-07, v36;
	v42 =	vld.idx.msk [tilespmem:v43+s10+$0x0], $0xffff  }
0x1e0: {  	v32 =	vadd.f32 v37, v32;
	v53 =	vadd.s32 $0x6D, v0;
	v35 =	vadd.f32 v39, v35;
	v39 =	vld.idx.msk [tilespmem:v38+s2+$0x0], $0xffff  }
0x1e1: {  	v41 =	vmul.f32 v41, v41;
	v33 =	vadd.f32 v59, v33;
	v52 =	vsub.f32 v36, v49;
	v49 =	vld.idx.msk [tilespmem:v38+s9+$0x0], $0xffff  }
0x1e2: {  	v59 =	vmul.f32 v50, v50;
	v38 =	vld.idx.msk [tilespmem:v38+s10+$0x0], $0xffff;
	v54 =	vadd.f32 $9.999999970e-07, v46;
	v46 =	vor.u32 v53, v27  }
0x1e3: {  	v36 =	vsub.f32 v36, v44;
	v28 =	vadd.f32 v41, v28;
	v41 =	vld.idx.msk [tilespmem:v47+s2+$0x0], $0xffff  }
0x1e4: {  	v31 =	vadd.f32 v59, v31;
	v44 =	vld.idx.msk [tilespmem:v47+s9+$0x0], $0xffff;
	v59 =	vmul.f32 v52, v52;
	v53 =	vadd.s32 $0x6E, v0  }
0x1e5: {  	v37 =	vld.idx.msk [tilespmem:v47+s10+$0x0], $0xffff;
	v36 =	vmul.f32 v36, v36;
	v50 =	vor.u32 v53, v27;
	v42 =	vsub.f32 v54, v42  }
0x1e6: {  	v52 =	vsub.f32 v54, v51;
	v51 =	vsel vm0, v20, v18;
	v20 =	vld [tilespmem:$0x1FE10];
	v39 =	vadd.f32 $9.999999970e-07, v39  }
0x1e7: {  	v34 =	vadd.f32 v59, v34;
	v29 =	vadd.f32 v36, v29;
	v42 =	vmul.f32 v42, v42;
	v47 =	vld.idx.msk [tilespmem:v46+s2+$0x0], $0xffff  }
0x1e8: {  	v53 =	vadd.f32 $9.999999970e-07, v41;
	v59 =	vsub.f32 v39, v49;
	v41 =	vld.idx.msk [tilespmem:v46+s9+$0x0], $0xffff  }
0x1e9: {  	v54 =	vmul.f32 v52, v52;
	v52 =	vadd.s32 $0x6F, v0;
	v32 =	vadd.f32 v42, v32;
	v42 =	vld.idx.msk [tilespmem:v46+s10+$0x0], $0xffff  }
0x1ea: {  	v49 =	vor.u32 v52, v27;
	v36 =	vmul.f32 v59, v59;
	v59 =	vsub.f32 v53, v44;
	v44 =	vld.idx.msk [tilespmem:v50+s2+$0x0], $0xffff  }
0x1eb: {  	v38 =	vsub.f32 v39, v38;
	v30 =	vadd.f32 v54, v30;
	v39 =	vld.idx.msk [tilespmem:v50+s9+$0x0], $0xffff  }
0x1ec: {  	v54 =	vor.u32 $0x70, v0;
	v33 =	vadd.f32 v36, v33;
	v36 =	vadd.f32 $9.999999970e-07, v47;
	v47 =	vld.idx.msk [tilespmem:v50+s10+$0x0], $0xffff  }
0x1ed: {  	v46 =	vor.u32 v54, v27;
	v59 =	vmul.f32 v59, v59;
	v50 =	vcombine.low v20, v51;
	v20 =	vld [tilespmem:$0x1FE30]  }
0x1ee: {  	v26 =	vld [tilespmem:$0x1FE00];
	v37 =	vsub.f32 v53, v37  }
0x1ef: {  	v43 =	vld.idx.msk [tilespmem:v49+s2+$0x0], $0xffff;
	v31 =	vadd.f32 v59, v31;
	v59 =	vadd.f32 $9.999999970e-07, v44  }
0x1f0: {  	v38 =	vmul.f32 v38, v38;
	v53 =	vsel vm0, v7, v45;
	v37 =	vmul.f32 v37, v37;
	v52 =	vld.idx.msk [tilespmem:v49+s9+$0x0], $0xffff  }
0x1f1: {  	v41 =	vsub.f32 v36, v41;
	v50 =	vor.u32 v50, v27;
	v44 =	vld.idx.msk [tilespmem:v49+s10+$0x0], $0xffff;
	v39 =	vsub.f32 v59, v39  }
0x1f2: {  	v35 =	vadd.f32 v38, v35;
	v36 =	vsub.f32 v36, v42;
	v42 =	vld.idx.msk [tilespmem:v46+s9+$0x0], $0xffff;
	v54 =	vcombine.low v20, v53  }
0x1f3: {  	v28 =	vadd.f32 v37, v28;
	v37 =	vmul.f32 v41, v41;
	v41 =	vld.idx.msk [tilespmem:v46+s2+$0x0], $0xffff;
	v48 =	vmul.f32 v39, v39  }
0x1f4: {  	v46 =	vld.idx.msk [tilespmem:v46+s10+$0x0], $0xffff;
	v38 =	vsub.f32 v59, v47;
	v43 =	vadd.f32 $9.999999970e-07, v43;
	v49 =	vor.u32 v54, v27  }
0x1f5: {  	v54 =	vsel vm0, v22, v19;
	v30 =	vadd.f32 v48, v30;
	v48 =	vsel vm0, v18, v26;
	v26 =	vld [tilespmem:$0x1FE60]  }
0x1f6: {  	v36 =	vmul.f32 v36, v36;
	v39 =	vld.idx.msk [tilespmem:v50+s2+$0x0], $0xffff;
	v52 =	vsub.f32 v43, v52;
	v59 =	vcombine.low v21, v54  }
0x1f7: {  	v20 =	vmov v6;
	v6 =	vmov v55;
	v38 =	vmul.f32 v38, v38;
	v55 =	vld.idx.msk [tilespmem:v50+s9+$0x0], $0xffff  }
0x1f8: {  	v29 =	vadd.f32 v36, v29;
	v36 =	vld.idx.msk [tilespmem:v50+s10+$0x0], $0xffff;
	v47 =	vor.u32 v59, v27;
	v59 =	vmul.f32 v52, v52  }
0x1f9: {  	v32 =	vadd.f32 v38, v32;
	v38 =	vsub.f32 v43, v44;
	v43 =	vld.idx.msk [tilespmem:v49+s2+$0x0], $0xffff  }
0x1fa: {  	v34 =	vadd.f32 v37, v34;
	v44 =	vld.idx.msk [tilespmem:v49+s9+$0x0], $0xffff;
	v33 =	vadd.f32 v59, v33;
	v59 =	vcombine.low v48, v26  }
0x1fb: {  	v41 =	vadd.f32 $9.999999970e-07, v41;
	v37 =	vadd.f32 $9.999999970e-07, v39;
	v39 =	vld.idx.msk [tilespmem:v49+s10+$0x0], $0xffff  }
0x1fc: {  	v50 =	vor.u32 v25, v27;
	v49 =	vor.u32 v59, v27;
	v59 =	vld [tilespmem:$0x1FE20]  }
0x1fd: {  	v42 =	vsub.f32 v41, v42  }
0x1fe: {  	v38 =	vmul.f32 v38, v38;
	v41 =	vsub.f32 v41, v46;
	v36 =	vsub.f32 v37, v36;
	v46 =	vld.idx.msk [tilespmem:v47+s2+$0x0], $0xffff  }
0x1ff: {  	v26 =	vmovc v14;
	v14 =	vmovc v13;
	v13 =	vmov v9;
	v9 =	vmov v25;
	v25 =	vmov v22  }
0x200: {  	v35 =	vadd.f32 v38, v35;
	v38 =	vmul.f32 v42, v42;
	v42 =	vld.idx.msk [tilespmem:v47+s10+$0x0], $0xffff;
	v36 =	vmul.f32 v36, v36  }
0x201: {  	v22 =	vmovc v21;
	v21 =	vmovc v7;
	v7 =	vmov v56;
	v56 =	vld.idx.msk [tilespmem:v50+s9+$0x0], $0xffff;
	v43 =	vadd.f32 $9.999999970e-07, v43;
	v48 =	vsel vm0, v45, v59  }
0x202: {  	v52 =	vsub.f32 v37, v55;
	v37 =	vld.idx.msk [tilespmem:v50+s2+$0x0], $0xffff;
	v29 =	vadd.f32 v36, v29;
	v48 =	vcombine.low v48, v8  }
0x203: {  	v55 =	vld.idx.msk [tilespmem:v47+s9+$0x0], $0xffff;
	v36 =	vsub.f32 v43, v39;
	v46 =	vadd.f32 $9.999999970e-07, v46  }
0x204: {  	v31 =	vadd.f32 v38, v31;
	v38 =	vld.idx.msk [tilespmem:v50+s10+$0x0], $0xffff  }
0x205: {  	v50 =	vld.idx.msk [tilespmem:v49+s2+$0x0], $0xffff;
	v36 =	vmul.f32 v36, v36;
	v42 =	vsub.f32 v46, v42;
	v47 =	vor.u32 v48, v27  }
0x206: {  	v48 =	vmovc v45;
	v45 =	vmovc v18;
	v18 =	vmov v15;
	v15 =	vmov v8;
	v8 =	vmov v57;
	v57 =	vld [tilespmem:$0x1FE40]  }
0x207: {  	v41 =	vmul.f32 v41, v41;
	v52 =	vmul.f32 v52, v52;
	v44 =	vsub.f32 v43, v44;
	v59 =	vld [tilespmem:$0x1FEB0]  }
0x208: {  	v37 =	vadd.f32 $9.999999970e-07, v37;
	v32 =	vadd.f32 v36, v32;
	v36 =	vmul.f32 v42, v42  }
0x209: {  	v28 =	vadd.f32 v41, v28;
	v34 =	vadd.f32 v52, v34;
	v52 =	vld.idx.msk [tilespmem:v49+s9+$0x0], $0xffff  }
0x20a: {  	v44 =	vmul.f32 v44, v44;
	v56 =	vsub.f32 v37, v56;
	v35 =	vadd.f32 v36, v35  }
0x20b: {  	v39 =	vld.idx.msk [tilespmem:v49+s10+$0x0], $0xffff;
	v36 =	vadd.f32 $9.999999970e-07, v50;
	v50 =	vcombine.low v53, v26;
	v57 =	vsel vm0, v19, v57  }
0x20c: {  	v30 =	vadd.f32 v44, v30;
	v44 =	vmul.f32 v56, v56;
	v41 =	vcombine.low v57, v59;
	v57 =	vld [tilespmem:$0x1FE70]  }
0x20d: {  	v50 =	vor.u32 v50, v27;
	v59 =	vld [tilespmem:$0x1FE50]  }
0x20e: {  	v49 =	vld [tilespmem:$0x1FEC0];
	v31 =	vadd.f32 v44, v31;
	v44 =	vsub.f32 v36, v52;
	_ =	sdelay $0x1  }
0x20f: {  	v44 =	vmul.f32 v44, v44  }
0x210: {  	v41 =	vor.u32 v41, v27  }
0x211: {  	v34 =	vadd.f32 v44, v34;
	v44 =	vld.idx.msk [tilespmem:v50+s2+$0x0], $0xffff;
	v57 =	vsel vm0, v57, v59  }
0x212: {  	v59 =	vsub.f32 v46, v55;
	v55 =	vld.idx.msk [tilespmem:v47+s2+$0x0], $0xffff;
	v43 =	vcombine.low v57, v49  }
0x213: {  	v46 =	vld.idx.msk [tilespmem:v47+s9+$0x0], $0xffff  }
0x214: {  	v47 =	vld.idx.msk [tilespmem:v47+s10+$0x0], $0xffff;
	v49 =	vmul.f32 v59, v59;
	v43 =	vor.u32 v43, v27  }
0x215: {  	v42 =	vld.idx.msk [tilespmem:v41+s2+$0x0], $0xffff;
	v57 =	vmov v8;
	v8 =	vmov v15;
	v15 =	vmov v18  }
0x216: {  	v18 =	vmov v45;
	v51 =	vcombine.low v51, v15;
	v33 =	vadd.f32 v49, v33;
	v49 =	vld.idx.msk [tilespmem:v41+s9+$0x0], $0xffff  }
0x217: {  	v45 =	vmovc v48;
	v48 =	vcombine.low v54, v20;
	v59 =	vadd.f32 $9.999999970e-07, v55;
	v55 =	vmovc v6;
	v6 =	vmov v20;
	v20 =	vld [tilespmem:$0x1FE90]  }
0x218: {  	v41 =	vld.idx.msk [tilespmem:v41+s10+$0x0], $0xffff;
	v51 =	vor.u32 v51, v27  }
0x219: {  	v37 =	vsub.f32 v37, v38;
	v38 =	vld.idx.msk [tilespmem:v43+s2+$0x0], $0xffff  }
0x21a: {  	v47 =	vsub.f32 v59, v47;
	v53 =	vld.idx.msk [tilespmem:v43+s9+$0x0], $0xffff  }
0x21b: {  	v37 =	vmul.f32 v37, v37;
	v36 =	vsub.f32 v36, v39;
	v46 =	vsub.f32 v59, v46;
	v39 =	vld.idx.msk [tilespmem:v43+s10+$0x0], $0xffff  }
0x21c: {  	v42 =	vadd.f32 $9.999999970e-07, v42;
	v59 =	vmul.f32 v47, v47;
	v47 =	vor.u32 v20, v27;
	v20 =	vld [tilespmem:$0x1FEA0]  }
0x21d: {  	v28 =	vadd.f32 v37, v28;
	v43 =	vor.u32 v48, v27;
	v54 =	vld.idx.msk [tilespmem:v51+s2+$0x0], $0xffff  }
0x21e: {  	v36 =	vmul.f32 v36, v36;
	v37 =	vmul.f32 v46, v46;
	v46 =	vsub.f32 v42, v49;
	v52 =	vld.idx.msk [tilespmem:v51+s9+$0x0], $0xffff  }
0x21f: {  	v49 =	vld.idx.msk [tilespmem:v51+s10+$0x0], $0xffff  }
0x220: {  	v29 =	vadd.f32 v36, v29;
	v44 =	vadd.f32 $9.999999970e-07, v44;
	v48 =	vmul.f32 v46, v46;
	v46 =	vld.idx.msk [tilespmem:v50+s9+$0x0], $0xffff  }
0x221: {  	v56 =	vmov v7;
	v30 =	vadd.f32 v37, v30;
	v51 =	vsub.f32 v42, v41;
	v41 =	vld.idx.msk [tilespmem:v50+s10+$0x0], $0xffff  }
0x222: {  	v7 =	vmovc v21;
	v21 =	vmovc v22;
	v22 =	vmov v25;
	v32 =	vadd.f32 v59, v32;
	v59 =	vadd.f32 $9.999999970e-07, v38;
	v38 =	vld.idx.msk [tilespmem:v43+s2+$0x0], $0xffff  }
0x223: {  	v33 =	vadd.f32 v48, v33;
	v36 =	vmul.f32 v51, v51;
	v50 =	vld.idx.msk [tilespmem:v43+s9+$0x0], $0xffff;
	v51 =	vor.u32 v20, v27  }
0x224: {  	v25 =	vmovc v9;
	v9 =	vmov v13;
	v53 =	vsub.f32 v59, v53;
	v37 =	vsub.f32 v59, v39;
	v39 =	vld.idx.msk [tilespmem:v43+s10+$0x0], $0xffff  }
0x225: {  	v13 =	vmovc v14;
	v35 =	vadd.f32 v36, v35;
	v43 =	vld.idx.msk [tilespmem:v47+s2+$0x0], $0xffff;
	v42 =	vadd.f32 $9.999999970e-07, v54;
	v54 =	vor.u32 v9, v27  }
0x226: {  	v41 =	vsub.f32 v44, v41;
	v48 =	vmul.f32 v53, v53;
	v37 =	vmul.f32 v37, v37;
	v53 =	vld.idx.msk [tilespmem:v47+s9+$0x0], $0xffff  }
0x227: {  	v27 =	vor.u32 v13, v27;
	v47 =	vld.idx.msk [tilespmem:v47+s10+$0x0], $0xffff;
	v59 =	vsub.f32 v42, v52;
	v42 =	vsub.f32 v42, v49  }
0x228: {  	v52 =	vsub.f32 v44, v46;
	v41 =	vmul.f32 v41, v41;
	v28 =	vadd.f32 v37, v28;
	v37 =	vld.idx.msk [tilespmem:v51+s2+$0x0], $0xffff  }
0x229: {  	v38 =	vadd.f32 $9.999999970e-07, v38;
	v36 =	vmul.f32 v59, v59;
	v59 =	vmul.f32 v42, v42;
	v46 =	vld.idx.msk [tilespmem:v51+s9+$0x0], $0xffff  }
0x22a: {  	v31 =	vadd.f32 v48, v31;
	v44 =	vld.idx.msk [tilespmem:v51+s10+$0x0], $0xffff;
	v42 =	vadd.f32 $9.999999970e-07, v43  }
0x22b: {  	v32 =	vadd.f32 v41, v32;
	v43 =	vld.idx.msk [tilespmem:v54+s2+$0x0], $0xffff;
	v29 =	vadd.f32 v59, v29  }
0x22c: {  	v49 =	vld.idx.msk [tilespmem:v54+s10+$0x0], $0xffff;
	v59 =	vmul.f32 v52, v52;
	v52 =	vsub.f32 v38, v50;
	v38 =	vsub.f32 v38, v39  }
0x22d: {  	v34 =	vadd.f32 v36, v34;
	v36 =	vsub.f32 v42, v53;
	v50 =	vld.idx.msk [tilespmem:v27+s2+$0x0], $0xffff  }
0x22e: {  	v39 =	vld.idx.msk [tilespmem:v54+s9+$0x0], $0xffff;
	v30 =	vadd.f32 v59, v30;
	v59 =	vmul.f32 v52, v52;
	v38 =	vmul.f32 v38, v38  }
0x22f: {  	v42 =	vsub.f32 v42, v47;
	v47 =	vld.idx.msk [tilespmem:v27+s9+$0x0], $0xffff;
	v36 =	vmul.f32 v36, v36;
	v37 =	vadd.f32 $9.999999970e-07, v37  }
0x230: {  	v27 =	vld.idx.msk [tilespmem:v27+s10+$0x0], $0xffff;
	v33 =	vadd.f32 v59, v33;
	v35 =	vadd.f32 v38, v35  }
0x231: {  	v53 =	vmul.f32 v42, v42;
	v31 =	vadd.f32 v36, v31;
	v59 =	vsub.f32 v37, v46  }
0x232: {  	v46 =	vadd.f32 $9.999999970e-07, v43;
	v50 =	vadd.f32 $9.999999970e-07, v50  }
0x233: {  	v28 =	vadd.f32 v53, v28;
	v51 =	vsub.f32 v37, v44  }
0x234: {  	v52 =	vmul.f32 v59, v59;
	v53 =	vsub.f32 v46, v39;
	v59 =	vsub.f32 v50, v47  }
0x235: {  	v41 =	vsub.f32 v46, v49;
	v27 =	vsub.f32 v50, v27;
	v36 =	vmul.f32 v51, v51  }
0x236: {  	v34 =	vadd.f32 v52, v34;
	v42 =	vmul.f32 v53, v53;
	v43 =	vmul.f32 v59, v59  }
0x237: {  	v29 =	vadd.f32 v36, v29;
	v44 =	vmul.f32 v41, v41;
	v27 =	vmul.f32 v27, v27  }
0x238: {  	v30 =	vadd.f32 v42, v30;
	v33 =	vadd.f32 v43, v33  }
0x239: {  	v32 =	vadd.f32 v44, v32;
	v27 =	vadd.f32 v27, v35  }
0x23a: {  	v31 =	vadd.f32 v34, v31;
	v30 =	vadd.f32 v33, v30  }
0x23b: {  	v28 =	vadd.f32 v29, v28;
	v27 =	vadd.f32 v27, v32  }
0x23c: {  	v46 =	vadd.f32 v30, v31  }
0x23d: {  	v27 =	vadd.f32 v27, v28  }
0x23e: {  	v47 =	vshra.s32 v46, $0x1  }
0x23f: {  	v30 =	vmul.f32 $5.000000000e-01, v46;
	v49 =	vshra.s32 v27, $0x1;
	v50 =	vmul.f32 $5.000000000e-01, v27  }
0x240: {  	v28 =	vsub.s32 $0x5F3759DF, v47;
	v31 =	vsub.s32 $0x5F3759DF, v49  }
0x241: {  	v51 =	vmul.f32 v28, v30;
	v52 =	vmul.f32 v31, v50;
	_ =	sdelay $0x1  }
0x242: {  	v33 =	vmul.f32 v28, v51;
	v34 =	vmul.f32 v31, v52;
	_ =	sdelay $0x1  }
0x243: {  	v33 =	vsub.f32 $1.500000000e+00, v33;
	v34 =	vsub.f32 $1.500000000e+00, v34;
	_ =	sdelay $0x1  }
0x244: {  	v28 =	vmul.f32 v28, v33;
	v31 =	vmul.f32 v31, v34;
	_ =	sdelay $0x1  }
0x245: {  	v33 =	vmul.f32 v28, v30;
	v34 =	vmul.f32 v31, v50;
	_ =	sdelay $0x1  }
0x246: {  	v33 =	vmul.f32 v33, v28;
	v34 =	vmul.f32 v34, v31;
	_ =	sdelay $0x1  }
0x247: {  	v33 =	vsub.f32 $1.500000000e+00, v33;
	v34 =	vsub.f32 $1.500000000e+00, v34;
	_ =	sdelay $0x1  }
0x248: {  	v28 =	vmul.f32 v33, v28;
	v31 =	vmul.f32 v34, v31;
	_ =	sdelay $0x1  }
0x249: {  	v30 =	vmul.f32 v28, v30;
	v32 =	vmul.f32 v31, v50;
	_ =	sdelay $0x1  }
0x24a: {  	v30 =	vmul.f32 v30, v28;
	v32 =	vmul.f32 v32, v31;
	_ =	sdelay $0x1  }
0x24b: {  	v30 =	vsub.f32 $1.500000000e+00, v30;
	v32 =	vsub.f32 $1.500000000e+00, v32;
	_ =	sdelay $0x1  }
0x24c: {  	v28 =	vmul.f32 v30, v28;
	v53 =	vmul.f32 v32, v31;
	_ =	sdelay $0x1  }
0x24d: {  	v28 =	vmul.f32 v28, v46;
	v30 =	vmul.f32 v53, v27  }
0x24e: {  	vm1 =	vgt.f32 v46, $0.0e+00;
	vm2 =	vgt.f32 v27, $0.0e+00  }
0x24f: {  	v27 =	vnsel vm1, $0x0, v28;
	v59 =	vnsel vm2, $0x0, v30  }
0x250: {  	p0 =	sne.s32 s13, $0x30;
	v27 =	vsub.f32 v27, v59  }
.Ltmp0:
0x251: {  	_ = 	snop;
	(pc) =	sbr.rel @p0 .LBB2_2-.Ltmp0, $4  }
0x252: {  	v27 =	vadd.f32 $1.000000000e+00, v27  }
0x253: {  	v14 =	vmov v26;
	v26 =	vld [tilespmem:$0x1FFC0]  }
0x254: {  	v20 =	vld [tilespmem:$0x1FFB0];
	v27 =	vmax.f32 v27, $0.0e+00  }
0x255: {  	s13 =	sadd.s32 $0x10, s13;
	v48 =	vld [tilespmem:$0x1FFD0];
	v54 =	vmovc v5;
	v5 =	vmov v2;
	v2 =	vmov v3;
	v1 =	vadd.f32 v27, v1  }
0x256: {  	s12 =	sadd.s32 $0x1, s12  }
0x257: {  	p0 =	sne.s32 s12, s7  }
.Ltmp1:
0x258: {  	[tilespmem:$0x6000] =	vst v1;
	(pc) =	sbr.rel @p0 .LBB2_1-.Ltmp1, $4  }
0x259: {  	[hbm4b:s6+s2] =	stream.linear.scatter [tilespmem:s11], [sflag:$0x1], $0x80, $0x38;
	[tilespmem:$0x6080] =	vst v63  }
0x25a: {  	_ =	swait.ge [sflag:s8], $0x80  }
0x25b: {  	[sflag:s8] =	ssyncset.done $0x0  }
0x25c: {  	[sflag:s8] =	ssyncadd.s32 $0xFFFFFF80  }
0x25d: {  	_ =	sfence.sel $0x180000  }
0x25e: {  	[bflag:$0x0] =	sbarrier.arrive $0xFFFF  }
0x25f: {  	p0 =	sne.s32 s1, $0x0;
	_ =	strace $0x90000047  }
0x260: {  	s0 =	sadd.s32 @!p0 $0x100000, s0;
	[bflag:$0x2] =	sbarrier.arrive $0xFFFF  }
0x261: {  	[sflag:s0] =	ssyncadd.tile.s32 @!p0 $0x1;
	_ =	shalt  }
.Lfunc_end2:
_tile_overlayer_lowered:
.L_overlay_start_2:
0x262: {  	(tag) =	ssettag $0x2  }
0x263: {  	s0 =	rddreg [dreg:$0x0];
	s2 =	stileid.u32  }
0x264: {  	s1 =	rddreg [dreg:$0x1];
	p0 =	sne.s32 s2, $0x0  }
0x265: {  	s3 =	rddreg [dreg:$0x2];
	[bflag:$0x3] =	sbarrier.arrive $0xFFFF;
	s2 =	simm.s32 @!p0 $0x1C01  }
0x266: {  	[timem:s3], [sflag:s2] =	dma.local @!p0 [hbm:s0], s1  }
0x267: {  	s0 =	simm.s32 @!p0 $0x1  }
0x268: {  	_ =	swait.ge @!p0 [sflag:s0], s1  }
0x269: {  	s1 =	ssub.s32 @!p0 $0x0, s1;
	[sflag:s0] =	ssyncset.done @!p0 $0x0  }
0x26a: {  	[sflag:s0] =	ssyncadd.s32 @!p0 s1  }
0x26b: {  	[bflag:$0x3] =	sbarrier.arrive $0xFFFF  }
0x26c: {  	_ =	shalt  }

</sc_bundles>
